<compile_context>
chip_gen: v7x
topology: tpu7x:2x2x1
jax: 0.10.2.dev20260603
libtpu: 0.0.44.dev20260713+nightly
codegen_flags: <defaults>
</compile_context>

<pallas_src>
import functools

import jax
import jax.numpy as jnp
from jax import lax
from jax.experimental import pallas as pl
from jax.experimental.pallas import tpu as pltpu
from jax.experimental.pallas import tpu_sc as plsc

VOCAB = 1000000
DIM = 32
BATCH = 16384
L = 16
WAVE = 16

_info = plsc.get_sparse_core_info()
NC, NS = _info.num_cores, _info.num_subcores
NW = NC * NS
BPW = BATCH // NW


def _rsqrt(x):
    i = lax.bitcast_convert_type(x, jnp.int32)
    i = jnp.int32(0x5F3759DF) - lax.shift_right_arithmetic(i, 1)
    y = lax.bitcast_convert_type(i, jnp.float32)
    for _ in range(3):
        y = y * (1.5 - 0.5 * x * y * y)
    return y


@functools.partial(
    pl.kernel,
    mesh=plsc.VectorSubcoreMesh(core_axis_name="c", subcore_axis_name="s"),
    out_type=jax.ShapeDtypeStruct((DIM, BATCH), jnp.float32),
    compiler_params=pltpu.CompilerParams(needs_layout_passes=False),
    scratch_types=[
        pltpu.VMEM((BPW,), jnp.int32),
        pltpu.VMEM((BPW,), jnp.int32),
        pltpu.VMEM((WAVE * DIM, 128), jnp.float32),
        pltpu.VMEM((DIM, BPW), jnp.float32),
        pltpu.VMEM((DIM, L), jnp.float32),
        pltpu.VMEM((DIM, L), jnp.float32),
        pltpu.SemaphoreType.DMA,
    ],
)
def _sc_embed_ln(i0_hbm, i1_hbm, t0t_hbm, t1t_hbm, g_hbm, b_hbm,
                 out_hbm, idx0_v, idx1_v, blk_v,
                 out_v, g_v, b_v, sem):
    wid = lax.axis_index("s") * NC + lax.axis_index("c")
    base = wid * BPW

    pltpu.sync_copy(i0_hbm.at[pl.ds(base, BPW)], idx0_v)
    pltpu.sync_copy(i1_hbm.at[pl.ds(base, BPW)], idx1_v)
    pltpu.sync_copy(g_hbm, g_v)
    pltpu.sync_copy(b_hbm, b_v)

    def make_wave(t_hbm, idx_v, accumulate):
        def wave_body(w, carry):
            iv = idx_v[pl.ds(w * WAVE, L)]
            starts = (iv >> 7) * 128
            copies = []
            for j in range(WAVE):
                start = pl.multiple_of(jnp.squeeze(lax.slice(starts, (j,), (j + 1,))), 128)
                copies.append(pltpu.async_copy(
                    t_hbm.at[:, pl.ds(start, 128)],
                    blk_v.at[pl.ds(j * DIM, DIM), :], sem))
            for c in copies:
                c.wait()
            sl = pl.ds(w * WAVE, L)
            col = iv & 127
            rows0 = lax.iota(jnp.int32, L) * DIM
            for d in range(DIM):
                e = plsc.load_gather(blk_v, [rows0 + d, col])
                if accumulate:
                    out_v[d, sl] = out_v[d, sl] + e
                else:
                    out_v[d, sl] = e
            return carry
        return wave_body

    lax.fori_loop(0, BPW // WAVE, make_wave(t0t_hbm, idx0_v, False), 0)
    lax.fori_loop(0, BPW // WAVE, make_wave(t1t_hbm, idx1_v, True), 0)

    def ln_body(g, carry):
        sl = pl.ds(g * L, L)
        s = jnp.zeros((L,), jnp.float32)
        q = jnp.zeros((L,), jnp.float32)
        for d in range(DIM):
            e = out_v[d, sl]
            s = s + e
            q = q + e * e
        mean = s * (1.0 / DIM)
        var = q * (1.0 / DIM) - mean * mean + 1e-5
        r = _rsqrt(var)
        for d in range(DIM):
            out_v[d, sl] = (out_v[d, sl] - mean) * (r * g_v[d, :]) + b_v[d, :]
        return carry

    lax.fori_loop(0, BPW // L, ln_body, 0)
    pltpu.sync_copy(out_v, out_hbm.at[:, pl.ds(base, BPW)])


def kernel(inputs, T0, T1, gamma, beta):
    gb = jnp.broadcast_to(gamma[:, None], (DIM, L))
    bb = jnp.broadcast_to(beta[:, None], (DIM, L))
    out_t = _sc_embed_ln(inputs[0], inputs[1], T0.T, T1.T, gb, bb)
    return out_t.T

# --- scband reference (transcript-rebuilt; emitter-appended) ---
"""Pipeline reference for scband-composite-embedding-60241211294174 (READ-ONLY COPY).

The authoritative reference and input builder live on the scoring server;
editing this copy changes nothing except your own understanding.
"""

import jax, jax.numpy as jnp
import numpy as np

VOCAB = 1000000
DIM = 32
BATCH = 16384


def setup_inputs(seed: int = 0) -> dict:
    key = jax.random.key(seed)
    k1, k2, k3 = jax.random.split(key, 3)
    inputs = jax.random.randint(k1, (2, BATCH), 0, VOCAB, dtype=jnp.int32)
    T0 = jax.random.normal(k2, (VOCAB, DIM), dtype=jnp.float32) * 0.02
    T1 = jax.random.normal(k3, (VOCAB, DIM), dtype=jnp.float32) * 0.02
    gamma = jnp.ones((DIM,), dtype=jnp.float32)
    beta = jnp.zeros((DIM,), dtype=jnp.float32)
    return {"inputs": inputs, "T0": T0, "T1": T1, "gamma": gamma, "beta": beta}


def reference(inputs, T0, T1, gamma, beta):
    # CompositeEmbedding.forward: sum of per-field embedding lookups,
    # then postprocessor (LayerNorm over embed dim).
    e0 = jnp.take(T0, inputs[0], axis=0)
    e1 = jnp.take(T1, inputs[1], axis=0)
    e = e0 + e1
    mean = jnp.mean(e, axis=-1, keepdims=True)
    var = jnp.mean((e - mean) ** 2, axis=-1, keepdims=True)
    out = (e - mean) / jnp.sqrt(var + 1e-5) * gamma + beta
    return out

if __name__ == "__main__":
    import jax
    _d = setup_inputs()
    print(jax.jit(kernel)(*tuple(_d.values())))

</pallas_src>

<mosaic_0001>
#map = affine_map<(d0, d1) -> (0)>
#map1 = affine_map<(d0, d1) -> (0, 0)>
module attributes {stable_mosaic.version = 14 : i64} {
  func.func @_sc_embed_ln(%arg0: i32, %arg1: i32, %arg2: memref<16384xi32, #tpu.memory_space<hbm>>, %arg3: memref<16384xi32, #tpu.memory_space<hbm>>, %arg4: memref<32x1000000xf32, #tpu.memory_space<hbm>>, %arg5: memref<32x1000000xf32, #tpu.memory_space<hbm>>, %arg6: memref<32x16xf32, #tpu.memory_space<hbm>>, %arg7: memref<32x16xf32, #tpu.memory_space<hbm>>, %arg8: memref<32x16384xf32, #tpu.memory_space<hbm>>, %arg9: memref<512xi32, #tpu.memory_space<vmem>>, %arg10: memref<512xi32, #tpu.memory_space<vmem>>, %arg11: memref<512x128xf32, #tpu.memory_space<vmem>>, %arg12: memref<32x512xf32, #tpu.memory_space<vmem>>, %arg13: memref<32x16xf32, #tpu.memory_space<vmem>>, %arg14: memref<32x16xf32, #tpu.memory_space<vmem>>, %arg15: memref<!tpu.dma_semaphore, #tpu.memory_space<semaphore_mem>>) attributes {dimension_semantics = [#tpu.dimension_semantics<core_parallel>, #tpu.dimension_semantics<subcore_parallel>], iteration_bounds = array<i64: 2, 16>, scalar_prefetch = 0 : i64, scratch_operands = 7 : i64, tpu.core_type = #tpu.core_type<sc_vector_subcore>, window_params = [{transform_indices = #map}, {transform_indices = #map}, {transform_indices = #map1}, {transform_indices = #map1}, {transform_indices = #map1}, {transform_indices = #map1}, {transform_indices = #map1}]} {
    %mul3A = arith.constant 2 : i32
    %mul3A_0 = arith.muli %arg1, %mul3A : i32
    %add3A = arith.addi %mul3A_0, %arg0 : i32
    %mul3A_1 = arith.constant 512 : i32
    %mul3A_2 = arith.muli %add3A, %mul3A_1 : i32
    "tpu.region"() ({
      %run_scoped3A = tpu.sem_alloc : memref<!tpu.dma_semaphore, #tpu.memory_space<semaphore_mem>>
      %dma_start3A = tpu.memref_slice %arg2[%mul3A_2] : memref<16384xi32, #tpu.memory_space<hbm>> -> memref<512xi32, #tpu.memory_space<hbm>>
      %dma_start3A_20 = tpu.memref_slice %arg2[%mul3A_2] : memref<16384xi32, #tpu.memory_space<hbm>> -> memref<512xi32, #tpu.memory_space<hbm>>
      tpu.enqueue_dma source(%dma_start3A_20 : memref<512xi32, #tpu.memory_space<hbm>>) target(%arg9 : memref<512xi32, #tpu.memory_space<vmem>>) target_semaphore(%run_scoped3A : memref<!tpu.dma_semaphore, #tpu.memory_space<semaphore_mem>>)
      %dma_wait3A = tpu.memref_slice %arg2[%mul3A_2] : memref<16384xi32, #tpu.memory_space<hbm>> -> memref<512xi32, #tpu.memory_space<hbm>>
      %dma_wait3A_21 = tpu.memref_slice %arg2[%mul3A_2] : memref<16384xi32, #tpu.memory_space<hbm>> -> memref<512xi32, #tpu.memory_space<hbm>>
      tpu.wait_dma2 semaphore(%run_scoped3A : memref<!tpu.dma_semaphore, #tpu.memory_space<semaphore_mem>>) src(%dma_wait3A_21 : memref<512xi32, #tpu.memory_space<hbm>>) dst(%arg9 : memref<512xi32, #tpu.memory_space<vmem>>)
      tpu.yield
    }) : () -> ()
    "tpu.region"() ({
      %run_scoped3A = tpu.sem_alloc : memref<!tpu.dma_semaphore, #tpu.memory_space<semaphore_mem>>
      %dma_start3A = tpu.memref_slice %arg3[%mul3A_2] : memref<16384xi32, #tpu.memory_space<hbm>> -> memref<512xi32, #tpu.memory_space<hbm>>
      %dma_start3A_20 = tpu.memref_slice %arg3[%mul3A_2] : memref<16384xi32, #tpu.memory_space<hbm>> -> memref<512xi32, #tpu.memory_space<hbm>>
      tpu.enqueue_dma source(%dma_start3A_20 : memref<512xi32, #tpu.memory_space<hbm>>) target(%arg10 : memref<512xi32, #tpu.memory_space<vmem>>) target_semaphore(%run_scoped3A : memref<!tpu.dma_semaphore, #tpu.memory_space<semaphore_mem>>)
      %dma_wait3A = tpu.memref_slice %arg3[%mul3A_2] : memref<16384xi32, #tpu.memory_space<hbm>> -> memref<512xi32, #tpu.memory_space<hbm>>
      %dma_wait3A_21 = tpu.memref_slice %arg3[%mul3A_2] : memref<16384xi32, #tpu.memory_space<hbm>> -> memref<512xi32, #tpu.memory_space<hbm>>
      tpu.wait_dma2 semaphore(%run_scoped3A : memref<!tpu.dma_semaphore, #tpu.memory_space<semaphore_mem>>) src(%dma_wait3A_21 : memref<512xi32, #tpu.memory_space<hbm>>) dst(%arg10 : memref<512xi32, #tpu.memory_space<vmem>>)
      tpu.yield
    }) : () -> ()
    "tpu.region"() ({
      %run_scoped3A = tpu.sem_alloc : memref<!tpu.dma_semaphore, #tpu.memory_space<semaphore_mem>>
      tpu.enqueue_dma source(%arg6 : memref<32x16xf32, #tpu.memory_space<hbm>>) target(%arg13 : memref<32x16xf32, #tpu.memory_space<vmem>>) target_semaphore(%run_scoped3A : memref<!tpu.dma_semaphore, #tpu.memory_space<semaphore_mem>>)
      tpu.wait_dma2 semaphore(%run_scoped3A : memref<!tpu.dma_semaphore, #tpu.memory_space<semaphore_mem>>) src(%arg6 : memref<32x16xf32, #tpu.memory_space<hbm>>) dst(%arg13 : memref<32x16xf32, #tpu.memory_space<vmem>>)
      tpu.yield
    }) : () -> ()
    "tpu.region"() ({
      %run_scoped3A = tpu.sem_alloc : memref<!tpu.dma_semaphore, #tpu.memory_space<semaphore_mem>>
      tpu.enqueue_dma source(%arg7 : memref<32x16xf32, #tpu.memory_space<hbm>>) target(%arg14 : memref<32x16xf32, #tpu.memory_space<vmem>>) target_semaphore(%run_scoped3A : memref<!tpu.dma_semaphore, #tpu.memory_space<semaphore_mem>>)
      tpu.wait_dma2 semaphore(%run_scoped3A : memref<!tpu.dma_semaphore, #tpu.memory_space<semaphore_mem>>) src(%arg7 : memref<32x16xf32, #tpu.memory_space<hbm>>) dst(%arg14 : memref<32x16xf32, #tpu.memory_space<vmem>>)
      tpu.yield
    }) : () -> ()
    %scan3A = arith.constant 0 : i32
    %scan3A_3 = arith.constant 0 : i32
    %scan3A_4 = arith.constant 32 : i32
    %scan3A_5 = arith.addi %scan3A_3, %scan3A_4 : i32
    %scan3A_6 = arith.constant 1 : i32
    scf.for %scan3A_20 = %scan3A_3 to %scan3A_5 step %scan3A_6  : i32 {
      %mul3A_21 = arith.constant 16 : i32
      %mul3A_22 = arith.muli %scan3A_20, %mul3A_21 : i32
      %get3A = arith.index_cast %mul3A_22 : i32 to index
      %get3A_23 = tpu.vector_load %arg9[%get3A] {strides = array<i32>} : memref<512xi32, #tpu.memory_space<vmem>>, vector<16xi32>,
      %shift_right_arithmetic3A = arith.constant 7 : i32
      %shift_right_arithmetic3A_24 = vector.broadcast %shift_right_arithmetic3A : i32 to vector<16xi32>
      %shift_right_arithmetic3A_25 = arith.shrsi %get3A_23, %shift_right_arithmetic3A_24 : vector<16xi32>
      %mul3A_26 = arith.constant 128 : i32
      %mul3A_27 = vector.broadcast %mul3A_26 : i32 to vector<16xi32>
      %mul3A_28 = arith.muli %shift_right_arithmetic3A_25, %mul3A_27 : vector<16xi32>
      %slice3A = vector.extract_strided_slice %mul3A_28 {offsets = [0], sizes = [1], strides = [1]} : vector<16xi32> to vector<1xi32>
      %squeeze3A = vector.extract %slice3A[0] : i32 from vector<1xi32>
      %multiple_of3A = tpu.assume_multiple %squeeze3A, 128 : i32
      %dma_start3A = arith.constant 0 : i32
      %dma_start3A_29 = arith.constant 0 : i32
      %dma_start3A_30 = tpu.memref_slice %arg11[%dma_start3A, %dma_start3A_29] : memref<512x128xf32, #tpu.memory_space<vmem>> -> memref<32x128xf32, #tpu.memory_space<vmem>>
      %dma_start3A_31 = arith.constant 0 : i32
      %dma_start3A_32 = tpu.memref_slice %arg4[%dma_start3A_31, %multiple_of3A] : memref<32x1000000xf32, #tpu.memory_space<hbm>> -> memref<32x128xf32, #tpu.memory_space<hbm>>
      %dma_start3A_33 = arith.constant 0 : i32
      %dma_start3A_34 = arith.constant 0 : i32
      %dma_start3A_35 = tpu.memref_slice %arg11[%dma_start3A_33, %dma_start3A_34] : memref<512x128xf32, #tpu.memory_space<vmem>> -> memref<32x128xf32, #tpu.memory_space<vmem>>
      %dma_start3A_36 = arith.constant 0 : i32
      %dma_start3A_37 = tpu.memref_slice %arg4[%dma_start3A_36, %multiple_of3A] : memref<32x1000000xf32, #tpu.memory_space<hbm>> -> memref<32x128xf32, #tpu.memory_space<hbm>>
      tpu.enqueue_dma source(%dma_start3A_37 : memref<32x128xf32, #tpu.memory_space<hbm>>) target(%dma_start3A_35 : memref<32x128xf32, #tpu.memory_space<vmem>>) target_semaphore(%arg15 : memref<!tpu.dma_semaphore, #tpu.memory_space<semaphore_mem>>)
      %slice3A_38 = vector.extract_strided_slice %mul3A_28 {offsets = [1], sizes = [1], strides = [1]} : vector<16xi32> to vector<1xi32>
      %squeeze3A_39 = vector.extract %slice3A_38[0] : i32 from vector<1xi32>
      %multiple_of3A_40 = tpu.assume_multiple %squeeze3A_39, 128 : i32
      %dma_start3A_41 = arith.constant 32 : i32
      %dma_start3A_42 = arith.constant 0 : i32
      %dma_start3A_43 = tpu.memref_slice %arg11[%dma_start3A_41, %dma_start3A_42] : memref<512x128xf32, #tpu.memory_space<vmem>> -> memref<32x128xf32, #tpu.memory_space<vmem>>
      %dma_start3A_44 = arith.constant 0 : i32
      %dma_start3A_45 = tpu.memref_slice %arg4[%dma_start3A_44, %multiple_of3A_40] : memref<32x1000000xf32, #tpu.memory_space<hbm>> -> memref<32x128xf32, #tpu.memory_space<hbm>>
      %dma_start3A_46 = arith.constant 32 : i32
      %dma_start3A_47 = arith.constant 0 : i32
      %dma_start3A_48 = tpu.memref_slice %arg11[%dma_start3A_46, %dma_start3A_47] : memref<512x128xf32, #tpu.memory_space<vmem>> -> memref<32x128xf32, #tpu.memory_space<vmem>>
      %dma_start3A_49 = arith.constant 0 : i32
      %dma_start3A_50 = tpu.memref_slice %arg4[%dma_start3A_49, %multiple_of3A_40] : memref<32x1000000xf32, #tpu.memory_space<hbm>> -> memref<32x128xf32, #tpu.memory_space<hbm>>
      tpu.enqueue_dma source(%dma_start3A_50 : memref<32x128xf32, #tpu.memory_space<hbm>>) target(%dma_start3A_48 : memref<32x128xf32, #tpu.memory_space<vmem>>) target_semaphore(%arg15 : memref<!tpu.dma_semaphore, #tpu.memory_space<semaphore_mem>>)
      %slice3A_51 = vector.extract_strided_slice %mul3A_28 {offsets = [2], sizes = [1], strides = [1]} : vector<16xi32> to vector<1xi32>
      %squeeze3A_52 = vector.extract %slice3A_51[0] : i32 from vector<1xi32>
      %multiple_of3A_53 = tpu.assume_multiple %squeeze3A_52, 128 : i32
      %dma_start3A_54 = arith.constant 64 : i32
      %dma_start3A_55 = arith.constant 0 : i32
      %dma_start3A_56 = tpu.memref_slice %arg11[%dma_start3A_54, %dma_start3A_55] : memref<512x128xf32, #tpu.memory_space<vmem>> -> memref<32x128xf32, #tpu.memory_space<vmem>>
      %dma_start3A_57 = arith.constant 0 : i32
      %dma_start3A_58 = tpu.memref_slice %arg4[%dma_start3A_57, %multiple_of3A_53] : memref<32x1000000xf32, #tpu.memory_space<hbm>> -> memref<32x128xf32, #tpu.memory_space<hbm>>
      %dma_start3A_59 = arith.constant 64 : i32
      %dma_start3A_60 = arith.constant 0 : i32
      %dma_start3A_61 = tpu.memref_slice %arg11[%dma_start3A_59, %dma_start3A_60] : memref<512x128xf32, #tpu.memory_space<vmem>> -> memref<32x128xf32, #tpu.memory_space<vmem>>
      %dma_start3A_62 = arith.constant 0 : i32
      %dma_start3A_63 = tpu.memref_slice %arg4[%dma_start3A_62, %multiple_of3A_53] : memref<32x1000000xf32, #tpu.memory_space<hbm>> -> memref<32x128xf32, #tpu.memory_space<hbm>>
      tpu.enqueue_dma source(%dma_start3A_63 : memref<32x128xf32, #tpu.memory_space<hbm>>) target(%dma_start3A_61 : memref<32x128xf32, #tpu.memory_space<vmem>>) target_semaphore(%arg15 : memref<!tpu.dma_semaphore, #tpu.memory_space<semaphore_mem>>)
      %slice3A_64 = vector.extract_strided_slice %mul3A_28 {offsets = [3], sizes = [1], strides = [1]} : vector<16xi32> to vector<1xi32>
      %squeeze3A_65 = vector.extract %slice3A_64[0] : i32 from vector<1xi32>
      %multiple_of3A_66 = tpu.assume_multiple %squeeze3A_65, 128 : i32
      %dma_start3A_67 = arith.constant 96 : i32
      %dma_start3A_68 = arith.constant 0 : i32
      %dma_start3A_69 = tpu.memref_slice %arg11[%dma_start3A_67, %dma_start3A_68] : memref<512x128xf32, #tpu.memory_space<vmem>> -> memref<32x128xf32, #tpu.memory_space<vmem>>
      %dma_start3A_70 = arith.constant 0 : i32
      %dma_start3A_71 = tpu.memref_slice %arg4[%dma_start3A_70, %multiple_of3A_66] : memref<32x1000000xf32, #tpu.memory_space<hbm>> -> memref<32x128xf32, #tpu.memory_space<hbm>>
      %dma_start3A_72 = arith.constant 96 : i32
      %dma_start3A_73 = arith.constant 0 : i32
      %dma_start3A_74 = tpu.memref_slice %arg11[%dma_start3A_72, %dma_start3A_73] : memref<512x128xf32, #tpu.memory_space<vmem>> -> memref<32x128xf32, #tpu.memory_space<vmem>>
      %dma_start3A_75 = arith.constant 0 : i32
      %dma_start3A_76 = tpu.memref_slice %arg4[%dma_start3A_75, %multiple_of3A_66] : memref<32x1000000xf32, #tpu.memory_space<hbm>> -> memref<32x128xf32, #tpu.memory_space<hbm>>
      tpu.enqueue_dma source(%dma_start3A_76 : memref<32x128xf32, #tpu.memory_space<hbm>>) target(%dma_start3A_74 : memref<32x128xf32, #tpu.memory_space<vmem>>) target_semaphore(%arg15 : memref<!tpu.dma_semaphore, #tpu.memory_space<semaphore_mem>>)
      %slice3A_77 = vector.extract_strided_slice %mul3A_28 {offsets = [4], sizes = [1], strides = [1]} : vector<16xi32> to vector<1xi32>
      %squeeze3A_78 = vector.extract %slice3A_77[0] : i32 from vector<1xi32>
      %multiple_of3A_79 = tpu.assume_multiple %squeeze3A_78, 128 : i32
      %dma_start3A_80 = arith.constant 128 : i32
      %dma_start3A_81 = arith.constant 0 : i32
      %dma_start3A_82 = tpu.memref_slice %arg11[%dma_start3A_80, %dma_start3A_81] : memref<512x128xf32, #tpu.memory_space<vmem>> -> memref<32x128xf32, #tpu.memory_space<vmem>>
      %dma_start3A_83 = arith.constant 0 : i32
      %dma_start3A_84 = tpu.memref_slice %arg4[%dma_start3A_83, %multiple_of3A_79] : memref<32x1000000xf32, #tpu.memory_space<hbm>> -> memref<32x128xf32, #tpu.memory_space<hbm>>
      %dma_start3A_85 = arith.constant 128 : i32
      %dma_start3A_86 = arith.constant 0 : i32
      %dma_start3A_87 = tpu.memref_slice %arg11[%dma_start3A_85, %dma_start3A_86] : memref<512x128xf32, #tpu.memory_space<vmem>> -> memref<32x128xf32, #tpu.memory_space<vmem>>
      %dma_start3A_88 = arith.constant 0 : i32
      %dma_start3A_89 = tpu.memref_slice %arg4[%dma_start3A_88, %multiple_of3A_79] : memref<32x1000000xf32, #tpu.memory_space<hbm>> -> memref<32x128xf32, #tpu.memory_space<hbm>>
      tpu.enqueue_dma source(%dma_start3A_89 : memref<32x128xf32, #tpu.memory_space<hbm>>) target(%dma_start3A_87 : memref<32x128xf32, #tpu.memory_space<vmem>>) target_semaphore(%arg15 : memref<!tpu.dma_semaphore, #tpu.memory_space<semaphore_mem>>)
      %slice3A_90 = vector.extract_strided_slice %mul3A_28 {offsets = [5], sizes = [1], strides = [1]} : vector<16xi32> to vector<1xi32>
      %squeeze3A_91 = vector.extract %slice3A_90[0] : i32 from vector<1xi32>
      %multiple_of3A_92 = tpu.assume_multiple %squeeze3A_91, 128 : i32
      %dma_start3A_93 = arith.constant 160 : i32
      %dma_start3A_94 = arith.constant 0 : i32
      %dma_start3A_95 = tpu.memref_slice %arg11[%dma_start3A_93, %dma_start3A_94] : memref<512x128xf32, #tpu.memory_space<vmem>> -> memref<32x128xf32, #tpu.memory_space<vmem>>
      %dma_start3A_96 = arith.constant 0 : i32
      %dma_start3A_97 = tpu.memref_slice %arg4[%dma_start3A_96, %multiple_of3A_92] : memref<32x1000000xf32, #tpu.memory_space<hbm>> -> memref<32x128xf32, #tpu.memory_space<hbm>>
      %dma_start3A_98 = arith.constant 160 : i32
      %dma_start3A_99 = arith.constant 0 : i32
      %dma_start3A_100 = tpu.memref_slice %arg11[%dma_start3A_98, %dma_start3A_99] : memref<512x128xf32, #tpu.memory_space<vmem>> -> memref<32x128xf32, #tpu.memory_space<vmem>>
      %dma_start3A_101 = arith.constant 0 : i32
      %dma_start3A_102 = tpu.memref_slice %arg4[%dma_start3A_101, %multiple_of3A_92] : memref<32x1000000xf32, #tpu.memory_space<hbm>> -> memref<32x128xf32, #tpu.memory_space<hbm>>
      tpu.enqueue_dma source(%dma_start3A_102 : memref<32x128xf32, #tpu.memory_space<hbm>>) target(%dma_start3A_100 : memref<32x128xf32, #tpu.memory_space<vmem>>) target_semaphore(%arg15 : memref<!tpu.dma_semaphore, #tpu.memory_space<semaphore_mem>>)
      %slice3A_103 = vector.extract_strided_slice %mul3A_28 {offsets = [6], sizes = [1], strides = [1]} : vector<16xi32> to vector<1xi32>
      %squeeze3A_104 = vector.extract %slice3A_103[0] : i32 from vector<1xi32>
      %multiple_of3A_105 = tpu.assume_multiple %squeeze3A_104, 128 : i32
      %dma_start3A_106 = arith.constant 192 : i32
      %dma_start3A_107 = arith.constant 0 : i32
      %dma_start3A_108 = tpu.memref_slice %arg11[%dma_start3A_106, %dma_start3A_107] : memref<512x128xf32, #tpu.memory_space<vmem>> -> memref<32x128xf32, #tpu.memory_space<vmem>>
      %dma_start3A_109 = arith.constant 0 : i32
      %dma_start3A_110 = tpu.memref_slice %arg4[%dma_start3A_109, %multiple_of3A_105] : memref<32x1000000xf32, #tpu.memory_space<hbm>> -> memref<32x128xf32, #tpu.memory_space<hbm>>
      %dma_start3A_111 = arith.constant 192 : i32
      %dma_start3A_112 = arith.constant 0 : i32
      %dma_start3A_113 = tpu.memref_slice %arg11[%dma_start3A_111, %dma_start3A_112] : memref<512x128xf32, #tpu.memory_space<vmem>> -> memref<32x128xf32, #tpu.memory_space<vmem>>
      %dma_start3A_114 = arith.constant 0 : i32
      %dma_start3A_115 = tpu.memref_slice %arg4[%dma_start3A_114, %multiple_of3A_105] : memref<32x1000000xf32, #tpu.memory_space<hbm>> -> memref<32x128xf32, #tpu.memory_space<hbm>>
      tpu.enqueue_dma source(%dma_start3A_115 : memref<32x128xf32, #tpu.memory_space<hbm>>) target(%dma_start3A_113 : memref<32x128xf32, #tpu.memory_space<vmem>>) target_semaphore(%arg15 : memref<!tpu.dma_semaphore, #tpu.memory_space<semaphore_mem>>)
      %slice3A_116 = vector.extract_strided_slice %mul3A_28 {offsets = [7], sizes = [1], strides = [1]} : vector<16xi32> to vector<1xi32>
      %squeeze3A_117 = vector.extract %slice3A_116[0] : i32 from vector<1xi32>
      %multiple_of3A_118 = tpu.assume_multiple %squeeze3A_117, 128 : i32
      %dma_start3A_119 = arith.constant 224 : i32
      %dma_start3A_120 = arith.constant 0 : i32
      %dma_start3A_121 = tpu.memref_slice %arg11[%dma_start3A_119, %dma_start3A_120] : memref<512x128xf32, #tpu.memory_space<vmem>> -> memref<32x128xf32, #tpu.memory_space<vmem>>
      %dma_start3A_122 = arith.constant 0 : i32
      %dma_start3A_123 = tpu.memref_slice %arg4[%dma_start3A_122, %multiple_of3A_118] : memref<32x1000000xf32, #tpu.memory_space<hbm>> -> memref<32x128xf32, #tpu.memory_space<hbm>>
      %dma_start3A_124 = arith.constant 224 : i32
      %dma_start3A_125 = arith.constant 0 : i32
      %dma_start3A_126 = tpu.memref_slice %arg11[%dma_start3A_124, %dma_start3A_125] : memref<512x128xf32, #tpu.memory_space<vmem>> -> memref<32x128xf32, #tpu.memory_space<vmem>>
      %dma_start3A_127 = arith.constant 0 : i32
      %dma_start3A_128 = tpu.memref_slice %arg4[%dma_start3A_127, %multiple_of3A_118] : memref<32x1000000xf32, #tpu.memory_space<hbm>> -> memref<32x128xf32, #tpu.memory_space<hbm>>
      tpu.enqueue_dma source(%dma_start3A_128 : memref<32x128xf32, #tpu.memory_space<hbm>>) target(%dma_start3A_126 : memref<32x128xf32, #tpu.memory_space<vmem>>) target_semaphore(%arg15 : memref<!tpu.dma_semaphore, #tpu.memory_space<semaphore_mem>>)
      %slice3A_129 = vector.extract_strided_slice %mul3A_28 {offsets = [8], sizes = [1], strides = [1]} : vector<16xi32> to vector<1xi32>
      %squeeze3A_130 = vector.extract %slice3A_129[0] : i32 from vector<1xi32>
      %multiple_of3A_131 = tpu.assume_multiple %squeeze3A_130, 128 : i32
      %dma_start3A_132 = arith.constant 256 : i32
      %dma_start3A_133 = arith.constant 0 : i32
      %dma_start3A_134 = tpu.memref_slice %arg11[%dma_start3A_132, %dma_start3A_133] : memref<512x128xf32, #tpu.memory_space<vmem>> -> memref<32x128xf32, #tpu.memory_space<vmem>>
      %dma_start3A_135 = arith.constant 0 : i32
      %dma_start3A_136 = tpu.memref_slice %arg4[%dma_start3A_135, %multiple_of3A_131] : memref<32x1000000xf32, #tpu.memory_space<hbm>> -> memref<32x128xf32, #tpu.memory_space<hbm>>
      %dma_start3A_137 = arith.constant 256 : i32
      %dma_start3A_138 = arith.constant 0 : i32
      %dma_start3A_139 = tpu.memref_slice %arg11[%dma_start3A_137, %dma_start3A_138] : memref<512x128xf32, #tpu.memory_space<vmem>> -> memref<32x128xf32, #tpu.memory_space<vmem>>
      %dma_start3A_140 = arith.constant 0 : i32
      %dma_start3A_141 = tpu.memref_slice %arg4[%dma_start3A_140, %multiple_of3A_131] : memref<32x1000000xf32, #tpu.memory_space<hbm>> -> memref<32x128xf32, #tpu.memory_space<hbm>>
      tpu.enqueue_dma source(%dma_start3A_141 : memref<32x128xf32, #tpu.memory_space<hbm>>) target(%dma_start3A_139 : memref<32x128xf32, #tpu.memory_space<vmem>>) target_semaphore(%arg15 : memref<!tpu.dma_semaphore, #tpu.memory_space<semaphore_mem>>)
      %slice3A_142 = vector.extract_strided_slice %mul3A_28 {offsets = [9], sizes = [1], strides = [1]} : vector<16xi32> to vector<1xi32>
      %squeeze3A_143 = vector.extract %slice3A_142[0] : i32 from vector<1xi32>
      %multiple_of3A_144 = tpu.assume_multiple %squeeze3A_143, 128 : i32
      %dma_start3A_145 = arith.constant 288 : i32
      %dma_start3A_146 = arith.constant 0 : i32
      %dma_start3A_147 = tpu.memref_slice %arg11[%dma_start3A_145, %dma_start3A_146] : memref<512x128xf32, #tpu.memory_space<vmem>> -> memref<32x128xf32, #tpu.memory_space<vmem>>
      %dma_start3A_148 = arith.constant 0 : i32
      %dma_start3A_149 = tpu.memref_slice %arg4[%dma_start3A_148, %multiple_of3A_144] : memref<32x1000000xf32, #tpu.memory_space<hbm>> -> memref<32x128xf32, #tpu.memory_space<hbm>>
      %dma_start3A_150 = arith.constant 288 : i32
      %dma_start3A_151 = arith.constant 0 : i32
      %dma_start3A_152 = tpu.memref_slice %arg11[%dma_start3A_150, %dma_start3A_151] : memref<512x128xf32, #tpu.memory_space<vmem>> -> memref<32x128xf32, #tpu.memory_space<vmem>>
      %dma_start3A_153 = arith.constant 0 : i32
      %dma_start3A_154 = tpu.memref_slice %arg4[%dma_start3A_153, %multiple_of3A_144] : memref<32x1000000xf32, #tpu.memory_space<hbm>> -> memref<32x128xf32, #tpu.memory_space<hbm>>
      tpu.enqueue_dma source(%dma_start3A_154 : memref<32x128xf32, #tpu.memory_space<hbm>>) target(%dma_start3A_152 : memref<32x128xf32, #tpu.memory_space<vmem>>) target_semaphore(%arg15 : memref<!tpu.dma_semaphore, #tpu.memory_space<semaphore_mem>>)
      %slice3A_155 = vector.extract_strided_slice %mul3A_28 {offsets = [10], sizes = [1], strides = [1]} : vector<16xi32> to vector<1xi32>
      %squeeze3A_156 = vector.extract %slice3A_155[0] : i32 from vector<1xi32>
      %multiple_of3A_157 = tpu.assume_multiple %squeeze3A_156, 128 : i32
      %dma_start3A_158 = arith.constant 320 : i32
      %dma_start3A_159 = arith.constant 0 : i32
      %dma_start3A_160 = tpu.memref_slice %arg11[%dma_start3A_158, %dma_start3A_159] : memref<512x128xf32, #tpu.memory_space<vmem>> -> memref<32x128xf32, #tpu.memory_space<vmem>>
      %dma_start3A_161 = arith.constant 0 : i32
      %dma_start3A_162 = tpu.memref_slice %arg4[%dma_start3A_161, %multiple_of3A_157] : memref<32x1000000xf32, #tpu.memory_space<hbm>> -> memref<32x128xf32, #tpu.memory_space<hbm>>
      %dma_start3A_163 = arith.constant 320 : i32
      %dma_start3A_164 = arith.constant 0 : i32
      %dma_start3A_165 = tpu.memref_slice %arg11[%dma_start3A_163, %dma_start3A_164] : memref<512x128xf32, #tpu.memory_space<vmem>> -> memref<32x128xf32, #tpu.memory_space<vmem>>
      %dma_start3A_166 = arith.constant 0 : i32
      %dma_start3A_167 = tpu.memref_slice %arg4[%dma_start3A_166, %multiple_of3A_157] : memref<32x1000000xf32, #tpu.memory_space<hbm>> -> memref<32x128xf32, #tpu.memory_space<hbm>>
      tpu.enqueue_dma source(%dma_start3A_167 : memref<32x128xf32, #tpu.memory_space<hbm>>) target(%dma_start3A_165 : memref<32x128xf32, #tpu.memory_space<vmem>>) target_semaphore(%arg15 : memref<!tpu.dma_semaphore, #tpu.memory_space<semaphore_mem>>)
      %slice3A_168 = vector.extract_strided_slice %mul3A_28 {offsets = [11], sizes = [1], strides = [1]} : vector<16xi32> to vector<1xi32>
      %squeeze3A_169 = vector.extract %slice3A_168[0] : i32 from vector<1xi32>
      %multiple_of3A_170 = tpu.assume_multiple %squeeze3A_169, 128 : i32
      %dma_start3A_171 = arith.constant 352 : i32
      %dma_start3A_172 = arith.constant 0 : i32
      %dma_start3A_173 = tpu.memref_slice %arg11[%dma_start3A_171, %dma_start3A_172] : memref<512x128xf32, #tpu.memory_space<vmem>> -> memref<32x128xf32, #tpu.memory_space<vmem>>
      %dma_start3A_174 = arith.constant 0 : i32
      %dma_start3A_175 = tpu.memref_slice %arg4[%dma_start3A_174, %multiple_of3A_170] : memref<32x1000000xf32, #tpu.memory_space<hbm>> -> memref<32x128xf32, #tpu.memory_space<hbm>>
      %dma_start3A_176 = arith.constant 352 : i32
      %dma_start3A_177 = arith.constant 0 : i32
      %dma_start3A_178 = tpu.memref_slice %arg11[%dma_start3A_176, %dma_start3A_177] : memref<512x128xf32, #tpu.memory_space<vmem>> -> memref<32x128xf32, #tpu.memory_space<vmem>>
      %dma_start3A_179 = arith.constant 0 : i32
      %dma_start3A_180 = tpu.memref_slice %arg4[%dma_start3A_179, %multiple_of3A_170] : memref<32x1000000xf32, #tpu.memory_space<hbm>> -> memref<32x128xf32, #tpu.memory_space<hbm>>
      tpu.enqueue_dma source(%dma_start3A_180 : memref<32x128xf32, #tpu.memory_space<hbm>>) target(%dma_start3A_178 : memref<32x128xf32, #tpu.memory_space<vmem>>) target_semaphore(%arg15 : memref<!tpu.dma_semaphore, #tpu.memory_space<semaphore_mem>>)
      %slice3A_181 = vector.extract_strided_slice %mul3A_28 {offsets = [12], sizes = [1], strides = [1]} : vector<16xi32> to vector<1xi32>
      %squeeze3A_182 = vector.extract %slice3A_181[0] : i32 from vector<1xi32>
      %multiple_of3A_183 = tpu.assume_multiple %squeeze3A_182, 128 : i32
      %dma_start3A_184 = arith.constant 384 : i32
      %dma_start3A_185 = arith.constant 0 : i32
      %dma_start3A_186 = tpu.memref_slice %arg11[%dma_start3A_184, %dma_start3A_185] : memref<512x128xf32, #tpu.memory_space<vmem>> -> memref<32x128xf32, #tpu.memory_space<vmem>>
      %dma_start3A_187 = arith.constant 0 : i32
      %dma_start3A_188 = tpu.memref_slice %arg4[%dma_start3A_187, %multiple_of3A_183] : memref<32x1000000xf32, #tpu.memory_space<hbm>> -> memref<32x128xf32, #tpu.memory_space<hbm>>
      %dma_start3A_189 = arith.constant 384 : i32
      %dma_start3A_190 = arith.constant 0 : i32
      %dma_start3A_191 = tpu.memref_slice %arg11[%dma_start3A_189, %dma_start3A_190] : memref<512x128xf32, #tpu.memory_space<vmem>> -> memref<32x128xf32, #tpu.memory_space<vmem>>
      %dma_start3A_192 = arith.constant 0 : i32
      %dma_start3A_193 = tpu.memref_slice %arg4[%dma_start3A_192, %multiple_of3A_183] : memref<32x1000000xf32, #tpu.memory_space<hbm>> -> memref<32x128xf32, #tpu.memory_space<hbm>>
      tpu.enqueue_dma source(%dma_start3A_193 : memref<32x128xf32, #tpu.memory_space<hbm>>) target(%dma_start3A_191 : memref<32x128xf32, #tpu.memory_space<vmem>>) target_semaphore(%arg15 : memref<!tpu.dma_semaphore, #tpu.memory_space<semaphore_mem>>)
      %slice3A_194 = vector.extract_strided_slice %mul3A_28 {offsets = [13], sizes = [1], strides = [1]} : vector<16xi32> to vector<1xi32>
      %squeeze3A_195 = vector.extract %slice3A_194[0] : i32 from vector<1xi32>
      %multiple_of3A_196 = tpu.assume_multiple %squeeze3A_195, 128 : i32
      %dma_start3A_197 = arith.constant 416 : i32
      %dma_start3A_198 = arith.constant 0 : i32
      %dma_start3A_199 = tpu.memref_slice %arg11[%dma_start3A_197, %dma_start3A_198] : memref<512x128xf32, #tpu.memory_space<vmem>> -> memref<32x128xf32, #tpu.memory_space<vmem>>
      %dma_start3A_200 = arith.constant 0 : i32
      %dma_start3A_201 = tpu.memref_slice %arg4[%dma_start3A_200, %multiple_of3A_196] : memref<32x1000000xf32, #tpu.memory_space<hbm>> -> memref<32x128xf32, #tpu.memory_space<hbm>>
      %dma_start3A_202 = arith.constant 416 : i32
      %dma_start3A_203 = arith.constant 0 : i32
      %dma_start3A_204 = tpu.memref_slice %arg11[%dma_start3A_202, %dma_start3A_203] : memref<512x128xf32, #tpu.memory_space<vmem>> -> memref<32x128xf32, #tpu.memory_space<vmem>>
      %dma_start3A_205 = arith.constant 0 : i32
      %dma_start3A_206 = tpu.memref_slice %arg4[%dma_start3A_205, %multiple_of3A_196] : memref<32x1000000xf32, #tpu.memory_space<hbm>> -> memref<32x128xf32, #tpu.memory_space<hbm>>
      tpu.enqueue_dma source(%dma_start3A_206 : memref<32x128xf32, #tpu.memory_space<hbm>>) target(%dma_start3A_204 : memref<32x128xf32, #tpu.memory_space<vmem>>) target_semaphore(%arg15 : memref<!tpu.dma_semaphore, #tpu.memory_space<semaphore_mem>>)
      %slice3A_207 = vector.extract_strided_slice %mul3A_28 {offsets = [14], sizes = [1], strides = [1]} : vector<16xi32> to vector<1xi32>
      %squeeze3A_208 = vector.extract %slice3A_207[0] : i32 from vector<1xi32>
      %multiple_of3A_209 = tpu.assume_multiple %squeeze3A_208, 128 : i32
      %dma_start3A_210 = arith.constant 448 : i32
      %dma_start3A_211 = arith.constant 0 : i32
      %dma_start3A_212 = tpu.memref_slice %arg11[%dma_start3A_210, %dma_start3A_211] : memref<512x128xf32, #tpu.memory_space<vmem>> -> memref<32x128xf32, #tpu.memory_space<vmem>>
      %dma_start3A_213 = arith.constant 0 : i32
      %dma_start3A_214 = tpu.memref_slice %arg4[%dma_start3A_213, %multiple_of3A_209] : memref<32x1000000xf32, #tpu.memory_space<hbm>> -> memref<32x128xf32, #tpu.memory_space<hbm>>
      %dma_start3A_215 = arith.constant 448 : i32
      %dma_start3A_216 = arith.constant 0 : i32
      %dma_start3A_217 = tpu.memref_slice %arg11[%dma_start3A_215, %dma_start3A_216] : memref<512x128xf32, #tpu.memory_space<vmem>> -> memref<32x128xf32, #tpu.memory_space<vmem>>
      %dma_start3A_218 = arith.constant 0 : i32
      %dma_start3A_219 = tpu.memref_slice %arg4[%dma_start3A_218, %multiple_of3A_209] : memref<32x1000000xf32, #tpu.memory_space<hbm>> -> memref<32x128xf32, #tpu.memory_space<hbm>>
      tpu.enqueue_dma source(%dma_start3A_219 : memref<32x128xf32, #tpu.memory_space<hbm>>) target(%dma_start3A_217 : memref<32x128xf32, #tpu.memory_space<vmem>>) target_semaphore(%arg15 : memref<!tpu.dma_semaphore, #tpu.memory_space<semaphore_mem>>)
      %slice3A_220 = vector.extract_strided_slice %mul3A_28 {offsets = [15], sizes = [1], strides = [1]} : vector<16xi32> to vector<1xi32>
      %squeeze3A_221 = vector.extract %slice3A_220[0] : i32 from vector<1xi32>
      %multiple_of3A_222 = tpu.assume_multiple %squeeze3A_221, 128 : i32
      %dma_start3A_223 = arith.constant 480 : i32
      %dma_start3A_224 = arith.constant 0 : i32
      %dma_start3A_225 = tpu.memref_slice %arg11[%dma_start3A_223, %dma_start3A_224] : memref<512x128xf32, #tpu.memory_space<vmem>> -> memref<32x128xf32, #tpu.memory_space<vmem>>
      %dma_start3A_226 = arith.constant 0 : i32
      %dma_start3A_227 = tpu.memref_slice %arg4[%dma_start3A_226, %multiple_of3A_222] : memref<32x1000000xf32, #tpu.memory_space<hbm>> -> memref<32x128xf32, #tpu.memory_space<hbm>>
      %dma_start3A_228 = arith.constant 480 : i32
      %dma_start3A_229 = arith.constant 0 : i32
      %dma_start3A_230 = tpu.memref_slice %arg11[%dma_start3A_228, %dma_start3A_229] : memref<512x128xf32, #tpu.memory_space<vmem>> -> memref<32x128xf32, #tpu.memory_space<vmem>>
      %dma_start3A_231 = arith.constant 0 : i32
      %dma_start3A_232 = tpu.memref_slice %arg4[%dma_start3A_231, %multiple_of3A_222] : memref<32x1000000xf32, #tpu.memory_space<hbm>> -> memref<32x128xf32, #tpu.memory_space<hbm>>
      tpu.enqueue_dma source(%dma_start3A_232 : memref<32x128xf32, #tpu.memory_space<hbm>>) target(%dma_start3A_230 : memref<32x128xf32, #tpu.memory_space<vmem>>) target_semaphore(%arg15 : memref<!tpu.dma_semaphore, #tpu.memory_space<semaphore_mem>>)
      %dma_wait3A = arith.constant 0 : i32
      %dma_wait3A_233 = arith.constant 0 : i32
      %dma_wait3A_234 = tpu.memref_slice %arg11[%dma_wait3A, %dma_wait3A_233] : memref<512x128xf32, #tpu.memory_space<vmem>> -> memref<32x128xf32, #tpu.memory_space<vmem>>
      %dma_wait3A_235 = arith.constant 0 : i32
      %dma_wait3A_236 = tpu.memref_slice %arg4[%dma_wait3A_235, %multiple_of3A] : memref<32x1000000xf32, #tpu.memory_space<hbm>> -> memref<32x128xf32, #tpu.memory_space<hbm>>
      %dma_wait3A_237 = arith.constant 0 : i32
      %dma_wait3A_238 = arith.constant 0 : i32
      %dma_wait3A_239 = tpu.memref_slice %arg11[%dma_wait3A_237, %dma_wait3A_238] : memref<512x128xf32, #tpu.memory_space<vmem>> -> memref<32x128xf32, #tpu.memory_space<vmem>>
      %dma_wait3A_240 = arith.constant 0 : i32
      %dma_wait3A_241 = tpu.memref_slice %arg4[%dma_wait3A_240, %multiple_of3A] : memref<32x1000000xf32, #tpu.memory_space<hbm>> -> memref<32x128xf32, #tpu.memory_space<hbm>>
      tpu.wait_dma2 semaphore(%arg15 : memref<!tpu.dma_semaphore, #tpu.memory_space<semaphore_mem>>) src(%dma_wait3A_241 : memref<32x128xf32, #tpu.memory_space<hbm>>) dst(%dma_wait3A_239 : memref<32x128xf32, #tpu.memory_space<vmem>>)
      %dma_wait3A_242 = arith.constant 32 : i32
      %dma_wait3A_243 = arith.constant 0 : i32
      %dma_wait3A_244 = tpu.memref_slice %arg11[%dma_wait3A_242, %dma_wait3A_243] : memref<512x128xf32, #tpu.memory_space<vmem>> -> memref<32x128xf32, #tpu.memory_space<vmem>>
      %dma_wait3A_245 = arith.constant 0 : i32
      %dma_wait3A_246 = tpu.memref_slice %arg4[%dma_wait3A_245, %multiple_of3A_40] : memref<32x1000000xf32, #tpu.memory_space<hbm>> -> memref<32x128xf32, #tpu.memory_space<hbm>>
      %dma_wait3A_247 = arith.constant 32 : i32
      %dma_wait3A_248 = arith.constant 0 : i32
      %dma_wait3A_249 = tpu.memref_slice %arg11[%dma_wait3A_247, %dma_wait3A_248] : memref<512x128xf32, #tpu.memory_space<vmem>> -> memref<32x128xf32, #tpu.memory_space<vmem>>
      %dma_wait3A_250 = arith.constant 0 : i32
      %dma_wait3A_251 = tpu.memref_slice %arg4[%dma_wait3A_250, %multiple_of3A_40] : memref<32x1000000xf32, #tpu.memory_space<hbm>> -> memref<32x128xf32, #tpu.memory_space<hbm>>
      tpu.wait_dma2 semaphore(%arg15 : memref<!tpu.dma_semaphore, #tpu.memory_space<semaphore_mem>>) src(%dma_wait3A_251 : memref<32x128xf32, #tpu.memory_space<hbm>>) dst(%dma_wait3A_249 : memref<32x128xf32, #tpu.memory_space<vmem>>)
      %dma_wait3A_252 = arith.constant 64 : i32
      %dma_wait3A_253 = arith.constant 0 : i32
      %dma_wait3A_254 = tpu.memref_slice %arg11[%dma_wait3A_252, %dma_wait3A_253] : memref<512x128xf32, #tpu.memory_space<vmem>> -> memref<32x128xf32, #tpu.memory_space<vmem>>
      %dma_wait3A_255 = arith.constant 0 : i32
      %dma_wait3A_256 = tpu.memref_slice %arg4[%dma_wait3A_255, %multiple_of3A_53] : memref<32x1000000xf32, #tpu.memory_space<hbm>> -> memref<32x128xf32, #tpu.memory_space<hbm>>
      %dma_wait3A_257 = arith.constant 64 : i32
      %dma_wait3A_258 = arith.constant 0 : i32
      %dma_wait3A_259 = tpu.memref_slice %arg11[%dma_wait3A_257, %dma_wait3A_258] : memref<512x128xf32, #tpu.memory_space<vmem>> -> memref<32x128xf32, #tpu.memory_space<vmem>>
      %dma_wait3A_260 = arith.constant 0 : i32
      %dma_wait3A_261 = tpu.memref_slice %arg4[%dma_wait3A_260, %multiple_of3A_53] : memref<32x1000000xf32, #tpu.memory_space<hbm>> -> memref<32x128xf32, #tpu.memory_space<hbm>>
      tpu.wait_dma2 semaphore(%arg15 : memref<!tpu.dma_semaphore, #tpu.memory_space<semaphore_mem>>) src(%dma_wait3A_261 : memref<32x128xf32, #tpu.memory_space<hbm>>) dst(%dma_wait3A_259 : memref<32x128xf32, #tpu.memory_space<vmem>>)
      %dma_wait3A_262 = arith.constant 96 : i32
      %dma_wait3A_263 = arith.constant 0 : i32
      %dma_wait3A_264 = tpu.memref_slice %arg11[%dma_wait3A_262, %dma_wait3A_263] : memref<512x128xf32, #tpu.memory_space<vmem>> -> memref<32x128xf32, #tpu.memory_space<vmem>>
      %dma_wait3A_265 = arith.constant 0 : i32
      %dma_wait3A_266 = tpu.memref_slice %arg4[%dma_wait3A_265, %multiple_of3A_66] : memref<32x1000000xf32, #tpu.memory_space<hbm>> -> memref<32x128xf32, #tpu.memory_space<hbm>>
      %dma_wait3A_267 = arith.constant 96 : i32
      %dma_wait3A_268 = arith.constant 0 : i32
      %dma_wait3A_269 = tpu.memref_slice %arg11[%dma_wait3A_267, %dma_wait3A_268] : memref<512x128xf32, #tpu.memory_space<vmem>> -> memref<32x128xf32, #tpu.memory_space<vmem>>
      %dma_wait3A_270 = arith.constant 0 : i32
      %dma_wait3A_271 = tpu.memref_slice %arg4[%dma_wait3A_270, %multiple_of3A_66] : memref<32x1000000xf32, #tpu.memory_space<hbm>> -> memref<32x128xf32, #tpu.memory_space<hbm>>
      tpu.wait_dma2 semaphore(%arg15 : memref<!tpu.dma_semaphore, #tpu.memory_space<semaphore_mem>>) src(%dma_wait3A_271 : memref<32x128xf32, #tpu.memory_space<hbm>>) dst(%dma_wait3A_269 : memref<32x128xf32, #tpu.memory_space<vmem>>)
      %dma_wait3A_272 = arith.constant 128 : i32
      %dma_wait3A_273 = arith.constant 0 : i32
      %dma_wait3A_274 = tpu.memref_slice %arg11[%dma_wait3A_272, %dma_wait3A_273] : memref<512x128xf32, #tpu.memory_space<vmem>> -> memref<32x128xf32, #tpu.memory_space<vmem>>
      %dma_wait3A_275 = arith.constant 0 : i32
      %dma_wait3A_276 = tpu.memref_slice %arg4[%dma_wait3A_275, %multiple_of3A_79] : memref<32x1000000xf32, #tpu.memory_space<hbm>> -> memref<32x128xf32, #tpu.memory_space<hbm>>
      %dma_wait3A_277 = arith.constant 128 : i32
      %dma_wait3A_278 = arith.constant 0 : i32
      %dma_wait3A_279 = tpu.memref_slice %arg11[%dma_wait3A_277, %dma_wait3A_278] : memref<512x128xf32, #tpu.memory_space<vmem>> -> memref<32x128xf32, #tpu.memory_space<vmem>>
      %dma_wait3A_280 = arith.constant 0 : i32
      %dma_wait3A_281 = tpu.memref_slice %arg4[%dma_wait3A_280, %multiple_of3A_79] : memref<32x1000000xf32, #tpu.memory_space<hbm>> -> memref<32x128xf32, #tpu.memory_space<hbm>>
      tpu.wait_dma2 semaphore(%arg15 : memref<!tpu.dma_semaphore, #tpu.memory_space<semaphore_mem>>) src(%dma_wait3A_281 : memref<32x128xf32, #tpu.memory_space<hbm>>) dst(%dma_wait3A_279 : memref<32x128xf32, #tpu.memory_space<vmem>>)
      %dma_wait3A_282 = arith.constant 160 : i32
      %dma_wait3A_283 = arith.constant 0 : i32
      %dma_wait3A_284 = tpu.memref_slice %arg11[%dma_wait3A_282, %dma_wait3A_283] : memref<512x128xf32, #tpu.memory_space<vmem>> -> memref<32x128xf32, #tpu.memory_space<vmem>>
      %dma_wait3A_285 = arith.constant 0 : i32
      %dma_wait3A_286 = tpu.memref_slice %arg4[%dma_wait3A_285, %multiple_of3A_92] : memref<32x1000000xf32, #tpu.memory_space<hbm>> -> memref<32x128xf32, #tpu.memory_space<hbm>>
      %dma_wait3A_287 = arith.constant 160 : i32
      %dma_wait3A_288 = arith.constant 0 : i32
      %dma_wait3A_289 = tpu.memref_slice %arg11[%dma_wait3A_287, %dma_wait3A_288] : memref<512x128xf32, #tpu.memory_space<vmem>> -> memref<32x128xf32, #tpu.memory_space<vmem>>
      %dma_wait3A_290 = arith.constant 0 : i32
      %dma_wait3A_291 = tpu.memref_slice %arg4[%dma_wait3A_290, %multiple_of3A_92] : memref<32x1000000xf32, #tpu.memory_space<hbm>> -> memref<32x128xf32, #tpu.memory_space<hbm>>
      tpu.wait_dma2 semaphore(%arg15 : memref<!tpu.dma_semaphore, #tpu.memory_space<semaphore_mem>>) src(%dma_wait3A_291 : memref<32x128xf32, #tpu.memory_space<hbm>>) dst(%dma_wait3A_289 : memref<32x128xf32, #tpu.memory_space<vmem>>)
      %dma_wait3A_292 = arith.constant 192 : i32
      %dma_wait3A_293 = arith.constant 0 : i32
      %dma_wait3A_294 = tpu.memref_slice %arg11[%dma_wait3A_292, %dma_wait3A_293] : memref<512x128xf32, #tpu.memory_space<vmem>> -> memref<32x128xf32, #tpu.memory_space<vmem>>
      %dma_wait3A_295 = arith.constant 0 : i32
      %dma_wait3A_296 = tpu.memref_slice %arg4[%dma_wait3A_295, %multiple_of3A_105] : memref<32x1000000xf32, #tpu.memory_space<hbm>> -> memref<32x128xf32, #tpu.memory_space<hbm>>
      %dma_wait3A_297 = arith.constant 192 : i32
      %dma_wait3A_298 = arith.constant 0 : i32
      %dma_wait3A_299 = tpu.memref_slice %arg11[%dma_wait3A_297, %dma_wait3A_298] : memref<512x128xf32, #tpu.memory_space<vmem>> -> memref<32x128xf32, #tpu.memory_space<vmem>>
      %dma_wait3A_300 = arith.constant 0 : i32
      %dma_wait3A_301 = tpu.memref_slice %arg4[%dma_wait3A_300, %multiple_of3A_105] : memref<32x1000000xf32, #tpu.memory_space<hbm>> -> memref<32x128xf32, #tpu.memory_space<hbm>>
      tpu.wait_dma2 semaphore(%arg15 : memref<!tpu.dma_semaphore, #tpu.memory_space<semaphore_mem>>) src(%dma_wait3A_301 : memref<32x128xf32, #tpu.memory_space<hbm>>) dst(%dma_wait3A_299 : memref<32x128xf32, #tpu.memory_space<vmem>>)
      %dma_wait3A_302 = arith.constant 224 : i32
      %dma_wait3A_303 = arith.constant 0 : i32
      %dma_wait3A_304 = tpu.memref_slice %arg11[%dma_wait3A_302, %dma_wait3A_303] : memref<512x128xf32, #tpu.memory_space<vmem>> -> memref<32x128xf32, #tpu.memory_space<vmem>>
      %dma_wait3A_305 = arith.constant 0 : i32
      %dma_wait3A_306 = tpu.memref_slice %arg4[%dma_wait3A_305, %multiple_of3A_118] : memref<32x1000000xf32, #tpu.memory_space<hbm>> -> memref<32x128xf32, #tpu.memory_space<hbm>>
      %dma_wait3A_307 = arith.constant 224 : i32
      %dma_wait3A_308 = arith.constant 0 : i32
      %dma_wait3A_309 = tpu.memref_slice %arg11[%dma_wait3A_307, %dma_wait3A_308] : memref<512x128xf32, #tpu.memory_space<vmem>> -> memref<32x128xf32, #tpu.memory_space<vmem>>
      %dma_wait3A_310 = arith.constant 0 : i32
      %dma_wait3A_311 = tpu.memref_slice %arg4[%dma_wait3A_310, %multiple_of3A_118] : memref<32x1000000xf32, #tpu.memory_space<hbm>> -> memref<32x128xf32, #tpu.memory_space<hbm>>
      tpu.wait_dma2 semaphore(%arg15 : memref<!tpu.dma_semaphore, #tpu.memory_space<semaphore_mem>>) src(%dma_wait3A_311 : memref<32x128xf32, #tpu.memory_space<hbm>>) dst(%dma_wait3A_309 : memref<32x128xf32, #tpu.memory_space<vmem>>)
      %dma_wait3A_312 = arith.constant 256 : i32
      %dma_wait3A_313 = arith.constant 0 : i32
      %dma_wait3A_314 = tpu.memref_slice %arg11[%dma_wait3A_312, %dma_wait3A_313] : memref<512x128xf32, #tpu.memory_space<vmem>> -> memref<32x128xf32, #tpu.memory_space<vmem>>
      %dma_wait3A_315 = arith.constant 0 : i32
      %dma_wait3A_316 = tpu.memref_slice %arg4[%dma_wait3A_315, %multiple_of3A_131] : memref<32x1000000xf32, #tpu.memory_space<hbm>> -> memref<32x128xf32, #tpu.memory_space<hbm>>
      %dma_wait3A_317 = arith.constant 256 : i32
      %dma_wait3A_318 = arith.constant 0 : i32
      %dma_wait3A_319 = tpu.memref_slice %arg11[%dma_wait3A_317, %dma_wait3A_318] : memref<512x128xf32, #tpu.memory_space<vmem>> -> memref<32x128xf32, #tpu.memory_space<vmem>>
      %dma_wait3A_320 = arith.constant 0 : i32
      %dma_wait3A_321 = tpu.memref_slice %arg4[%dma_wait3A_320, %multiple_of3A_131] : memref<32x1000000xf32, #tpu.memory_space<hbm>> -> memref<32x128xf32, #tpu.memory_space<hbm>>
      tpu.wait_dma2 semaphore(%arg15 : memref<!tpu.dma_semaphore, #tpu.memory_space<semaphore_mem>>) src(%dma_wait3A_321 : memref<32x128xf32, #tpu.memory_space<hbm>>) dst(%dma_wait3A_319 : memref<32x128xf32, #tpu.memory_space<vmem>>)
      %dma_wait3A_322 = arith.constant 288 : i32
      %dma_wait3A_323 = arith.constant 0 : i32
      %dma_wait3A_324 = tpu.memref_slice %arg11[%dma_wait3A_322, %dma_wait3A_323] : memref<512x128xf32, #tpu.memory_space<vmem>> -> memref<32x128xf32, #tpu.memory_space<vmem>>
      %dma_wait3A_325 = arith.constant 0 : i32
      %dma_wait3A_326 = tpu.memref_slice %arg4[%dma_wait3A_325, %multiple_of3A_144] : memref<32x1000000xf32, #tpu.memory_space<hbm>> -> memref<32x128xf32, #tpu.memory_space<hbm>>
      %dma_wait3A_327 = arith.constant 288 : i32
      %dma_wait3A_328 = arith.constant 0 : i32
      %dma_wait3A_329 = tpu.memref_slice %arg11[%dma_wait3A_327, %dma_wait3A_328] : memref<512x128xf32, #tpu.memory_space<vmem>> -> memref<32x128xf32, #tpu.memory_space<vmem>>
      %dma_wait3A_330 = arith.constant 0 : i32
      %dma_wait3A_331 = tpu.memref_slice %arg4[%dma_wait3A_330, %multiple_of3A_144] : memref<32x1000000xf32, #tpu.memory_space<hbm>> -> memref<32x128xf32, #tpu.memory_space<hbm>>
      tpu.wait_dma2 semaphore(%arg15 : memref<!tpu.dma_semaphore, #tpu.memory_space<semaphore_mem>>) src(%dma_wait3A_331 : memref<32x128xf32, #tpu.memory_space<hbm>>) dst(%dma_wait3A_329 : memref<32x128xf32, #tpu.memory_space<vmem>>)
      %dma_wait3A_332 = arith.constant 320 : i32
      %dma_wait3A_333 = arith.constant 0 : i32
      %dma_wait3A_334 = tpu.memref_slice %arg11[%dma_wait3A_332, %dma_wait3A_333] : memref<512x128xf32, #tpu.memory_space<vmem>> -> memref<32x128xf32, #tpu.memory_space<vmem>>
      %dma_wait3A_335 = arith.constant 0 : i32
      %dma_wait3A_336 = tpu.memref_slice %arg4[%dma_wait3A_335, %multiple_of3A_157] : memref<32x1000000xf32, #tpu.memory_space<hbm>> -> memref<32x128xf32, #tpu.memory_space<hbm>>
      %dma_wait3A_337 = arith.constant 320 : i32
      %dma_wait3A_338 = arith.constant 0 : i32
      %dma_wait3A_339 = tpu.memref_slice %arg11[%dma_wait3A_337, %dma_wait3A_338] : memref<512x128xf32, #tpu.memory_space<vmem>> -> memref<32x128xf32, #tpu.memory_space<vmem>>
      %dma_wait3A_340 = arith.constant 0 : i32
      %dma_wait3A_341 = tpu.memref_slice %arg4[%dma_wait3A_340, %multiple_of3A_157] : memref<32x1000000xf32, #tpu.memory_space<hbm>> -> memref<32x128xf32, #tpu.memory_space<hbm>>
      tpu.wait_dma2 semaphore(%arg15 : memref<!tpu.dma_semaphore, #tpu.memory_space<semaphore_mem>>) src(%dma_wait3A_341 : memref<32x128xf32, #tpu.memory_space<hbm>>) dst(%dma_wait3A_339 : memref<32x128xf32, #tpu.memory_space<vmem>>)
      %dma_wait3A_342 = arith.constant 352 : i32
      %dma_wait3A_343 = arith.constant 0 : i32
      %dma_wait3A_344 = tpu.memref_slice %arg11[%dma_wait3A_342, %dma_wait3A_343] : memref<512x128xf32, #tpu.memory_space<vmem>> -> memref<32x128xf32, #tpu.memory_space<vmem>>
      %dma_wait3A_345 = arith.constant 0 : i32
      %dma_wait3A_346 = tpu.memref_slice %arg4[%dma_wait3A_345, %multiple_of3A_170] : memref<32x1000000xf32, #tpu.memory_space<hbm>> -> memref<32x128xf32, #tpu.memory_space<hbm>>
      %dma_wait3A_347 = arith.constant 352 : i32
      %dma_wait3A_348 = arith.constant 0 : i32
      %dma_wait3A_349 = tpu.memref_slice %arg11[%dma_wait3A_347, %dma_wait3A_348] : memref<512x128xf32, #tpu.memory_space<vmem>> -> memref<32x128xf32, #tpu.memory_space<vmem>>
      %dma_wait3A_350 = arith.constant 0 : i32
      %dma_wait3A_351 = tpu.memref_slice %arg4[%dma_wait3A_350, %multiple_of3A_170] : memref<32x1000000xf32, #tpu.memory_space<hbm>> -> memref<32x128xf32, #tpu.memory_space<hbm>>
      tpu.wait_dma2 semaphore(%arg15 : memref<!tpu.dma_semaphore, #tpu.memory_space<semaphore_mem>>) src(%dma_wait3A_351 : memref<32x128xf32, #tpu.memory_space<hbm>>) dst(%dma_wait3A_349 : memref<32x128xf32, #tpu.memory_space<vmem>>)
      %dma_wait3A_352 = arith.constant 384 : i32
      %dma_wait3A_353 = arith.constant 0 : i32
      %dma_wait3A_354 = tpu.memref_slice %arg11[%dma_wait3A_352, %dma_wait3A_353] : memref<512x128xf32, #tpu.memory_space<vmem>> -> memref<32x128xf32, #tpu.memory_space<vmem>>
      %dma_wait3A_355 = arith.constant 0 : i32
      %dma_wait3A_356 = tpu.memref_slice %arg4[%dma_wait3A_355, %multiple_of3A_183] : memref<32x1000000xf32, #tpu.memory_space<hbm>> -> memref<32x128xf32, #tpu.memory_space<hbm>>
      %dma_wait3A_357 = arith.constant 384 : i32
      %dma_wait3A_358 = arith.constant 0 : i32
      %dma_wait3A_359 = tpu.memref_slice %arg11[%dma_wait3A_357, %dma_wait3A_358] : memref<512x128xf32, #tpu.memory_space<vmem>> -> memref<32x128xf32, #tpu.memory_space<vmem>>
      %dma_wait3A_360 = arith.constant 0 : i32
      %dma_wait3A_361 = tpu.memref_slice %arg4[%dma_wait3A_360, %multiple_of3A_183] : memref<32x1000000xf32, #tpu.memory_space<hbm>> -> memref<32x128xf32, #tpu.memory_space<hbm>>
      tpu.wait_dma2 semaphore(%arg15 : memref<!tpu.dma_semaphore, #tpu.memory_space<semaphore_mem>>) src(%dma_wait3A_361 : memref<32x128xf32, #tpu.memory_space<hbm>>) dst(%dma_wait3A_359 : memref<32x128xf32, #tpu.memory_space<vmem>>)
      %dma_wait3A_362 = arith.constant 416 : i32
      %dma_wait3A_363 = arith.constant 0 : i32
      %dma_wait3A_364 = tpu.memref_slice %arg11[%dma_wait3A_362, %dma_wait3A_363] : memref<512x128xf32, #tpu.memory_space<vmem>> -> memref<32x128xf32, #tpu.memory_space<vmem>>
      %dma_wait3A_365 = arith.constant 0 : i32
      %dma_wait3A_366 = tpu.memref_slice %arg4[%dma_wait3A_365, %multiple_of3A_196] : memref<32x1000000xf32, #tpu.memory_space<hbm>> -> memref<32x128xf32, #tpu.memory_space<hbm>>
      %dma_wait3A_367 = arith.constant 416 : i32
      %dma_wait3A_368 = arith.constant 0 : i32
      %dma_wait3A_369 = tpu.memref_slice %arg11[%dma_wait3A_367, %dma_wait3A_368] : memref<512x128xf32, #tpu.memory_space<vmem>> -> memref<32x128xf32, #tpu.memory_space<vmem>>
      %dma_wait3A_370 = arith.constant 0 : i32
      %dma_wait3A_371 = tpu.memref_slice %arg4[%dma_wait3A_370, %multiple_of3A_196] : memref<32x1000000xf32, #tpu.memory_space<hbm>> -> memref<32x128xf32, #tpu.memory_space<hbm>>
      tpu.wait_dma2 semaphore(%arg15 : memref<!tpu.dma_semaphore, #tpu.memory_space<semaphore_mem>>) src(%dma_wait3A_371 : memref<32x128xf32, #tpu.memory_space<hbm>>) dst(%dma_wait3A_369 : memref<32x128xf32, #tpu.memory_space<vmem>>)
      %dma_wait3A_372 = arith.constant 448 : i32
      %dma_wait3A_373 = arith.constant 0 : i32
      %dma_wait3A_374 = tpu.memref_slice %arg11[%dma_wait3A_372, %dma_wait3A_373] : memref<512x128xf32, #tpu.memory_space<vmem>> -> memref<32x128xf32, #tpu.memory_space<vmem>>
      %dma_wait3A_375 = arith.constant 0 : i32
      %dma_wait3A_376 = tpu.memref_slice %arg4[%dma_wait3A_375, %multiple_of3A_209] : memref<32x1000000xf32, #tpu.memory_space<hbm>> -> memref<32x128xf32, #tpu.memory_space<hbm>>
      %dma_wait3A_377 = arith.constant 448 : i32
      %dma_wait3A_378 = arith.constant 0 : i32
      %dma_wait3A_379 = tpu.memref_slice %arg11[%dma_wait3A_377, %dma_wait3A_378] : memref<512x128xf32, #tpu.memory_space<vmem>> -> memref<32x128xf32, #tpu.memory_space<vmem>>
      %dma_wait3A_380 = arith.constant 0 : i32
      %dma_wait3A_381 = tpu.memref_slice %arg4[%dma_wait3A_380, %multiple_of3A_209] : memref<32x1000000xf32, #tpu.memory_space<hbm>> -> memref<32x128xf32, #tpu.memory_space<hbm>>
      tpu.wait_dma2 semaphore(%arg15 : memref<!tpu.dma_semaphore, #tpu.memory_space<semaphore_mem>>) src(%dma_wait3A_381 : memref<32x128xf32, #tpu.memory_space<hbm>>) dst(%dma_wait3A_379 : memref<32x128xf32, #tpu.memory_space<vmem>>)
      %dma_wait3A_382 = arith.constant 480 : i32
      %dma_wait3A_383 = arith.constant 0 : i32
      %dma_wait3A_384 = tpu.memref_slice %arg11[%dma_wait3A_382, %dma_wait3A_383] : memref<512x128xf32, #tpu.memory_space<vmem>> -> memref<32x128xf32, #tpu.memory_space<vmem>>
      %dma_wait3A_385 = arith.constant 0 : i32
      %dma_wait3A_386 = tpu.memref_slice %arg4[%dma_wait3A_385, %multiple_of3A_222] : memref<32x1000000xf32, #tpu.memory_space<hbm>> -> memref<32x128xf32, #tpu.memory_space<hbm>>
      %dma_wait3A_387 = arith.constant 480 : i32
      %dma_wait3A_388 = arith.constant 0 : i32
      %dma_wait3A_389 = tpu.memref_slice %arg11[%dma_wait3A_387, %dma_wait3A_388] : memref<512x128xf32, #tpu.memory_space<vmem>> -> memref<32x128xf32, #tpu.memory_space<vmem>>
      %dma_wait3A_390 = arith.constant 0 : i32
      %dma_wait3A_391 = tpu.memref_slice %arg4[%dma_wait3A_390, %multiple_of3A_222] : memref<32x1000000xf32, #tpu.memory_space<hbm>> -> memref<32x128xf32, #tpu.memory_space<hbm>>
      tpu.wait_dma2 semaphore(%arg15 : memref<!tpu.dma_semaphore, #tpu.memory_space<semaphore_mem>>) src(%dma_wait3A_391 : memref<32x128xf32, #tpu.memory_space<hbm>>) dst(%dma_wait3A_389 : memref<32x128xf32, #tpu.memory_space<vmem>>)
      %mul3A_392 = arith.constant 16 : i32
      %mul3A_393 = arith.muli %scan3A_20, %mul3A_392 : i32
      %and3A = arith.constant 127 : i32
      %and3A_394 = vector.broadcast %and3A : i32 to vector<16xi32>
      %and3A_395 = arith.andi %get3A_23, %and3A_394 : vector<16xi32>
      %iota3A = tpu.iota {dimensions = array<i32: 0>} : vector<16xi32>
      %mul3A_396 = arith.constant 32 : i32
      %mul3A_397 = vector.broadcast %mul3A_396 : i32 to vector<16xi32>
      %mul3A_398 = arith.muli %iota3A, %mul3A_397 : vector<16xi32>
      %add3A_399 = arith.constant 0 : i32
      %add3A_400 = vector.broadcast %add3A_399 : i32 to vector<16xi32>
      %add3A_401 = arith.addi %mul3A_398, %add3A_400 : vector<16xi32>
      %gather3A = tpu.vector_load_idx %arg11[%add3A_401, %and3A_395] : memref<512x128xf32, #tpu.memory_space<vmem>>[vector<16xi32>, vector<16xi32>], vector<16xf32>,
      %swap3A = arith.constant 0 : i32
      %swap3A_402 = arith.index_cast %swap3A : i32 to index
      %swap3A_403 = arith.index_cast %mul3A_393 : i32 to index
      %swap3A_404 = tpu.vector_load %arg12[%swap3A_402, %swap3A_403] {strides = array<i32>} : memref<32x512xf32, #tpu.memory_space<vmem>>, vector<16xf32>,
      tpu.vector_store %arg12[%swap3A_402, %swap3A_403], %gather3A {strides = array<i32>} : memref<32x512xf32, #tpu.memory_space<vmem>>, vector<16xf32>,
      %add3A_405 = arith.constant 1 : i32
      %add3A_406 = vector.broadcast %add3A_405 : i32 to vector<16xi32>
      %add3A_407 = arith.addi %mul3A_398, %add3A_406 : vector<16xi32>
      %gather3A_408 = tpu.vector_load_idx %arg11[%add3A_407, %and3A_395] : memref<512x128xf32, #tpu.memory_space<vmem>>[vector<16xi32>, vector<16xi32>], vector<16xf32>,
      %swap3A_409 = arith.constant 1 : i32
      %swap3A_410 = arith.index_cast %swap3A_409 : i32 to index
      %swap3A_411 = arith.index_cast %mul3A_393 : i32 to index
      %swap3A_412 = tpu.vector_load %arg12[%swap3A_410, %swap3A_411] {strides = array<i32>} : memref<32x512xf32, #tpu.memory_space<vmem>>, vector<16xf32>,
      tpu.vector_store %arg12[%swap3A_410, %swap3A_411], %gather3A_408 {strides = array<i32>} : memref<32x512xf32, #tpu.memory_space<vmem>>, vector<16xf32>,
      %add3A_413 = arith.constant 2 : i32
      %add3A_414 = vector.broadcast %add3A_413 : i32 to vector<16xi32>
      %add3A_415 = arith.addi %mul3A_398, %add3A_414 : vector<16xi32>
      %gather3A_416 = tpu.vector_load_idx %arg11[%add3A_415, %and3A_395] : memref<512x128xf32, #tpu.memory_space<vmem>>[vector<16xi32>, vector<16xi32>], vector<16xf32>,
      %swap3A_417 = arith.constant 2 : i32
      %swap3A_418 = arith.index_cast %swap3A_417 : i32 to index
      %swap3A_419 = arith.index_cast %mul3A_393 : i32 to index
      %swap3A_420 = tpu.vector_load %arg12[%swap3A_418, %swap3A_419] {strides = array<i32>} : memref<32x512xf32, #tpu.memory_space<vmem>>, vector<16xf32>,
      tpu.vector_store %arg12[%swap3A_418, %swap3A_419], %gather3A_416 {strides = array<i32>} : memref<32x512xf32, #tpu.memory_space<vmem>>, vector<16xf32>,
      %add3A_421 = arith.constant 3 : i32
      %add3A_422 = vector.broadcast %add3A_421 : i32 to vector<16xi32>
      %add3A_423 = arith.addi %mul3A_398, %add3A_422 : vector<16xi32>
      %gather3A_424 = tpu.vector_load_idx %arg11[%add3A_423, %and3A_395] : memref<512x128xf32, #tpu.memory_space<vmem>>[vector<16xi32>, vector<16xi32>], vector<16xf32>,
      %swap3A_425 = arith.constant 3 : i32
      %swap3A_426 = arith.index_cast %swap3A_425 : i32 to index
      %swap3A_427 = arith.index_cast %mul3A_393 : i32 to index
      %swap3A_428 = tpu.vector_load %arg12[%swap3A_426, %swap3A_427] {strides = array<i32>} : memref<32x512xf32, #tpu.memory_space<vmem>>, vector<16xf32>,
      tpu.vector_store %arg12[%swap3A_426, %swap3A_427], %gather3A_424 {strides = array<i32>} : memref<32x512xf32, #tpu.memory_space<vmem>>, vector<16xf32>,
      %add3A_429 = arith.constant 4 : i32
      %add3A_430 = vector.broadcast %add3A_429 : i32 to vector<16xi32>
      %add3A_431 = arith.addi %mul3A_398, %add3A_430 : vector<16xi32>
      %gather3A_432 = tpu.vector_load_idx %arg11[%add3A_431, %and3A_395] : memref<512x128xf32, #tpu.memory_space<vmem>>[vector<16xi32>, vector<16xi32>], vector<16xf32>,
      %swap3A_433 = arith.constant 4 : i32
      %swap3A_434 = arith.index_cast %swap3A_433 : i32 to index
      %swap3A_435 = arith.index_cast %mul3A_393 : i32 to index
      %swap3A_436 = tpu.vector_load %arg12[%swap3A_434, %swap3A_435] {strides = array<i32>} : memref<32x512xf32, #tpu.memory_space<vmem>>, vector<16xf32>,
      tpu.vector_store %arg12[%swap3A_434, %swap3A_435], %gather3A_432 {strides = array<i32>} : memref<32x512xf32, #tpu.memory_space<vmem>>, vector<16xf32>,
      %add3A_437 = arith.constant 5 : i32
      %add3A_438 = vector.broadcast %add3A_437 : i32 to vector<16xi32>
      %add3A_439 = arith.addi %mul3A_398, %add3A_438 : vector<16xi32>
      %gather3A_440 = tpu.vector_load_idx %arg11[%add3A_439, %and3A_395] : memref<512x128xf32, #tpu.memory_space<vmem>>[vector<16xi32>, vector<16xi32>], vector<16xf32>,
      %swap3A_441 = arith.constant 5 : i32
      %swap3A_442 = arith.index_cast %swap3A_441 : i32 to index
      %swap3A_443 = arith.index_cast %mul3A_393 : i32 to index
      %swap3A_444 = tpu.vector_load %arg12[%swap3A_442, %swap3A_443] {strides = array<i32>} : memref<32x512xf32, #tpu.memory_space<vmem>>, vector<16xf32>,
      tpu.vector_store %arg12[%swap3A_442, %swap3A_443], %gather3A_440 {strides = array<i32>} : memref<32x512xf32, #tpu.memory_space<vmem>>, vector<16xf32>,
      %add3A_445 = arith.constant 6 : i32
      %add3A_446 = vector.broadcast %add3A_445 : i32 to vector<16xi32>
      %add3A_447 = arith.addi %mul3A_398, %add3A_446 : vector<16xi32>
      %gather3A_448 = tpu.vector_load_idx %arg11[%add3A_447, %and3A_395] : memref<512x128xf32, #tpu.memory_space<vmem>>[vector<16xi32>, vector<16xi32>], vector<16xf32>,
      %swap3A_449 = arith.constant 6 : i32
      %swap3A_450 = arith.index_cast %swap3A_449 : i32 to index
      %swap3A_451 = arith.index_cast %mul3A_393 : i32 to index
      %swap3A_452 = tpu.vector_load %arg12[%swap3A_450, %swap3A_451] {strides = array<i32>} : memref<32x512xf32, #tpu.memory_space<vmem>>, vector<16xf32>,
      tpu.vector_store %arg12[%swap3A_450, %swap3A_451], %gather3A_448 {strides = array<i32>} : memref<32x512xf32, #tpu.memory_space<vmem>>, vector<16xf32>,
      %add3A_453 = arith.constant 7 : i32
      %add3A_454 = vector.broadcast %add3A_453 : i32 to vector<16xi32>
      %add3A_455 = arith.addi %mul3A_398, %add3A_454 : vector<16xi32>
      %gather3A_456 = tpu.vector_load_idx %arg11[%add3A_455, %and3A_395] : memref<512x128xf32, #tpu.memory_space<vmem>>[vector<16xi32>, vector<16xi32>], vector<16xf32>,
      %swap3A_457 = arith.constant 7 : i32
      %swap3A_458 = arith.index_cast %swap3A_457 : i32 to index
      %swap3A_459 = arith.index_cast %mul3A_393 : i32 to index
      %swap3A_460 = tpu.vector_load %arg12[%swap3A_458, %swap3A_459] {strides = array<i32>} : memref<32x512xf32, #tpu.memory_space<vmem>>, vector<16xf32>,
      tpu.vector_store %arg12[%swap3A_458, %swap3A_459], %gather3A_456 {strides = array<i32>} : memref<32x512xf32, #tpu.memory_space<vmem>>, vector<16xf32>,
      %add3A_461 = arith.constant 8 : i32
      %add3A_462 = vector.broadcast %add3A_461 : i32 to vector<16xi32>
      %add3A_463 = arith.addi %mul3A_398, %add3A_462 : vector<16xi32>
      %gather3A_464 = tpu.vector_load_idx %arg11[%add3A_463, %and3A_395] : memref<512x128xf32, #tpu.memory_space<vmem>>[vector<16xi32>, vector<16xi32>], vector<16xf32>,
      %swap3A_465 = arith.constant 8 : i32
      %swap3A_466 = arith.index_cast %swap3A_465 : i32 to index
      %swap3A_467 = arith.index_cast %mul3A_393 : i32 to index
      %swap3A_468 = tpu.vector_load %arg12[%swap3A_466, %swap3A_467] {strides = array<i32>} : memref<32x512xf32, #tpu.memory_space<vmem>>, vector<16xf32>,
      tpu.vector_store %arg12[%swap3A_466, %swap3A_467], %gather3A_464 {strides = array<i32>} : memref<32x512xf32, #tpu.memory_space<vmem>>, vector<16xf32>,
      %add3A_469 = arith.constant 9 : i32
      %add3A_470 = vector.broadcast %add3A_469 : i32 to vector<16xi32>
      %add3A_471 = arith.addi %mul3A_398, %add3A_470 : vector<16xi32>
      %gather3A_472 = tpu.vector_load_idx %arg11[%add3A_471, %and3A_395] : memref<512x128xf32, #tpu.memory_space<vmem>>[vector<16xi32>, vector<16xi32>], vector<16xf32>,
      %swap3A_473 = arith.constant 9 : i32
      %swap3A_474 = arith.index_cast %swap3A_473 : i32 to index
      %swap3A_475 = arith.index_cast %mul3A_393 : i32 to index
      %swap3A_476 = tpu.vector_load %arg12[%swap3A_474, %swap3A_475] {strides = array<i32>} : memref<32x512xf32, #tpu.memory_space<vmem>>, vector<16xf32>,
      tpu.vector_store %arg12[%swap3A_474, %swap3A_475], %gather3A_472 {strides = array<i32>} : memref<32x512xf32, #tpu.memory_space<vmem>>, vector<16xf32>,
      %add3A_477 = arith.constant 10 : i32
      %add3A_478 = vector.broadcast %add3A_477 : i32 to vector<16xi32>
      %add3A_479 = arith.addi %mul3A_398, %add3A_478 : vector<16xi32>
      %gather3A_480 = tpu.vector_load_idx %arg11[%add3A_479, %and3A_395] : memref<512x128xf32, #tpu.memory_space<vmem>>[vector<16xi32>, vector<16xi32>], vector<16xf32>,
      %swap3A_481 = arith.constant 10 : i32
      %swap3A_482 = arith.index_cast %swap3A_481 : i32 to index
      %swap3A_483 = arith.index_cast %mul3A_393 : i32 to index
      %swap3A_484 = tpu.vector_load %arg12[%swap3A_482, %swap3A_483] {strides = array<i32>} : memref<32x512xf32, #tpu.memory_space<vmem>>, vector<16xf32>,
      tpu.vector_store %arg12[%swap3A_482, %swap3A_483], %gather3A_480 {strides = array<i32>} : memref<32x512xf32, #tpu.memory_space<vmem>>, vector<16xf32>,
      %add3A_485 = arith.constant 11 : i32
      %add3A_486 = vector.broadcast %add3A_485 : i32 to vector<16xi32>
      %add3A_487 = arith.addi %mul3A_398, %add3A_486 : vector<16xi32>
      %gather3A_488 = tpu.vector_load_idx %arg11[%add3A_487, %and3A_395] : memref<512x128xf32, #tpu.memory_space<vmem>>[vector<16xi32>, vector<16xi32>], vector<16xf32>,
      %swap3A_489 = arith.constant 11 : i32
      %swap3A_490 = arith.index_cast %swap3A_489 : i32 to index
      %swap3A_491 = arith.index_cast %mul3A_393 : i32 to index
      %swap3A_492 = tpu.vector_load %arg12[%swap3A_490, %swap3A_491] {strides = array<i32>} : memref<32x512xf32, #tpu.memory_space<vmem>>, vector<16xf32>,
      tpu.vector_store %arg12[%swap3A_490, %swap3A_491], %gather3A_488 {strides = array<i32>} : memref<32x512xf32, #tpu.memory_space<vmem>>, vector<16xf32>,
      %add3A_493 = arith.constant 12 : i32
      %add3A_494 = vector.broadcast %add3A_493 : i32 to vector<16xi32>
      %add3A_495 = arith.addi %mul3A_398, %add3A_494 : vector<16xi32>
      %gather3A_496 = tpu.vector_load_idx %arg11[%add3A_495, %and3A_395] : memref<512x128xf32, #tpu.memory_space<vmem>>[vector<16xi32>, vector<16xi32>], vector<16xf32>,
      %swap3A_497 = arith.constant 12 : i32
      %swap3A_498 = arith.index_cast %swap3A_497 : i32 to index
      %swap3A_499 = arith.index_cast %mul3A_393 : i32 to index
      %swap3A_500 = tpu.vector_load %arg12[%swap3A_498, %swap3A_499] {strides = array<i32>} : memref<32x512xf32, #tpu.memory_space<vmem>>, vector<16xf32>,
      tpu.vector_store %arg12[%swap3A_498, %swap3A_499], %gather3A_496 {strides = array<i32>} : memref<32x512xf32, #tpu.memory_space<vmem>>, vector<16xf32>,
      %add3A_501 = arith.constant 13 : i32
      %add3A_502 = vector.broadcast %add3A_501 : i32 to vector<16xi32>
      %add3A_503 = arith.addi %mul3A_398, %add3A_502 : vector<16xi32>
      %gather3A_504 = tpu.vector_load_idx %arg11[%add3A_503, %and3A_395] : memref<512x128xf32, #tpu.memory_space<vmem>>[vector<16xi32>, vector<16xi32>], vector<16xf32>,
      %swap3A_505 = arith.constant 13 : i32
      %swap3A_506 = arith.index_cast %swap3A_505 : i32 to index
      %swap3A_507 = arith.index_cast %mul3A_393 : i32 to index
      %swap3A_508 = tpu.vector_load %arg12[%swap3A_506, %swap3A_507] {strides = array<i32>} : memref<32x512xf32, #tpu.memory_space<vmem>>, vector<16xf32>,
      tpu.vector_store %arg12[%swap3A_506, %swap3A_507], %gather3A_504 {strides = array<i32>} : memref<32x512xf32, #tpu.memory_space<vmem>>, vector<16xf32>,
      %add3A_509 = arith.constant 14 : i32
      %add3A_510 = vector.broadcast %add3A_509 : i32 to vector<16xi32>
      %add3A_511 = arith.addi %mul3A_398, %add3A_510 : vector<16xi32>
      %gather3A_512 = tpu.vector_load_idx %arg11[%add3A_511, %and3A_395] : memref<512x128xf32, #tpu.memory_space<vmem>>[vector<16xi32>, vector<16xi32>], vector<16xf32>,
      %swap3A_513 = arith.constant 14 : i32
      %swap3A_514 = arith.index_cast %swap3A_513 : i32 to index
      %swap3A_515 = arith.index_cast %mul3A_393 : i32 to index
      %swap3A_516 = tpu.vector_load %arg12[%swap3A_514, %swap3A_515] {strides = array<i32>} : memref<32x512xf32, #tpu.memory_space<vmem>>, vector<16xf32>,
      tpu.vector_store %arg12[%swap3A_514, %swap3A_515], %gather3A_512 {strides = array<i32>} : memref<32x512xf32, #tpu.memory_space<vmem>>, vector<16xf32>,
      %add3A_517 = arith.constant 15 : i32
      %add3A_518 = vector.broadcast %add3A_517 : i32 to vector<16xi32>
      %add3A_519 = arith.addi %mul3A_398, %add3A_518 : vector<16xi32>
      %gather3A_520 = tpu.vector_load_idx %arg11[%add3A_519, %and3A_395] : memref<512x128xf32, #tpu.memory_space<vmem>>[vector<16xi32>, vector<16xi32>], vector<16xf32>,
      %swap3A_521 = arith.constant 15 : i32
      %swap3A_522 = arith.index_cast %swap3A_521 : i32 to index
      %swap3A_523 = arith.index_cast %mul3A_393 : i32 to index
      %swap3A_524 = tpu.vector_load %arg12[%swap3A_522, %swap3A_523] {strides = array<i32>} : memref<32x512xf32, #tpu.memory_space<vmem>>, vector<16xf32>,
      tpu.vector_store %arg12[%swap3A_522, %swap3A_523], %gather3A_520 {strides = array<i32>} : memref<32x512xf32, #tpu.memory_space<vmem>>, vector<16xf32>,
      %add3A_525 = arith.constant 16 : i32
      %add3A_526 = vector.broadcast %add3A_525 : i32 to vector<16xi32>
      %add3A_527 = arith.addi %mul3A_398, %add3A_526 : vector<16xi32>
      %gather3A_528 = tpu.vector_load_idx %arg11[%add3A_527, %and3A_395] : memref<512x128xf32, #tpu.memory_space<vmem>>[vector<16xi32>, vector<16xi32>], vector<16xf32>,
      %swap3A_529 = arith.constant 16 : i32
      %swap3A_530 = arith.index_cast %swap3A_529 : i32 to index
      %swap3A_531 = arith.index_cast %mul3A_393 : i32 to index
      %swap3A_532 = tpu.vector_load %arg12[%swap3A_530, %swap3A_531] {strides = array<i32>} : memref<32x512xf32, #tpu.memory_space<vmem>>, vector<16xf32>,
      tpu.vector_store %arg12[%swap3A_530, %swap3A_531], %gather3A_528 {strides = array<i32>} : memref<32x512xf32, #tpu.memory_space<vmem>>, vector<16xf32>,
      %add3A_533 = arith.constant 17 : i32
      %add3A_534 = vector.broadcast %add3A_533 : i32 to vector<16xi32>
      %add3A_535 = arith.addi %mul3A_398, %add3A_534 : vector<16xi32>
      %gather3A_536 = tpu.vector_load_idx %arg11[%add3A_535, %and3A_395] : memref<512x128xf32, #tpu.memory_space<vmem>>[vector<16xi32>, vector<16xi32>], vector<16xf32>,
      %swap3A_537 = arith.constant 17 : i32
      %swap3A_538 = arith.index_cast %swap3A_537 : i32 to index
      %swap3A_539 = arith.index_cast %mul3A_393 : i32 to index
      %swap3A_540 = tpu.vector_load %arg12[%swap3A_538, %swap3A_539] {strides = array<i32>} : memref<32x512xf32, #tpu.memory_space<vmem>>, vector<16xf32>,
      tpu.vector_store %arg12[%swap3A_538, %swap3A_539], %gather3A_536 {strides = array<i32>} : memref<32x512xf32, #tpu.memory_space<vmem>>, vector<16xf32>,
      %add3A_541 = arith.constant 18 : i32
      %add3A_542 = vector.broadcast %add3A_541 : i32 to vector<16xi32>
      %add3A_543 = arith.addi %mul3A_398, %add3A_542 : vector<16xi32>
      %gather3A_544 = tpu.vector_load_idx %arg11[%add3A_543, %and3A_395] : memref<512x128xf32, #tpu.memory_space<vmem>>[vector<16xi32>, vector<16xi32>], vector<16xf32>,
      %swap3A_545 = arith.constant 18 : i32
      %swap3A_546 = arith.index_cast %swap3A_545 : i32 to index
      %swap3A_547 = arith.index_cast %mul3A_393 : i32 to index
      %swap3A_548 = tpu.vector_load %arg12[%swap3A_546, %swap3A_547] {strides = array<i32>} : memref<32x512xf32, #tpu.memory_space<vmem>>, vector<16xf32>,
      tpu.vector_store %arg12[%swap3A_546, %swap3A_547], %gather3A_544 {strides = array<i32>} : memref<32x512xf32, #tpu.memory_space<vmem>>, vector<16xf32>,
      %add3A_549 = arith.constant 19 : i32
      %add3A_550 = vector.broadcast %add3A_549 : i32 to vector<16xi32>
      %add3A_551 = arith.addi %mul3A_398, %add3A_550 : vector<16xi32>
      %gather3A_552 = tpu.vector_load_idx %arg11[%add3A_551, %and3A_395] : memref<512x128xf32, #tpu.memory_space<vmem>>[vector<16xi32>, vector<16xi32>], vector<16xf32>,
      %swap3A_553 = arith.constant 19 : i32
      %swap3A_554 = arith.index_cast %swap3A_553 : i32 to index
      %swap3A_555 = arith.index_cast %mul3A_393 : i32 to index
      %swap3A_556 = tpu.vector_load %arg12[%swap3A_554, %swap3A_555] {strides = array<i32>} : memref<32x512xf32, #tpu.memory_space<vmem>>, vector<16xf32>,
      tpu.vector_store %arg12[%swap3A_554, %swap3A_555], %gather3A_552 {strides = array<i32>} : memref<32x512xf32, #tpu.memory_space<vmem>>, vector<16xf32>,
      %add3A_557 = arith.constant 20 : i32
      %add3A_558 = vector.broadcast %add3A_557 : i32 to vector<16xi32>
      %add3A_559 = arith.addi %mul3A_398, %add3A_558 : vector<16xi32>
      %gather3A_560 = tpu.vector_load_idx %arg11[%add3A_559, %and3A_395] : memref<512x128xf32, #tpu.memory_space<vmem>>[vector<16xi32>, vector<16xi32>], vector<16xf32>,
      %swap3A_561 = arith.constant 20 : i32
      %swap3A_562 = arith.index_cast %swap3A_561 : i32 to index
      %swap3A_563 = arith.index_cast %mul3A_393 : i32 to index
      %swap3A_564 = tpu.vector_load %arg12[%swap3A_562, %swap3A_563] {strides = array<i32>} : memref<32x512xf32, #tpu.memory_space<vmem>>, vector<16xf32>,
      tpu.vector_store %arg12[%swap3A_562, %swap3A_563], %gather3A_560 {strides = array<i32>} : memref<32x512xf32, #tpu.memory_space<vmem>>, vector<16xf32>,
      %add3A_565 = arith.constant 21 : i32
      %add3A_566 = vector.broadcast %add3A_565 : i32 to vector<16xi32>
      %add3A_567 = arith.addi %mul3A_398, %add3A_566 : vector<16xi32>
      %gather3A_568 = tpu.vector_load_idx %arg11[%add3A_567, %and3A_395] : memref<512x128xf32, #tpu.memory_space<vmem>>[vector<16xi32>, vector<16xi32>], vector<16xf32>,
      %swap3A_569 = arith.constant 21 : i32
      %swap3A_570 = arith.index_cast %swap3A_569 : i32 to index
      %swap3A_571 = arith.index_cast %mul3A_393 : i32 to index
      %swap3A_572 = tpu.vector_load %arg12[%swap3A_570, %swap3A_571] {strides = array<i32>} : memref<32x512xf32, #tpu.memory_space<vmem>>, vector<16xf32>,
      tpu.vector_store %arg12[%swap3A_570, %swap3A_571], %gather3A_568 {strides = array<i32>} : memref<32x512xf32, #tpu.memory_space<vmem>>, vector<16xf32>,
      %add3A_573 = arith.constant 22 : i32
      %add3A_574 = vector.broadcast %add3A_573 : i32 to vector<16xi32>
      %add3A_575 = arith.addi %mul3A_398, %add3A_574 : vector<16xi32>
      %gather3A_576 = tpu.vector_load_idx %arg11[%add3A_575, %and3A_395] : memref<512x128xf32, #tpu.memory_space<vmem>>[vector<16xi32>, vector<16xi32>], vector<16xf32>,
      %swap3A_577 = arith.constant 22 : i32
      %swap3A_578 = arith.index_cast %swap3A_577 : i32 to index
      %swap3A_579 = arith.index_cast %mul3A_393 : i32 to index
      %swap3A_580 = tpu.vector_load %arg12[%swap3A_578, %swap3A_579] {strides = array<i32>} : memref<32x512xf32, #tpu.memory_space<vmem>>, vector<16xf32>,
      tpu.vector_store %arg12[%swap3A_578, %swap3A_579], %gather3A_576 {strides = array<i32>} : memref<32x512xf32, #tpu.memory_space<vmem>>, vector<16xf32>,
      %add3A_581 = arith.constant 23 : i32
      %add3A_582 = vector.broadcast %add3A_581 : i32 to vector<16xi32>
      %add3A_583 = arith.addi %mul3A_398, %add3A_582 : vector<16xi32>
      %gather3A_584 = tpu.vector_load_idx %arg11[%add3A_583, %and3A_395] : memref<512x128xf32, #tpu.memory_space<vmem>>[vector<16xi32>, vector<16xi32>], vector<16xf32>,
      %swap3A_585 = arith.constant 23 : i32
      %swap3A_586 = arith.index_cast %swap3A_585 : i32 to index
      %swap3A_587 = arith.index_cast %mul3A_393 : i32 to index
      %swap3A_588 = tpu.vector_load %arg12[%swap3A_586, %swap3A_587] {strides = array<i32>} : memref<32x512xf32, #tpu.memory_space<vmem>>, vector<16xf32>,
      tpu.vector_store %arg12[%swap3A_586, %swap3A_587], %gather3A_584 {strides = array<i32>} : memref<32x512xf32, #tpu.memory_space<vmem>>, vector<16xf32>,
      %add3A_589 = arith.constant 24 : i32
      %add3A_590 = vector.broadcast %add3A_589 : i32 to vector<16xi32>
      %add3A_591 = arith.addi %mul3A_398, %add3A_590 : vector<16xi32>
      %gather3A_592 = tpu.vector_load_idx %arg11[%add3A_591, %and3A_395] : memref<512x128xf32, #tpu.memory_space<vmem>>[vector<16xi32>, vector<16xi32>], vector<16xf32>,
      %swap3A_593 = arith.constant 24 : i32
      %swap3A_594 = arith.index_cast %swap3A_593 : i32 to index
      %swap3A_595 = arith.index_cast %mul3A_393 : i32 to index
      %swap3A_596 = tpu.vector_load %arg12[%swap3A_594, %swap3A_595] {strides = array<i32>} : memref<32x512xf32, #tpu.memory_space<vmem>>, vector<16xf32>,
      tpu.vector_store %arg12[%swap3A_594, %swap3A_595], %gather3A_592 {strides = array<i32>} : memref<32x512xf32, #tpu.memory_space<vmem>>, vector<16xf32>,
      %add3A_597 = arith.constant 25 : i32
      %add3A_598 = vector.broadcast %add3A_597 : i32 to vector<16xi32>
      %add3A_599 = arith.addi %mul3A_398, %add3A_598 : vector<16xi32>
      %gather3A_600 = tpu.vector_load_idx %arg11[%add3A_599, %and3A_395] : memref<512x128xf32, #tpu.memory_space<vmem>>[vector<16xi32>, vector<16xi32>], vector<16xf32>,
      %swap3A_601 = arith.constant 25 : i32
      %swap3A_602 = arith.index_cast %swap3A_601 : i32 to index
      %swap3A_603 = arith.index_cast %mul3A_393 : i32 to index
      %swap3A_604 = tpu.vector_load %arg12[%swap3A_602, %swap3A_603] {strides = array<i32>} : memref<32x512xf32, #tpu.memory_space<vmem>>, vector<16xf32>,
      tpu.vector_store %arg12[%swap3A_602, %swap3A_603], %gather3A_600 {strides = array<i32>} : memref<32x512xf32, #tpu.memory_space<vmem>>, vector<16xf32>,
      %add3A_605 = arith.constant 26 : i32
      %add3A_606 = vector.broadcast %add3A_605 : i32 to vector<16xi32>
      %add3A_607 = arith.addi %mul3A_398, %add3A_606 : vector<16xi32>
      %gather3A_608 = tpu.vector_load_idx %arg11[%add3A_607, %and3A_395] : memref<512x128xf32, #tpu.memory_space<vmem>>[vector<16xi32>, vector<16xi32>], vector<16xf32>,
      %swap3A_609 = arith.constant 26 : i32
      %swap3A_610 = arith.index_cast %swap3A_609 : i32 to index
      %swap3A_611 = arith.index_cast %mul3A_393 : i32 to index
      %swap3A_612 = tpu.vector_load %arg12[%swap3A_610, %swap3A_611] {strides = array<i32>} : memref<32x512xf32, #tpu.memory_space<vmem>>, vector<16xf32>,
      tpu.vector_store %arg12[%swap3A_610, %swap3A_611], %gather3A_608 {strides = array<i32>} : memref<32x512xf32, #tpu.memory_space<vmem>>, vector<16xf32>,
      %add3A_613 = arith.constant 27 : i32
      %add3A_614 = vector.broadcast %add3A_613 : i32 to vector<16xi32>
      %add3A_615 = arith.addi %mul3A_398, %add3A_614 : vector<16xi32>
      %gather3A_616 = tpu.vector_load_idx %arg11[%add3A_615, %and3A_395] : memref<512x128xf32, #tpu.memory_space<vmem>>[vector<16xi32>, vector<16xi32>], vector<16xf32>,
      %swap3A_617 = arith.constant 27 : i32
      %swap3A_618 = arith.index_cast %swap3A_617 : i32 to index
      %swap3A_619 = arith.index_cast %mul3A_393 : i32 to index
      %swap3A_620 = tpu.vector_load %arg12[%swap3A_618, %swap3A_619] {strides = array<i32>} : memref<32x512xf32, #tpu.memory_space<vmem>>, vector<16xf32>,
      tpu.vector_store %arg12[%swap3A_618, %swap3A_619], %gather3A_616 {strides = array<i32>} : memref<32x512xf32, #tpu.memory_space<vmem>>, vector<16xf32>,
      %add3A_621 = arith.constant 28 : i32
      %add3A_622 = vector.broadcast %add3A_621 : i32 to vector<16xi32>
      %add3A_623 = arith.addi %mul3A_398, %add3A_622 : vector<16xi32>
      %gather3A_624 = tpu.vector_load_idx %arg11[%add3A_623, %and3A_395] : memref<512x128xf32, #tpu.memory_space<vmem>>[vector<16xi32>, vector<16xi32>], vector<16xf32>,
      %swap3A_625 = arith.constant 28 : i32
      %swap3A_626 = arith.index_cast %swap3A_625 : i32 to index
      %swap3A_627 = arith.index_cast %mul3A_393 : i32 to index
      %swap3A_628 = tpu.vector_load %arg12[%swap3A_626, %swap3A_627] {strides = array<i32>} : memref<32x512xf32, #tpu.memory_space<vmem>>, vector<16xf32>,
      tpu.vector_store %arg12[%swap3A_626, %swap3A_627], %gather3A_624 {strides = array<i32>} : memref<32x512xf32, #tpu.memory_space<vmem>>, vector<16xf32>,
      %add3A_629 = arith.constant 29 : i32
      %add3A_630 = vector.broadcast %add3A_629 : i32 to vector<16xi32>
      %add3A_631 = arith.addi %mul3A_398, %add3A_630 : vector<16xi32>
      %gather3A_632 = tpu.vector_load_idx %arg11[%add3A_631, %and3A_395] : memref<512x128xf32, #tpu.memory_space<vmem>>[vector<16xi32>, vector<16xi32>], vector<16xf32>,
      %swap3A_633 = arith.constant 29 : i32
      %swap3A_634 = arith.index_cast %swap3A_633 : i32 to index
      %swap3A_635 = arith.index_cast %mul3A_393 : i32 to index
      %swap3A_636 = tpu.vector_load %arg12[%swap3A_634, %swap3A_635] {strides = array<i32>} : memref<32x512xf32, #tpu.memory_space<vmem>>, vector<16xf32>,
      tpu.vector_store %arg12[%swap3A_634, %swap3A_635], %gather3A_632 {strides = array<i32>} : memref<32x512xf32, #tpu.memory_space<vmem>>, vector<16xf32>,
      %add3A_637 = arith.constant 30 : i32
      %add3A_638 = vector.broadcast %add3A_637 : i32 to vector<16xi32>
      %add3A_639 = arith.addi %mul3A_398, %add3A_638 : vector<16xi32>
      %gather3A_640 = tpu.vector_load_idx %arg11[%add3A_639, %and3A_395] : memref<512x128xf32, #tpu.memory_space<vmem>>[vector<16xi32>, vector<16xi32>], vector<16xf32>,
      %swap3A_641 = arith.constant 30 : i32
      %swap3A_642 = arith.index_cast %swap3A_641 : i32 to index
      %swap3A_643 = arith.index_cast %mul3A_393 : i32 to index
      %swap3A_644 = tpu.vector_load %arg12[%swap3A_642, %swap3A_643] {strides = array<i32>} : memref<32x512xf32, #tpu.memory_space<vmem>>, vector<16xf32>,
      tpu.vector_store %arg12[%swap3A_642, %swap3A_643], %gather3A_640 {strides = array<i32>} : memref<32x512xf32, #tpu.memory_space<vmem>>, vector<16xf32>,
      %add3A_645 = arith.constant 31 : i32
      %add3A_646 = vector.broadcast %add3A_645 : i32 to vector<16xi32>
      %add3A_647 = arith.addi %mul3A_398, %add3A_646 : vector<16xi32>
      %gather3A_648 = tpu.vector_load_idx %arg11[%add3A_647, %and3A_395] : memref<512x128xf32, #tpu.memory_space<vmem>>[vector<16xi32>, vector<16xi32>], vector<16xf32>,
      %swap3A_649 = arith.constant 31 : i32
      %swap3A_650 = arith.index_cast %swap3A_649 : i32 to index
      %swap3A_651 = arith.index_cast %mul3A_393 : i32 to index
      %swap3A_652 = tpu.vector_load %arg12[%swap3A_650, %swap3A_651] {strides = array<i32>} : memref<32x512xf32, #tpu.memory_space<vmem>>, vector<16xf32>,
      tpu.vector_store %arg12[%swap3A_650, %swap3A_651], %gather3A_648 {strides = array<i32>} : memref<32x512xf32, #tpu.memory_space<vmem>>, vector<16xf32>,
    }
    %scan3A_7 = arith.constant 32 : i32
    %scan3A_8 = arith.constant 0 : i32
    %scan3A_9 = arith.constant 0 : i32
    %scan3A_10 = arith.constant 32 : i32
    %scan3A_11 = arith.addi %scan3A_9, %scan3A_10 : i32
    %scan3A_12 = arith.constant 1 : i32
    scf.for %scan3A_20 = %scan3A_9 to %scan3A_11 step %scan3A_12  : i32 {
      %mul3A_21 = arith.constant 16 : i32
      %mul3A_22 = arith.muli %scan3A_20, %mul3A_21 : i32
      %get3A = arith.index_cast %mul3A_22 : i32 to index
      %get3A_23 = tpu.vector_load %arg10[%get3A] {strides = array<i32>} : memref<512xi32, #tpu.memory_space<vmem>>, vector<16xi32>,
      %shift_right_arithmetic3A = arith.constant 7 : i32
      %shift_right_arithmetic3A_24 = vector.broadcast %shift_right_arithmetic3A : i32 to vector<16xi32>
      %shift_right_arithmetic3A_25 = arith.shrsi %get3A_23, %shift_right_arithmetic3A_24 : vector<16xi32>
      %mul3A_26 = arith.constant 128 : i32
      %mul3A_27 = vector.broadcast %mul3A_26 : i32 to vector<16xi32>
      %mul3A_28 = arith.muli %shift_right_arithmetic3A_25, %mul3A_27 : vector<16xi32>
      %slice3A = vector.extract_strided_slice %mul3A_28 {offsets = [0], sizes = [1], strides = [1]} : vector<16xi32> to vector<1xi32>
      %squeeze3A = vector.extract %slice3A[0] : i32 from vector<1xi32>
      %multiple_of3A = tpu.assume_multiple %squeeze3A, 128 : i32
      %dma_start3A = arith.constant 0 : i32
      %dma_start3A_29 = arith.constant 0 : i32
      %dma_start3A_30 = tpu.memref_slice %arg11[%dma_start3A, %dma_start3A_29] : memref<512x128xf32, #tpu.memory_space<vmem>> -> memref<32x128xf32, #tpu.memory_space<vmem>>
      %dma_start3A_31 = arith.constant 0 : i32
      %dma_start3A_32 = tpu.memref_slice %arg5[%dma_start3A_31, %multiple_of3A] : memref<32x1000000xf32, #tpu.memory_space<hbm>> -> memref<32x128xf32, #tpu.memory_space<hbm>>
      %dma_start3A_33 = arith.constant 0 : i32
      %dma_start3A_34 = arith.constant 0 : i32
      %dma_start3A_35 = tpu.memref_slice %arg11[%dma_start3A_33, %dma_start3A_34] : memref<512x128xf32, #tpu.memory_space<vmem>> -> memref<32x128xf32, #tpu.memory_space<vmem>>
      %dma_start3A_36 = arith.constant 0 : i32
      %dma_start3A_37 = tpu.memref_slice %arg5[%dma_start3A_36, %multiple_of3A] : memref<32x1000000xf32, #tpu.memory_space<hbm>> -> memref<32x128xf32, #tpu.memory_space<hbm>>
      tpu.enqueue_dma source(%dma_start3A_37 : memref<32x128xf32, #tpu.memory_space<hbm>>) target(%dma_start3A_35 : memref<32x128xf32, #tpu.memory_space<vmem>>) target_semaphore(%arg15 : memref<!tpu.dma_semaphore, #tpu.memory_space<semaphore_mem>>)
      %slice3A_38 = vector.extract_strided_slice %mul3A_28 {offsets = [1], sizes = [1], strides = [1]} : vector<16xi32> to vector<1xi32>
      %squeeze3A_39 = vector.extract %slice3A_38[0] : i32 from vector<1xi32>
      %multiple_of3A_40 = tpu.assume_multiple %squeeze3A_39, 128 : i32
      %dma_start3A_41 = arith.constant 32 : i32
      %dma_start3A_42 = arith.constant 0 : i32
      %dma_start3A_43 = tpu.memref_slice %arg11[%dma_start3A_41, %dma_start3A_42] : memref<512x128xf32, #tpu.memory_space<vmem>> -> memref<32x128xf32, #tpu.memory_space<vmem>>
      %dma_start3A_44 = arith.constant 0 : i32
      %dma_start3A_45 = tpu.memref_slice %arg5[%dma_start3A_44, %multiple_of3A_40] : memref<32x1000000xf32, #tpu.memory_space<hbm>> -> memref<32x128xf32, #tpu.memory_space<hbm>>
      %dma_start3A_46 = arith.constant 32 : i32
      %dma_start3A_47 = arith.constant 0 : i32
      %dma_start3A_48 = tpu.memref_slice %arg11[%dma_start3A_46, %dma_start3A_47] : memref<512x128xf32, #tpu.memory_space<vmem>> -> memref<32x128xf32, #tpu.memory_space<vmem>>
      %dma_start3A_49 = arith.constant 0 : i32
      %dma_start3A_50 = tpu.memref_slice %arg5[%dma_start3A_49, %multiple_of3A_40] : memref<32x1000000xf32, #tpu.memory_space<hbm>> -> memref<32x128xf32, #tpu.memory_space<hbm>>
      tpu.enqueue_dma source(%dma_start3A_50 : memref<32x128xf32, #tpu.memory_space<hbm>>) target(%dma_start3A_48 : memref<32x128xf32, #tpu.memory_space<vmem>>) target_semaphore(%arg15 : memref<!tpu.dma_semaphore, #tpu.memory_space<semaphore_mem>>)
      %slice3A_51 = vector.extract_strided_slice %mul3A_28 {offsets = [2], sizes = [1], strides = [1]} : vector<16xi32> to vector<1xi32>
      %squeeze3A_52 = vector.extract %slice3A_51[0] : i32 from vector<1xi32>
      %multiple_of3A_53 = tpu.assume_multiple %squeeze3A_52, 128 : i32
      %dma_start3A_54 = arith.constant 64 : i32
      %dma_start3A_55 = arith.constant 0 : i32
      %dma_start3A_56 = tpu.memref_slice %arg11[%dma_start3A_54, %dma_start3A_55] : memref<512x128xf32, #tpu.memory_space<vmem>> -> memref<32x128xf32, #tpu.memory_space<vmem>>
      %dma_start3A_57 = arith.constant 0 : i32
      %dma_start3A_58 = tpu.memref_slice %arg5[%dma_start3A_57, %multiple_of3A_53] : memref<32x1000000xf32, #tpu.memory_space<hbm>> -> memref<32x128xf32, #tpu.memory_space<hbm>>
      %dma_start3A_59 = arith.constant 64 : i32
      %dma_start3A_60 = arith.constant 0 : i32
      %dma_start3A_61 = tpu.memref_slice %arg11[%dma_start3A_59, %dma_start3A_60] : memref<512x128xf32, #tpu.memory_space<vmem>> -> memref<32x128xf32, #tpu.memory_space<vmem>>
      %dma_start3A_62 = arith.constant 0 : i32
      %dma_start3A_63 = tpu.memref_slice %arg5[%dma_start3A_62, %multiple_of3A_53] : memref<32x1000000xf32, #tpu.memory_space<hbm>> -> memref<32x128xf32, #tpu.memory_space<hbm>>
      tpu.enqueue_dma source(%dma_start3A_63 : memref<32x128xf32, #tpu.memory_space<hbm>>) target(%dma_start3A_61 : memref<32x128xf32, #tpu.memory_space<vmem>>) target_semaphore(%arg15 : memref<!tpu.dma_semaphore, #tpu.memory_space<semaphore_mem>>)
      %slice3A_64 = vector.extract_strided_slice %mul3A_28 {offsets = [3], sizes = [1], strides = [1]} : vector<16xi32> to vector<1xi32>
      %squeeze3A_65 = vector.extract %slice3A_64[0] : i32 from vector<1xi32>
      %multiple_of3A_66 = tpu.assume_multiple %squeeze3A_65, 128 : i32
      %dma_start3A_67 = arith.constant 96 : i32
      %dma_start3A_68 = arith.constant 0 : i32
      %dma_start3A_69 = tpu.memref_slice %arg11[%dma_start3A_67, %dma_start3A_68] : memref<512x128xf32, #tpu.memory_space<vmem>> -> memref<32x128xf32, #tpu.memory_space<vmem>>
      %dma_start3A_70 = arith.constant 0 : i32
      %dma_start3A_71 = tpu.memref_slice %arg5[%dma_start3A_70, %multiple_of3A_66] : memref<32x1000000xf32, #tpu.memory_space<hbm>> -> memref<32x128xf32, #tpu.memory_space<hbm>>
      %dma_start3A_72 = arith.constant 96 : i32
      %dma_start3A_73 = arith.constant 0 : i32
      %dma_start3A_74 = tpu.memref_slice %arg11[%dma_start3A_72, %dma_start3A_73] : memref<512x128xf32, #tpu.memory_space<vmem>> -> memref<32x128xf32, #tpu.memory_space<vmem>>
      %dma_start3A_75 = arith.constant 0 : i32
      %dma_start3A_76 = tpu.memref_slice %arg5[%dma_start3A_75, %multiple_of3A_66] : memref<32x1000000xf32, #tpu.memory_space<hbm>> -> memref<32x128xf32, #tpu.memory_space<hbm>>
      tpu.enqueue_dma source(%dma_start3A_76 : memref<32x128xf32, #tpu.memory_space<hbm>>) target(%dma_start3A_74 : memref<32x128xf32, #tpu.memory_space<vmem>>) target_semaphore(%arg15 : memref<!tpu.dma_semaphore, #tpu.memory_space<semaphore_mem>>)
      %slice3A_77 = vector.extract_strided_slice %mul3A_28 {offsets = [4], sizes = [1], strides = [1]} : vector<16xi32> to vector<1xi32>
      %squeeze3A_78 = vector.extract %slice3A_77[0] : i32 from vector<1xi32>
      %multiple_of3A_79 = tpu.assume_multiple %squeeze3A_78, 128 : i32
      %dma_start3A_80 = arith.constant 128 : i32
      %dma_start3A_81 = arith.constant 0 : i32
      %dma_start3A_82 = tpu.memref_slice %arg11[%dma_start3A_80, %dma_start3A_81] : memref<512x128xf32, #tpu.memory_space<vmem>> -> memref<32x128xf32, #tpu.memory_space<vmem>>
      %dma_start3A_83 = arith.constant 0 : i32
      %dma_start3A_84 = tpu.memref_slice %arg5[%dma_start3A_83, %multiple_of3A_79] : memref<32x1000000xf32, #tpu.memory_space<hbm>> -> memref<32x128xf32, #tpu.memory_space<hbm>>
      %dma_start3A_85 = arith.constant 128 : i32
      %dma_start3A_86 = arith.constant 0 : i32
      %dma_start3A_87 = tpu.memref_slice %arg11[%dma_start3A_85, %dma_start3A_86] : memref<512x128xf32, #tpu.memory_space<vmem>> -> memref<32x128xf32, #tpu.memory_space<vmem>>
      %dma_start3A_88 = arith.constant 0 : i32
      %dma_start3A_89 = tpu.memref_slice %arg5[%dma_start3A_88, %multiple_of3A_79] : memref<32x1000000xf32, #tpu.memory_space<hbm>> -> memref<32x128xf32, #tpu.memory_space<hbm>>
      tpu.enqueue_dma source(%dma_start3A_89 : memref<32x128xf32, #tpu.memory_space<hbm>>) target(%dma_start3A_87 : memref<32x128xf32, #tpu.memory_space<vmem>>) target_semaphore(%arg15 : memref<!tpu.dma_semaphore, #tpu.memory_space<semaphore_mem>>)
      %slice3A_90 = vector.extract_strided_slice %mul3A_28 {offsets = [5], sizes = [1], strides = [1]} : vector<16xi32> to vector<1xi32>
      %squeeze3A_91 = vector.extract %slice3A_90[0] : i32 from vector<1xi32>
      %multiple_of3A_92 = tpu.assume_multiple %squeeze3A_91, 128 : i32
      %dma_start3A_93 = arith.constant 160 : i32
      %dma_start3A_94 = arith.constant 0 : i32
      %dma_start3A_95 = tpu.memref_slice %arg11[%dma_start3A_93, %dma_start3A_94] : memref<512x128xf32, #tpu.memory_space<vmem>> -> memref<32x128xf32, #tpu.memory_space<vmem>>
      %dma_start3A_96 = arith.constant 0 : i32
      %dma_start3A_97 = tpu.memref_slice %arg5[%dma_start3A_96, %multiple_of3A_92] : memref<32x1000000xf32, #tpu.memory_space<hbm>> -> memref<32x128xf32, #tpu.memory_space<hbm>>
      %dma_start3A_98 = arith.constant 160 : i32
      %dma_start3A_99 = arith.constant 0 : i32
      %dma_start3A_100 = tpu.memref_slice %arg11[%dma_start3A_98, %dma_start3A_99] : memref<512x128xf32, #tpu.memory_space<vmem>> -> memref<32x128xf32, #tpu.memory_space<vmem>>
      %dma_start3A_101 = arith.constant 0 : i32
      %dma_start3A_102 = tpu.memref_slice %arg5[%dma_start3A_101, %multiple_of3A_92] : memref<32x1000000xf32, #tpu.memory_space<hbm>> -> memref<32x128xf32, #tpu.memory_space<hbm>>
      tpu.enqueue_dma source(%dma_start3A_102 : memref<32x128xf32, #tpu.memory_space<hbm>>) target(%dma_start3A_100 : memref<32x128xf32, #tpu.memory_space<vmem>>) target_semaphore(%arg15 : memref<!tpu.dma_semaphore, #tpu.memory_space<semaphore_mem>>)
      %slice3A_103 = vector.extract_strided_slice %mul3A_28 {offsets = [6], sizes = [1], strides = [1]} : vector<16xi32> to vector<1xi32>
      %squeeze3A_104 = vector.extract %slice3A_103[0] : i32 from vector<1xi32>
      %multiple_of3A_105 = tpu.assume_multiple %squeeze3A_104, 128 : i32
      %dma_start3A_106 = arith.constant 192 : i32
      %dma_start3A_107 = arith.constant 0 : i32
      %dma_start3A_108 = tpu.memref_slice %arg11[%dma_start3A_106, %dma_start3A_107] : memref<512x128xf32, #tpu.memory_space<vmem>> -> memref<32x128xf32, #tpu.memory_space<vmem>>
      %dma_start3A_109 = arith.constant 0 : i32
      %dma_start3A_110 = tpu.memref_slice %arg5[%dma_start3A_109, %multiple_of3A_105] : memref<32x1000000xf32, #tpu.memory_space<hbm>> -> memref<32x128xf32, #tpu.memory_space<hbm>>
      %dma_start3A_111 = arith.constant 192 : i32
      %dma_start3A_112 = arith.constant 0 : i32
      %dma_start3A_113 = tpu.memref_slice %arg11[%dma_start3A_111, %dma_start3A_112] : memref<512x128xf32, #tpu.memory_space<vmem>> -> memref<32x128xf32, #tpu.memory_space<vmem>>
      %dma_start3A_114 = arith.constant 0 : i32
      %dma_start3A_115 = tpu.memref_slice %arg5[%dma_start3A_114, %multiple_of3A_105] : memref<32x1000000xf32, #tpu.memory_space<hbm>> -> memref<32x128xf32, #tpu.memory_space<hbm>>
      tpu.enqueue_dma source(%dma_start3A_115 : memref<32x128xf32, #tpu.memory_space<hbm>>) target(%dma_start3A_113 : memref<32x128xf32, #tpu.memory_space<vmem>>) target_semaphore(%arg15 : memref<!tpu.dma_semaphore, #tpu.memory_space<semaphore_mem>>)
      %slice3A_116 = vector.extract_strided_slice %mul3A_28 {offsets = [7], sizes = [1], strides = [1]} : vector<16xi32> to vector<1xi32>
      %squeeze3A_117 = vector.extract %slice3A_116[0] : i32 from vector<1xi32>
      %multiple_of3A_118 = tpu.assume_multiple %squeeze3A_117, 128 : i32
      %dma_start3A_119 = arith.constant 224 : i32
      %dma_start3A_120 = arith.constant 0 : i32
      %dma_start3A_121 = tpu.memref_slice %arg11[%dma_start3A_119, %dma_start3A_120] : memref<512x128xf32, #tpu.memory_space<vmem>> -> memref<32x128xf32, #tpu.memory_space<vmem>>
      %dma_start3A_122 = arith.constant 0 : i32
      %dma_start3A_123 = tpu.memref_slice %arg5[%dma_start3A_122, %multiple_of3A_118] : memref<32x1000000xf32, #tpu.memory_space<hbm>> -> memref<32x128xf32, #tpu.memory_space<hbm>>
      %dma_start3A_124 = arith.constant 224 : i32
      %dma_start3A_125 = arith.constant 0 : i32
      %dma_start3A_126 = tpu.memref_slice %arg11[%dma_start3A_124, %dma_start3A_125] : memref<512x128xf32, #tpu.memory_space<vmem>> -> memref<32x128xf32, #tpu.memory_space<vmem>>
      %dma_start3A_127 = arith.constant 0 : i32
      %dma_start3A_128 = tpu.memref_slice %arg5[%dma_start3A_127, %multiple_of3A_118] : memref<32x1000000xf32, #tpu.memory_space<hbm>> -> memref<32x128xf32, #tpu.memory_space<hbm>>
      tpu.enqueue_dma source(%dma_start3A_128 : memref<32x128xf32, #tpu.memory_space<hbm>>) target(%dma_start3A_126 : memref<32x128xf32, #tpu.memory_space<vmem>>) target_semaphore(%arg15 : memref<!tpu.dma_semaphore, #tpu.memory_space<semaphore_mem>>)
      %slice3A_129 = vector.extract_strided_slice %mul3A_28 {offsets = [8], sizes = [1], strides = [1]} : vector<16xi32> to vector<1xi32>
      %squeeze3A_130 = vector.extract %slice3A_129[0] : i32 from vector<1xi32>
      %multiple_of3A_131 = tpu.assume_multiple %squeeze3A_130, 128 : i32
      %dma_start3A_132 = arith.constant 256 : i32
      %dma_start3A_133 = arith.constant 0 : i32
      %dma_start3A_134 = tpu.memref_slice %arg11[%dma_start3A_132, %dma_start3A_133] : memref<512x128xf32, #tpu.memory_space<vmem>> -> memref<32x128xf32, #tpu.memory_space<vmem>>
      %dma_start3A_135 = arith.constant 0 : i32
      %dma_start3A_136 = tpu.memref_slice %arg5[%dma_start3A_135, %multiple_of3A_131] : memref<32x1000000xf32, #tpu.memory_space<hbm>> -> memref<32x128xf32, #tpu.memory_space<hbm>>
      %dma_start3A_137 = arith.constant 256 : i32
      %dma_start3A_138 = arith.constant 0 : i32
      %dma_start3A_139 = tpu.memref_slice %arg11[%dma_start3A_137, %dma_start3A_138] : memref<512x128xf32, #tpu.memory_space<vmem>> -> memref<32x128xf32, #tpu.memory_space<vmem>>
      %dma_start3A_140 = arith.constant 0 : i32
      %dma_start3A_141 = tpu.memref_slice %arg5[%dma_start3A_140, %multiple_of3A_131] : memref<32x1000000xf32, #tpu.memory_space<hbm>> -> memref<32x128xf32, #tpu.memory_space<hbm>>
      tpu.enqueue_dma source(%dma_start3A_141 : memref<32x128xf32, #tpu.memory_space<hbm>>) target(%dma_start3A_139 : memref<32x128xf32, #tpu.memory_space<vmem>>) target_semaphore(%arg15 : memref<!tpu.dma_semaphore, #tpu.memory_space<semaphore_mem>>)
      %slice3A_142 = vector.extract_strided_slice %mul3A_28 {offsets = [9], sizes = [1], strides = [1]} : vector<16xi32> to vector<1xi32>
      %squeeze3A_143 = vector.extract %slice3A_142[0] : i32 from vector<1xi32>
      %multiple_of3A_144 = tpu.assume_multiple %squeeze3A_143, 128 : i32
      %dma_start3A_145 = arith.constant 288 : i32
      %dma_start3A_146 = arith.constant 0 : i32
      %dma_start3A_147 = tpu.memref_slice %arg11[%dma_start3A_145, %dma_start3A_146] : memref<512x128xf32, #tpu.memory_space<vmem>> -> memref<32x128xf32, #tpu.memory_space<vmem>>
      %dma_start3A_148 = arith.constant 0 : i32
      %dma_start3A_149 = tpu.memref_slice %arg5[%dma_start3A_148, %multiple_of3A_144] : memref<32x1000000xf32, #tpu.memory_space<hbm>> -> memref<32x128xf32, #tpu.memory_space<hbm>>
      %dma_start3A_150 = arith.constant 288 : i32
      %dma_start3A_151 = arith.constant 0 : i32
      %dma_start3A_152 = tpu.memref_slice %arg11[%dma_start3A_150, %dma_start3A_151] : memref<512x128xf32, #tpu.memory_space<vmem>> -> memref<32x128xf32, #tpu.memory_space<vmem>>
      %dma_start3A_153 = arith.constant 0 : i32
      %dma_start3A_154 = tpu.memref_slice %arg5[%dma_start3A_153, %multiple_of3A_144] : memref<32x1000000xf32, #tpu.memory_space<hbm>> -> memref<32x128xf32, #tpu.memory_space<hbm>>
      tpu.enqueue_dma source(%dma_start3A_154 : memref<32x128xf32, #tpu.memory_space<hbm>>) target(%dma_start3A_152 : memref<32x128xf32, #tpu.memory_space<vmem>>) target_semaphore(%arg15 : memref<!tpu.dma_semaphore, #tpu.memory_space<semaphore_mem>>)
      %slice3A_155 = vector.extract_strided_slice %mul3A_28 {offsets = [10], sizes = [1], strides = [1]} : vector<16xi32> to vector<1xi32>
      %squeeze3A_156 = vector.extract %slice3A_155[0] : i32 from vector<1xi32>
      %multiple_of3A_157 = tpu.assume_multiple %squeeze3A_156, 128 : i32
      %dma_start3A_158 = arith.constant 320 : i32
      %dma_start3A_159 = arith.constant 0 : i32
      %dma_start3A_160 = tpu.memref_slice %arg11[%dma_start3A_158, %dma_start3A_159] : memref<512x128xf32, #tpu.memory_space<vmem>> -> memref<32x128xf32, #tpu.memory_space<vmem>>
      %dma_start3A_161 = arith.constant 0 : i32
      %dma_start3A_162 = tpu.memref_slice %arg5[%dma_start3A_161, %multiple_of3A_157] : memref<32x1000000xf32, #tpu.memory_space<hbm>> -> memref<32x128xf32, #tpu.memory_space<hbm>>
      %dma_start3A_163 = arith.constant 320 : i32
      %dma_start3A_164 = arith.constant 0 : i32
      %dma_start3A_165 = tpu.memref_slice %arg11[%dma_start3A_163, %dma_start3A_164] : memref<512x128xf32, #tpu.memory_space<vmem>> -> memref<32x128xf32, #tpu.memory_space<vmem>>
      %dma_start3A_166 = arith.constant 0 : i32
      %dma_start3A_167 = tpu.memref_slice %arg5[%dma_start3A_166, %multiple_of3A_157] : memref<32x1000000xf32, #tpu.memory_space<hbm>> -> memref<32x128xf32, #tpu.memory_space<hbm>>
      tpu.enqueue_dma source(%dma_start3A_167 : memref<32x128xf32, #tpu.memory_space<hbm>>) target(%dma_start3A_165 : memref<32x128xf32, #tpu.memory_space<vmem>>) target_semaphore(%arg15 : memref<!tpu.dma_semaphore, #tpu.memory_space<semaphore_mem>>)
      %slice3A_168 = vector.extract_strided_slice %mul3A_28 {offsets = [11], sizes = [1], strides = [1]} : vector<16xi32> to vector<1xi32>
      %squeeze3A_169 = vector.extract %slice3A_168[0] : i32 from vector<1xi32>
      %multiple_of3A_170 = tpu.assume_multiple %squeeze3A_169, 128 : i32
      %dma_start3A_171 = arith.constant 352 : i32
      %dma_start3A_172 = arith.constant 0 : i32
      %dma_start3A_173 = tpu.memref_slice %arg11[%dma_start3A_171, %dma_start3A_172] : memref<512x128xf32, #tpu.memory_space<vmem>> -> memref<32x128xf32, #tpu.memory_space<vmem>>
      %dma_start3A_174 = arith.constant 0 : i32
      %dma_start3A_175 = tpu.memref_slice %arg5[%dma_start3A_174, %multiple_of3A_170] : memref<32x1000000xf32, #tpu.memory_space<hbm>> -> memref<32x128xf32, #tpu.memory_space<hbm>>
      %dma_start3A_176 = arith.constant 352 : i32
      %dma_start3A_177 = arith.constant 0 : i32
      %dma_start3A_178 = tpu.memref_slice %arg11[%dma_start3A_176, %dma_start3A_177] : memref<512x128xf32, #tpu.memory_space<vmem>> -> memref<32x128xf32, #tpu.memory_space<vmem>>
      %dma_start3A_179 = arith.constant 0 : i32
      %dma_start3A_180 = tpu.memref_slice %arg5[%dma_start3A_179, %multiple_of3A_170] : memref<32x1000000xf32, #tpu.memory_space<hbm>> -> memref<32x128xf32, #tpu.memory_space<hbm>>
      tpu.enqueue_dma source(%dma_start3A_180 : memref<32x128xf32, #tpu.memory_space<hbm>>) target(%dma_start3A_178 : memref<32x128xf32, #tpu.memory_space<vmem>>) target_semaphore(%arg15 : memref<!tpu.dma_semaphore, #tpu.memory_space<semaphore_mem>>)
      %slice3A_181 = vector.extract_strided_slice %mul3A_28 {offsets = [12], sizes = [1], strides = [1]} : vector<16xi32> to vector<1xi32>
      %squeeze3A_182 = vector.extract %slice3A_181[0] : i32 from vector<1xi32>
      %multiple_of3A_183 = tpu.assume_multiple %squeeze3A_182, 128 : i32
      %dma_start3A_184 = arith.constant 384 : i32
      %dma_start3A_185 = arith.constant 0 : i32
      %dma_start3A_186 = tpu.memref_slice %arg11[%dma_start3A_184, %dma_start3A_185] : memref<512x128xf32, #tpu.memory_space<vmem>> -> memref<32x128xf32, #tpu.memory_space<vmem>>
      %dma_start3A_187 = arith.constant 0 : i32
      %dma_start3A_188 = tpu.memref_slice %arg5[%dma_start3A_187, %multiple_of3A_183] : memref<32x1000000xf32, #tpu.memory_space<hbm>> -> memref<32x128xf32, #tpu.memory_space<hbm>>
      %dma_start3A_189 = arith.constant 384 : i32
      %dma_start3A_190 = arith.constant 0 : i32
      %dma_start3A_191 = tpu.memref_slice %arg11[%dma_start3A_189, %dma_start3A_190] : memref<512x128xf32, #tpu.memory_space<vmem>> -> memref<32x128xf32, #tpu.memory_space<vmem>>
      %dma_start3A_192 = arith.constant 0 : i32
      %dma_start3A_193 = tpu.memref_slice %arg5[%dma_start3A_192, %multiple_of3A_183] : memref<32x1000000xf32, #tpu.memory_space<hbm>> -> memref<32x128xf32, #tpu.memory_space<hbm>>
      tpu.enqueue_dma source(%dma_start3A_193 : memref<32x128xf32, #tpu.memory_space<hbm>>) target(%dma_start3A_191 : memref<32x128xf32, #tpu.memory_space<vmem>>) target_semaphore(%arg15 : memref<!tpu.dma_semaphore, #tpu.memory_space<semaphore_mem>>)
      %slice3A_194 = vector.extract_strided_slice %mul3A_28 {offsets = [13], sizes = [1], strides = [1]} : vector<16xi32> to vector<1xi32>
      %squeeze3A_195 = vector.extract %slice3A_194[0] : i32 from vector<1xi32>
      %multiple_of3A_196 = tpu.assume_multiple %squeeze3A_195, 128 : i32
      %dma_start3A_197 = arith.constant 416 : i32
      %dma_start3A_198 = arith.constant 0 : i32
      %dma_start3A_199 = tpu.memref_slice %arg11[%dma_start3A_197, %dma_start3A_198] : memref<512x128xf32, #tpu.memory_space<vmem>> -> memref<32x128xf32, #tpu.memory_space<vmem>>
      %dma_start3A_200 = arith.constant 0 : i32
      %dma_start3A_201 = tpu.memref_slice %arg5[%dma_start3A_200, %multiple_of3A_196] : memref<32x1000000xf32, #tpu.memory_space<hbm>> -> memref<32x128xf32, #tpu.memory_space<hbm>>
      %dma_start3A_202 = arith.constant 416 : i32
      %dma_start3A_203 = arith.constant 0 : i32
      %dma_start3A_204 = tpu.memref_slice %arg11[%dma_start3A_202, %dma_start3A_203] : memref<512x128xf32, #tpu.memory_space<vmem>> -> memref<32x128xf32, #tpu.memory_space<vmem>>
      %dma_start3A_205 = arith.constant 0 : i32
      %dma_start3A_206 = tpu.memref_slice %arg5[%dma_start3A_205, %multiple_of3A_196] : memref<32x1000000xf32, #tpu.memory_space<hbm>> -> memref<32x128xf32, #tpu.memory_space<hbm>>
      tpu.enqueue_dma source(%dma_start3A_206 : memref<32x128xf32, #tpu.memory_space<hbm>>) target(%dma_start3A_204 : memref<32x128xf32, #tpu.memory_space<vmem>>) target_semaphore(%arg15 : memref<!tpu.dma_semaphore, #tpu.memory_space<semaphore_mem>>)
      %slice3A_207 = vector.extract_strided_slice %mul3A_28 {offsets = [14], sizes = [1], strides = [1]} : vector<16xi32> to vector<1xi32>
      %squeeze3A_208 = vector.extract %slice3A_207[0] : i32 from vector<1xi32>
      %multiple_of3A_209 = tpu.assume_multiple %squeeze3A_208, 128 : i32
      %dma_start3A_210 = arith.constant 448 : i32
      %dma_start3A_211 = arith.constant 0 : i32
      %dma_start3A_212 = tpu.memref_slice %arg11[%dma_start3A_210, %dma_start3A_211] : memref<512x128xf32, #tpu.memory_space<vmem>> -> memref<32x128xf32, #tpu.memory_space<vmem>>
      %dma_start3A_213 = arith.constant 0 : i32
      %dma_start3A_214 = tpu.memref_slice %arg5[%dma_start3A_213, %multiple_of3A_209] : memref<32x1000000xf32, #tpu.memory_space<hbm>> -> memref<32x128xf32, #tpu.memory_space<hbm>>
      %dma_start3A_215 = arith.constant 448 : i32
      %dma_start3A_216 = arith.constant 0 : i32
      %dma_start3A_217 = tpu.memref_slice %arg11[%dma_start3A_215, %dma_start3A_216] : memref<512x128xf32, #tpu.memory_space<vmem>> -> memref<32x128xf32, #tpu.memory_space<vmem>>
      %dma_start3A_218 = arith.constant 0 : i32
      %dma_start3A_219 = tpu.memref_slice %arg5[%dma_start3A_218, %multiple_of3A_209] : memref<32x1000000xf32, #tpu.memory_space<hbm>> -> memref<32x128xf32, #tpu.memory_space<hbm>>
      tpu.enqueue_dma source(%dma_start3A_219 : memref<32x128xf32, #tpu.memory_space<hbm>>) target(%dma_start3A_217 : memref<32x128xf32, #tpu.memory_space<vmem>>) target_semaphore(%arg15 : memref<!tpu.dma_semaphore, #tpu.memory_space<semaphore_mem>>)
      %slice3A_220 = vector.extract_strided_slice %mul3A_28 {offsets = [15], sizes = [1], strides = [1]} : vector<16xi32> to vector<1xi32>
      %squeeze3A_221 = vector.extract %slice3A_220[0] : i32 from vector<1xi32>
      %multiple_of3A_222 = tpu.assume_multiple %squeeze3A_221, 128 : i32
      %dma_start3A_223 = arith.constant 480 : i32
      %dma_start3A_224 = arith.constant 0 : i32
      %dma_start3A_225 = tpu.memref_slice %arg11[%dma_start3A_223, %dma_start3A_224] : memref<512x128xf32, #tpu.memory_space<vmem>> -> memref<32x128xf32, #tpu.memory_space<vmem>>
      %dma_start3A_226 = arith.constant 0 : i32
      %dma_start3A_227 = tpu.memref_slice %arg5[%dma_start3A_226, %multiple_of3A_222] : memref<32x1000000xf32, #tpu.memory_space<hbm>> -> memref<32x128xf32, #tpu.memory_space<hbm>>
      %dma_start3A_228 = arith.constant 480 : i32
      %dma_start3A_229 = arith.constant 0 : i32
      %dma_start3A_230 = tpu.memref_slice %arg11[%dma_start3A_228, %dma_start3A_229] : memref<512x128xf32, #tpu.memory_space<vmem>> -> memref<32x128xf32, #tpu.memory_space<vmem>>
      %dma_start3A_231 = arith.constant 0 : i32
      %dma_start3A_232 = tpu.memref_slice %arg5[%dma_start3A_231, %multiple_of3A_222] : memref<32x1000000xf32, #tpu.memory_space<hbm>> -> memref<32x128xf32, #tpu.memory_space<hbm>>
      tpu.enqueue_dma source(%dma_start3A_232 : memref<32x128xf32, #tpu.memory_space<hbm>>) target(%dma_start3A_230 : memref<32x128xf32, #tpu.memory_space<vmem>>) target_semaphore(%arg15 : memref<!tpu.dma_semaphore, #tpu.memory_space<semaphore_mem>>)
      %dma_wait3A = arith.constant 0 : i32
      %dma_wait3A_233 = arith.constant 0 : i32
      %dma_wait3A_234 = tpu.memref_slice %arg11[%dma_wait3A, %dma_wait3A_233] : memref<512x128xf32, #tpu.memory_space<vmem>> -> memref<32x128xf32, #tpu.memory_space<vmem>>
      %dma_wait3A_235 = arith.constant 0 : i32
      %dma_wait3A_236 = tpu.memref_slice %arg5[%dma_wait3A_235, %multiple_of3A] : memref<32x1000000xf32, #tpu.memory_space<hbm>> -> memref<32x128xf32, #tpu.memory_space<hbm>>
      %dma_wait3A_237 = arith.constant 0 : i32
      %dma_wait3A_238 = arith.constant 0 : i32
      %dma_wait3A_239 = tpu.memref_slice %arg11[%dma_wait3A_237, %dma_wait3A_238] : memref<512x128xf32, #tpu.memory_space<vmem>> -> memref<32x128xf32, #tpu.memory_space<vmem>>
      %dma_wait3A_240 = arith.constant 0 : i32
      %dma_wait3A_241 = tpu.memref_slice %arg5[%dma_wait3A_240, %multiple_of3A] : memref<32x1000000xf32, #tpu.memory_space<hbm>> -> memref<32x128xf32, #tpu.memory_space<hbm>>
      tpu.wait_dma2 semaphore(%arg15 : memref<!tpu.dma_semaphore, #tpu.memory_space<semaphore_mem>>) src(%dma_wait3A_241 : memref<32x128xf32, #tpu.memory_space<hbm>>) dst(%dma_wait3A_239 : memref<32x128xf32, #tpu.memory_space<vmem>>)
      %dma_wait3A_242 = arith.constant 32 : i32
      %dma_wait3A_243 = arith.constant 0 : i32
      %dma_wait3A_244 = tpu.memref_slice %arg11[%dma_wait3A_242, %dma_wait3A_243] : memref<512x128xf32, #tpu.memory_space<vmem>> -> memref<32x128xf32, #tpu.memory_space<vmem>>
      %dma_wait3A_245 = arith.constant 0 : i32
      %dma_wait3A_246 = tpu.memref_slice %arg5[%dma_wait3A_245, %multiple_of3A_40] : memref<32x1000000xf32, #tpu.memory_space<hbm>> -> memref<32x128xf32, #tpu.memory_space<hbm>>
      %dma_wait3A_247 = arith.constant 32 : i32
      %dma_wait3A_248 = arith.constant 0 : i32
      %dma_wait3A_249 = tpu.memref_slice %arg11[%dma_wait3A_247, %dma_wait3A_248] : memref<512x128xf32, #tpu.memory_space<vmem>> -> memref<32x128xf32, #tpu.memory_space<vmem>>
      %dma_wait3A_250 = arith.constant 0 : i32
      %dma_wait3A_251 = tpu.memref_slice %arg5[%dma_wait3A_250, %multiple_of3A_40] : memref<32x1000000xf32, #tpu.memory_space<hbm>> -> memref<32x128xf32, #tpu.memory_space<hbm>>
      tpu.wait_dma2 semaphore(%arg15 : memref<!tpu.dma_semaphore, #tpu.memory_space<semaphore_mem>>) src(%dma_wait3A_251 : memref<32x128xf32, #tpu.memory_space<hbm>>) dst(%dma_wait3A_249 : memref<32x128xf32, #tpu.memory_space<vmem>>)
      %dma_wait3A_252 = arith.constant 64 : i32
      %dma_wait3A_253 = arith.constant 0 : i32
      %dma_wait3A_254 = tpu.memref_slice %arg11[%dma_wait3A_252, %dma_wait3A_253] : memref<512x128xf32, #tpu.memory_space<vmem>> -> memref<32x128xf32, #tpu.memory_space<vmem>>
      %dma_wait3A_255 = arith.constant 0 : i32
      %dma_wait3A_256 = tpu.memref_slice %arg5[%dma_wait3A_255, %multiple_of3A_53] : memref<32x1000000xf32, #tpu.memory_space<hbm>> -> memref<32x128xf32, #tpu.memory_space<hbm>>
      %dma_wait3A_257 = arith.constant 64 : i32
      %dma_wait3A_258 = arith.constant 0 : i32
      %dma_wait3A_259 = tpu.memref_slice %arg11[%dma_wait3A_257, %dma_wait3A_258] : memref<512x128xf32, #tpu.memory_space<vmem>> -> memref<32x128xf32, #tpu.memory_space<vmem>>
      %dma_wait3A_260 = arith.constant 0 : i32
      %dma_wait3A_261 = tpu.memref_slice %arg5[%dma_wait3A_260, %multiple_of3A_53] : memref<32x1000000xf32, #tpu.memory_space<hbm>> -> memref<32x128xf32, #tpu.memory_space<hbm>>
      tpu.wait_dma2 semaphore(%arg15 : memref<!tpu.dma_semaphore, #tpu.memory_space<semaphore_mem>>) src(%dma_wait3A_261 : memref<32x128xf32, #tpu.memory_space<hbm>>) dst(%dma_wait3A_259 : memref<32x128xf32, #tpu.memory_space<vmem>>)
      %dma_wait3A_262 = arith.constant 96 : i32
      %dma_wait3A_263 = arith.constant 0 : i32
      %dma_wait3A_264 = tpu.memref_slice %arg11[%dma_wait3A_262, %dma_wait3A_263] : memref<512x128xf32, #tpu.memory_space<vmem>> -> memref<32x128xf32, #tpu.memory_space<vmem>>
      %dma_wait3A_265 = arith.constant 0 : i32
      %dma_wait3A_266 = tpu.memref_slice %arg5[%dma_wait3A_265, %multiple_of3A_66] : memref<32x1000000xf32, #tpu.memory_space<hbm>> -> memref<32x128xf32, #tpu.memory_space<hbm>>
      %dma_wait3A_267 = arith.constant 96 : i32
      %dma_wait3A_268 = arith.constant 0 : i32
      %dma_wait3A_269 = tpu.memref_slice %arg11[%dma_wait3A_267, %dma_wait3A_268] : memref<512x128xf32, #tpu.memory_space<vmem>> -> memref<32x128xf32, #tpu.memory_space<vmem>>
      %dma_wait3A_270 = arith.constant 0 : i32
      %dma_wait3A_271 = tpu.memref_slice %arg5[%dma_wait3A_270, %multiple_of3A_66] : memref<32x1000000xf32, #tpu.memory_space<hbm>> -> memref<32x128xf32, #tpu.memory_space<hbm>>
      tpu.wait_dma2 semaphore(%arg15 : memref<!tpu.dma_semaphore, #tpu.memory_space<semaphore_mem>>) src(%dma_wait3A_271 : memref<32x128xf32, #tpu.memory_space<hbm>>) dst(%dma_wait3A_269 : memref<32x128xf32, #tpu.memory_space<vmem>>)
      %dma_wait3A_272 = arith.constant 128 : i32
      %dma_wait3A_273 = arith.constant 0 : i32
      %dma_wait3A_274 = tpu.memref_slice %arg11[%dma_wait3A_272, %dma_wait3A_273] : memref<512x128xf32, #tpu.memory_space<vmem>> -> memref<32x128xf32, #tpu.memory_space<vmem>>
      %dma_wait3A_275 = arith.constant 0 : i32
      %dma_wait3A_276 = tpu.memref_slice %arg5[%dma_wait3A_275, %multiple_of3A_79] : memref<32x1000000xf32, #tpu.memory_space<hbm>> -> memref<32x128xf32, #tpu.memory_space<hbm>>
      %dma_wait3A_277 = arith.constant 128 : i32
      %dma_wait3A_278 = arith.constant 0 : i32
      %dma_wait3A_279 = tpu.memref_slice %arg11[%dma_wait3A_277, %dma_wait3A_278] : memref<512x128xf32, #tpu.memory_space<vmem>> -> memref<32x128xf32, #tpu.memory_space<vmem>>
      %dma_wait3A_280 = arith.constant 0 : i32
      %dma_wait3A_281 = tpu.memref_slice %arg5[%dma_wait3A_280, %multiple_of3A_79] : memref<32x1000000xf32, #tpu.memory_space<hbm>> -> memref<32x128xf32, #tpu.memory_space<hbm>>
      tpu.wait_dma2 semaphore(%arg15 : memref<!tpu.dma_semaphore, #tpu.memory_space<semaphore_mem>>) src(%dma_wait3A_281 : memref<32x128xf32, #tpu.memory_space<hbm>>) dst(%dma_wait3A_279 : memref<32x128xf32, #tpu.memory_space<vmem>>)
      %dma_wait3A_282 = arith.constant 160 : i32
      %dma_wait3A_283 = arith.constant 0 : i32
      %dma_wait3A_284 = tpu.memref_slice %arg11[%dma_wait3A_282, %dma_wait3A_283] : memref<512x128xf32, #tpu.memory_space<vmem>> -> memref<32x128xf32, #tpu.memory_space<vmem>>
      %dma_wait3A_285 = arith.constant 0 : i32
      %dma_wait3A_286 = tpu.memref_slice %arg5[%dma_wait3A_285, %multiple_of3A_92] : memref<32x1000000xf32, #tpu.memory_space<hbm>> -> memref<32x128xf32, #tpu.memory_space<hbm>>
      %dma_wait3A_287 = arith.constant 160 : i32
      %dma_wait3A_288 = arith.constant 0 : i32
      %dma_wait3A_289 = tpu.memref_slice %arg11[%dma_wait3A_287, %dma_wait3A_288] : memref<512x128xf32, #tpu.memory_space<vmem>> -> memref<32x128xf32, #tpu.memory_space<vmem>>
      %dma_wait3A_290 = arith.constant 0 : i32
      %dma_wait3A_291 = tpu.memref_slice %arg5[%dma_wait3A_290, %multiple_of3A_92] : memref<32x1000000xf32, #tpu.memory_space<hbm>> -> memref<32x128xf32, #tpu.memory_space<hbm>>
      tpu.wait_dma2 semaphore(%arg15 : memref<!tpu.dma_semaphore, #tpu.memory_space<semaphore_mem>>) src(%dma_wait3A_291 : memref<32x128xf32, #tpu.memory_space<hbm>>) dst(%dma_wait3A_289 : memref<32x128xf32, #tpu.memory_space<vmem>>)
      %dma_wait3A_292 = arith.constant 192 : i32
      %dma_wait3A_293 = arith.constant 0 : i32
      %dma_wait3A_294 = tpu.memref_slice %arg11[%dma_wait3A_292, %dma_wait3A_293] : memref<512x128xf32, #tpu.memory_space<vmem>> -> memref<32x128xf32, #tpu.memory_space<vmem>>
      %dma_wait3A_295 = arith.constant 0 : i32
      %dma_wait3A_296 = tpu.memref_slice %arg5[%dma_wait3A_295, %multiple_of3A_105] : memref<32x1000000xf32, #tpu.memory_space<hbm>> -> memref<32x128xf32, #tpu.memory_space<hbm>>
      %dma_wait3A_297 = arith.constant 192 : i32
      %dma_wait3A_298 = arith.constant 0 : i32
      %dma_wait3A_299 = tpu.memref_slice %arg11[%dma_wait3A_297, %dma_wait3A_298] : memref<512x128xf32, #tpu.memory_space<vmem>> -> memref<32x128xf32, #tpu.memory_space<vmem>>
      %dma_wait3A_300 = arith.constant 0 : i32
      %dma_wait3A_301 = tpu.memref_slice %arg5[%dma_wait3A_300, %multiple_of3A_105] : memref<32x1000000xf32, #tpu.memory_space<hbm>> -> memref<32x128xf32, #tpu.memory_space<hbm>>
      tpu.wait_dma2 semaphore(%arg15 : memref<!tpu.dma_semaphore, #tpu.memory_space<semaphore_mem>>) src(%dma_wait3A_301 : memref<32x128xf32, #tpu.memory_space<hbm>>) dst(%dma_wait3A_299 : memref<32x128xf32, #tpu.memory_space<vmem>>)
      %dma_wait3A_302 = arith.constant 224 : i32
      %dma_wait3A_303 = arith.constant 0 : i32
      %dma_wait3A_304 = tpu.memref_slice %arg11[%dma_wait3A_302, %dma_wait3A_303] : memref<512x128xf32, #tpu.memory_space<vmem>> -> memref<32x128xf32, #tpu.memory_space<vmem>>
      %dma_wait3A_305 = arith.constant 0 : i32
      %dma_wait3A_306 = tpu.memref_slice %arg5[%dma_wait3A_305, %multiple_of3A_118] : memref<32x1000000xf32, #tpu.memory_space<hbm>> -> memref<32x128xf32, #tpu.memory_space<hbm>>
      %dma_wait3A_307 = arith.constant 224 : i32
      %dma_wait3A_308 = arith.constant 0 : i32
      %dma_wait3A_309 = tpu.memref_slice %arg11[%dma_wait3A_307, %dma_wait3A_308] : memref<512x128xf32, #tpu.memory_space<vmem>> -> memref<32x128xf32, #tpu.memory_space<vmem>>
      %dma_wait3A_310 = arith.constant 0 : i32
      %dma_wait3A_311 = tpu.memref_slice %arg5[%dma_wait3A_310, %multiple_of3A_118] : memref<32x1000000xf32, #tpu.memory_space<hbm>> -> memref<32x128xf32, #tpu.memory_space<hbm>>
      tpu.wait_dma2 semaphore(%arg15 : memref<!tpu.dma_semaphore, #tpu.memory_space<semaphore_mem>>) src(%dma_wait3A_311 : memref<32x128xf32, #tpu.memory_space<hbm>>) dst(%dma_wait3A_309 : memref<32x128xf32, #tpu.memory_space<vmem>>)
      %dma_wait3A_312 = arith.constant 256 : i32
      %dma_wait3A_313 = arith.constant 0 : i32
      %dma_wait3A_314 = tpu.memref_slice %arg11[%dma_wait3A_312, %dma_wait3A_313] : memref<512x128xf32, #tpu.memory_space<vmem>> -> memref<32x128xf32, #tpu.memory_space<vmem>>
      %dma_wait3A_315 = arith.constant 0 : i32
      %dma_wait3A_316 = tpu.memref_slice %arg5[%dma_wait3A_315, %multiple_of3A_131] : memref<32x1000000xf32, #tpu.memory_space<hbm>> -> memref<32x128xf32, #tpu.memory_space<hbm>>
      %dma_wait3A_317 = arith.constant 256 : i32
      %dma_wait3A_318 = arith.constant 0 : i32
      %dma_wait3A_319 = tpu.memref_slice %arg11[%dma_wait3A_317, %dma_wait3A_318] : memref<512x128xf32, #tpu.memory_space<vmem>> -> memref<32x128xf32, #tpu.memory_space<vmem>>
      %dma_wait3A_320 = arith.constant 0 : i32
      %dma_wait3A_321 = tpu.memref_slice %arg5[%dma_wait3A_320, %multiple_of3A_131] : memref<32x1000000xf32, #tpu.memory_space<hbm>> -> memref<32x128xf32, #tpu.memory_space<hbm>>
      tpu.wait_dma2 semaphore(%arg15 : memref<!tpu.dma_semaphore, #tpu.memory_space<semaphore_mem>>) src(%dma_wait3A_321 : memref<32x128xf32, #tpu.memory_space<hbm>>) dst(%dma_wait3A_319 : memref<32x128xf32, #tpu.memory_space<vmem>>)
      %dma_wait3A_322 = arith.constant 288 : i32
      %dma_wait3A_323 = arith.constant 0 : i32
      %dma_wait3A_324 = tpu.memref_slice %arg11[%dma_wait3A_322, %dma_wait3A_323] : memref<512x128xf32, #tpu.memory_space<vmem>> -> memref<32x128xf32, #tpu.memory_space<vmem>>
      %dma_wait3A_325 = arith.constant 0 : i32
      %dma_wait3A_326 = tpu.memref_slice %arg5[%dma_wait3A_325, %multiple_of3A_144] : memref<32x1000000xf32, #tpu.memory_space<hbm>> -> memref<32x128xf32, #tpu.memory_space<hbm>>
      %dma_wait3A_327 = arith.constant 288 : i32
      %dma_wait3A_328 = arith.constant 0 : i32
      %dma_wait3A_329 = tpu.memref_slice %arg11[%dma_wait3A_327, %dma_wait3A_328] : memref<512x128xf32, #tpu.memory_space<vmem>> -> memref<32x128xf32, #tpu.memory_space<vmem>>
      %dma_wait3A_330 = arith.constant 0 : i32
      %dma_wait3A_331 = tpu.memref_slice %arg5[%dma_wait3A_330, %multiple_of3A_144] : memref<32x1000000xf32, #tpu.memory_space<hbm>> -> memref<32x128xf32, #tpu.memory_space<hbm>>
      tpu.wait_dma2 semaphore(%arg15 : memref<!tpu.dma_semaphore, #tpu.memory_space<semaphore_mem>>) src(%dma_wait3A_331 : memref<32x128xf32, #tpu.memory_space<hbm>>) dst(%dma_wait3A_329 : memref<32x128xf32, #tpu.memory_space<vmem>>)
      %dma_wait3A_332 = arith.constant 320 : i32
      %dma_wait3A_333 = arith.constant 0 : i32
      %dma_wait3A_334 = tpu.memref_slice %arg11[%dma_wait3A_332, %dma_wait3A_333] : memref<512x128xf32, #tpu.memory_space<vmem>> -> memref<32x128xf32, #tpu.memory_space<vmem>>
      %dma_wait3A_335 = arith.constant 0 : i32
      %dma_wait3A_336 = tpu.memref_slice %arg5[%dma_wait3A_335, %multiple_of3A_157] : memref<32x1000000xf32, #tpu.memory_space<hbm>> -> memref<32x128xf32, #tpu.memory_space<hbm>>
      %dma_wait3A_337 = arith.constant 320 : i32
      %dma_wait3A_338 = arith.constant 0 : i32
      %dma_wait3A_339 = tpu.memref_slice %arg11[%dma_wait3A_337, %dma_wait3A_338] : memref<512x128xf32, #tpu.memory_space<vmem>> -> memref<32x128xf32, #tpu.memory_space<vmem>>
      %dma_wait3A_340 = arith.constant 0 : i32
      %dma_wait3A_341 = tpu.memref_slice %arg5[%dma_wait3A_340, %multiple_of3A_157] : memref<32x1000000xf32, #tpu.memory_space<hbm>> -> memref<32x128xf32, #tpu.memory_space<hbm>>
      tpu.wait_dma2 semaphore(%arg15 : memref<!tpu.dma_semaphore, #tpu.memory_space<semaphore_mem>>) src(%dma_wait3A_341 : memref<32x128xf32, #tpu.memory_space<hbm>>) dst(%dma_wait3A_339 : memref<32x128xf32, #tpu.memory_space<vmem>>)
      %dma_wait3A_342 = arith.constant 352 : i32
      %dma_wait3A_343 = arith.constant 0 : i32
      %dma_wait3A_344 = tpu.memref_slice %arg11[%dma_wait3A_342, %dma_wait3A_343] : memref<512x128xf32, #tpu.memory_space<vmem>> -> memref<32x128xf32, #tpu.memory_space<vmem>>
      %dma_wait3A_345 = arith.constant 0 : i32
      %dma_wait3A_346 = tpu.memref_slice %arg5[%dma_wait3A_345, %multiple_of3A_170] : memref<32x1000000xf32, #tpu.memory_space<hbm>> -> memref<32x128xf32, #tpu.memory_space<hbm>>
      %dma_wait3A_347 = arith.constant 352 : i32
      %dma_wait3A_348 = arith.constant 0 : i32
      %dma_wait3A_349 = tpu.memref_slice %arg11[%dma_wait3A_347, %dma_wait3A_348] : memref<512x128xf32, #tpu.memory_space<vmem>> -> memref<32x128xf32, #tpu.memory_space<vmem>>
      %dma_wait3A_350 = arith.constant 0 : i32
      %dma_wait3A_351 = tpu.memref_slice %arg5[%dma_wait3A_350, %multiple_of3A_170] : memref<32x1000000xf32, #tpu.memory_space<hbm>> -> memref<32x128xf32, #tpu.memory_space<hbm>>
      tpu.wait_dma2 semaphore(%arg15 : memref<!tpu.dma_semaphore, #tpu.memory_space<semaphore_mem>>) src(%dma_wait3A_351 : memref<32x128xf32, #tpu.memory_space<hbm>>) dst(%dma_wait3A_349 : memref<32x128xf32, #tpu.memory_space<vmem>>)
      %dma_wait3A_352 = arith.constant 384 : i32
      %dma_wait3A_353 = arith.constant 0 : i32
      %dma_wait3A_354 = tpu.memref_slice %arg11[%dma_wait3A_352, %dma_wait3A_353] : memref<512x128xf32, #tpu.memory_space<vmem>> -> memref<32x128xf32, #tpu.memory_space<vmem>>
      %dma_wait3A_355 = arith.constant 0 : i32
      %dma_wait3A_356 = tpu.memref_slice %arg5[%dma_wait3A_355, %multiple_of3A_183] : memref<32x1000000xf32, #tpu.memory_space<hbm>> -> memref<32x128xf32, #tpu.memory_space<hbm>>
      %dma_wait3A_357 = arith.constant 384 : i32
      %dma_wait3A_358 = arith.constant 0 : i32
      %dma_wait3A_359 = tpu.memref_slice %arg11[%dma_wait3A_357, %dma_wait3A_358] : memref<512x128xf32, #tpu.memory_space<vmem>> -> memref<32x128xf32, #tpu.memory_space<vmem>>
      %dma_wait3A_360 = arith.constant 0 : i32
      %dma_wait3A_361 = tpu.memref_slice %arg5[%dma_wait3A_360, %multiple_of3A_183] : memref<32x1000000xf32, #tpu.memory_space<hbm>> -> memref<32x128xf32, #tpu.memory_space<hbm>>
      tpu.wait_dma2 semaphore(%arg15 : memref<!tpu.dma_semaphore, #tpu.memory_space<semaphore_mem>>) src(%dma_wait3A_361 : memref<32x128xf32, #tpu.memory_space<hbm>>) dst(%dma_wait3A_359 : memref<32x128xf32, #tpu.memory_space<vmem>>)
      %dma_wait3A_362 = arith.constant 416 : i32
      %dma_wait3A_363 = arith.constant 0 : i32
      %dma_wait3A_364 = tpu.memref_slice %arg11[%dma_wait3A_362, %dma_wait3A_363] : memref<512x128xf32, #tpu.memory_space<vmem>> -> memref<32x128xf32, #tpu.memory_space<vmem>>
      %dma_wait3A_365 = arith.constant 0 : i32
      %dma_wait3A_366 = tpu.memref_slice %arg5[%dma_wait3A_365, %multiple_of3A_196] : memref<32x1000000xf32, #tpu.memory_space<hbm>> -> memref<32x128xf32, #tpu.memory_space<hbm>>
      %dma_wait3A_367 = arith.constant 416 : i32
      %dma_wait3A_368 = arith.constant 0 : i32
      %dma_wait3A_369 = tpu.memref_slice %arg11[%dma_wait3A_367, %dma_wait3A_368] : memref<512x128xf32, #tpu.memory_space<vmem>> -> memref<32x128xf32, #tpu.memory_space<vmem>>
      %dma_wait3A_370 = arith.constant 0 : i32
      %dma_wait3A_371 = tpu.memref_slice %arg5[%dma_wait3A_370, %multiple_of3A_196] : memref<32x1000000xf32, #tpu.memory_space<hbm>> -> memref<32x128xf32, #tpu.memory_space<hbm>>
      tpu.wait_dma2 semaphore(%arg15 : memref<!tpu.dma_semaphore, #tpu.memory_space<semaphore_mem>>) src(%dma_wait3A_371 : memref<32x128xf32, #tpu.memory_space<hbm>>) dst(%dma_wait3A_369 : memref<32x128xf32, #tpu.memory_space<vmem>>)
      %dma_wait3A_372 = arith.constant 448 : i32
      %dma_wait3A_373 = arith.constant 0 : i32
      %dma_wait3A_374 = tpu.memref_slice %arg11[%dma_wait3A_372, %dma_wait3A_373] : memref<512x128xf32, #tpu.memory_space<vmem>> -> memref<32x128xf32, #tpu.memory_space<vmem>>
      %dma_wait3A_375 = arith.constant 0 : i32
      %dma_wait3A_376 = tpu.memref_slice %arg5[%dma_wait3A_375, %multiple_of3A_209] : memref<32x1000000xf32, #tpu.memory_space<hbm>> -> memref<32x128xf32, #tpu.memory_space<hbm>>
      %dma_wait3A_377 = arith.constant 448 : i32
      %dma_wait3A_378 = arith.constant 0 : i32
      %dma_wait3A_379 = tpu.memref_slice %arg11[%dma_wait3A_377, %dma_wait3A_378] : memref<512x128xf32, #tpu.memory_space<vmem>> -> memref<32x128xf32, #tpu.memory_space<vmem>>
      %dma_wait3A_380 = arith.constant 0 : i32
      %dma_wait3A_381 = tpu.memref_slice %arg5[%dma_wait3A_380, %multiple_of3A_209] : memref<32x1000000xf32, #tpu.memory_space<hbm>> -> memref<32x128xf32, #tpu.memory_space<hbm>>
      tpu.wait_dma2 semaphore(%arg15 : memref<!tpu.dma_semaphore, #tpu.memory_space<semaphore_mem>>) src(%dma_wait3A_381 : memref<32x128xf32, #tpu.memory_space<hbm>>) dst(%dma_wait3A_379 : memref<32x128xf32, #tpu.memory_space<vmem>>)
      %dma_wait3A_382 = arith.constant 480 : i32
      %dma_wait3A_383 = arith.constant 0 : i32
      %dma_wait3A_384 = tpu.memref_slice %arg11[%dma_wait3A_382, %dma_wait3A_383] : memref<512x128xf32, #tpu.memory_space<vmem>> -> memref<32x128xf32, #tpu.memory_space<vmem>>
      %dma_wait3A_385 = arith.constant 0 : i32
      %dma_wait3A_386 = tpu.memref_slice %arg5[%dma_wait3A_385, %multiple_of3A_222] : memref<32x1000000xf32, #tpu.memory_space<hbm>> -> memref<32x128xf32, #tpu.memory_space<hbm>>
      %dma_wait3A_387 = arith.constant 480 : i32
      %dma_wait3A_388 = arith.constant 0 : i32
      %dma_wait3A_389 = tpu.memref_slice %arg11[%dma_wait3A_387, %dma_wait3A_388] : memref<512x128xf32, #tpu.memory_space<vmem>> -> memref<32x128xf32, #tpu.memory_space<vmem>>
      %dma_wait3A_390 = arith.constant 0 : i32
      %dma_wait3A_391 = tpu.memref_slice %arg5[%dma_wait3A_390, %multiple_of3A_222] : memref<32x1000000xf32, #tpu.memory_space<hbm>> -> memref<32x128xf32, #tpu.memory_space<hbm>>
      tpu.wait_dma2 semaphore(%arg15 : memref<!tpu.dma_semaphore, #tpu.memory_space<semaphore_mem>>) src(%dma_wait3A_391 : memref<32x128xf32, #tpu.memory_space<hbm>>) dst(%dma_wait3A_389 : memref<32x128xf32, #tpu.memory_space<vmem>>)
      %mul3A_392 = arith.constant 16 : i32
      %mul3A_393 = arith.muli %scan3A_20, %mul3A_392 : i32
      %and3A = arith.constant 127 : i32
      %and3A_394 = vector.broadcast %and3A : i32 to vector<16xi32>
      %and3A_395 = arith.andi %get3A_23, %and3A_394 : vector<16xi32>
      %iota3A = tpu.iota {dimensions = array<i32: 0>} : vector<16xi32>
      %mul3A_396 = arith.constant 32 : i32
      %mul3A_397 = vector.broadcast %mul3A_396 : i32 to vector<16xi32>
      %mul3A_398 = arith.muli %iota3A, %mul3A_397 : vector<16xi32>
      %add3A_399 = arith.constant 0 : i32
      %add3A_400 = vector.broadcast %add3A_399 : i32 to vector<16xi32>
      %add3A_401 = arith.addi %mul3A_398, %add3A_400 : vector<16xi32>
      %gather3A = tpu.vector_load_idx %arg11[%add3A_401, %and3A_395] : memref<512x128xf32, #tpu.memory_space<vmem>>[vector<16xi32>, vector<16xi32>], vector<16xf32>,
      %get3A_402 = arith.constant 0 : i32
      %get3A_403 = arith.index_cast %get3A_402 : i32 to index
      %get3A_404 = arith.index_cast %mul3A_393 : i32 to index
      %get3A_405 = tpu.vector_load %arg12[%get3A_403, %get3A_404] {strides = array<i32>} : memref<32x512xf32, #tpu.memory_space<vmem>>, vector<16xf32>,
      %add3A_406 = arith.addf %get3A_405, %gather3A : vector<16xf32>
      %swap3A = arith.constant 0 : i32
      %swap3A_407 = arith.index_cast %swap3A : i32 to index
      %swap3A_408 = arith.index_cast %mul3A_393 : i32 to index
      %swap3A_409 = tpu.vector_load %arg12[%swap3A_407, %swap3A_408] {strides = array<i32>} : memref<32x512xf32, #tpu.memory_space<vmem>>, vector<16xf32>,
      tpu.vector_store %arg12[%swap3A_407, %swap3A_408], %add3A_406 {strides = array<i32>} : memref<32x512xf32, #tpu.memory_space<vmem>>, vector<16xf32>,
      %add3A_410 = arith.constant 1 : i32
      %add3A_411 = vector.broadcast %add3A_410 : i32 to vector<16xi32>
      %add3A_412 = arith.addi %mul3A_398, %add3A_411 : vector<16xi32>
      %gather3A_413 = tpu.vector_load_idx %arg11[%add3A_412, %and3A_395] : memref<512x128xf32, #tpu.memory_space<vmem>>[vector<16xi32>, vector<16xi32>], vector<16xf32>,
      %get3A_414 = arith.constant 1 : i32
      %get3A_415 = arith.index_cast %get3A_414 : i32 to index
      %get3A_416 = arith.index_cast %mul3A_393 : i32 to index
      %get3A_417 = tpu.vector_load %arg12[%get3A_415, %get3A_416] {strides = array<i32>} : memref<32x512xf32, #tpu.memory_space<vmem>>, vector<16xf32>,
      %add3A_418 = arith.addf %get3A_417, %gather3A_413 : vector<16xf32>
      %swap3A_419 = arith.constant 1 : i32
      %swap3A_420 = arith.index_cast %swap3A_419 : i32 to index
      %swap3A_421 = arith.index_cast %mul3A_393 : i32 to index
      %swap3A_422 = tpu.vector_load %arg12[%swap3A_420, %swap3A_421] {strides = array<i32>} : memref<32x512xf32, #tpu.memory_space<vmem>>, vector<16xf32>,
      tpu.vector_store %arg12[%swap3A_420, %swap3A_421], %add3A_418 {strides = array<i32>} : memref<32x512xf32, #tpu.memory_space<vmem>>, vector<16xf32>,
      %add3A_423 = arith.constant 2 : i32
      %add3A_424 = vector.broadcast %add3A_423 : i32 to vector<16xi32>
      %add3A_425 = arith.addi %mul3A_398, %add3A_424 : vector<16xi32>
      %gather3A_426 = tpu.vector_load_idx %arg11[%add3A_425, %and3A_395] : memref<512x128xf32, #tpu.memory_space<vmem>>[vector<16xi32>, vector<16xi32>], vector<16xf32>,
      %get3A_427 = arith.constant 2 : i32
      %get3A_428 = arith.index_cast %get3A_427 : i32 to index
      %get3A_429 = arith.index_cast %mul3A_393 : i32 to index
      %get3A_430 = tpu.vector_load %arg12[%get3A_428, %get3A_429] {strides = array<i32>} : memref<32x512xf32, #tpu.memory_space<vmem>>, vector<16xf32>,
      %add3A_431 = arith.addf %get3A_430, %gather3A_426 : vector<16xf32>
      %swap3A_432 = arith.constant 2 : i32
      %swap3A_433 = arith.index_cast %swap3A_432 : i32 to index
      %swap3A_434 = arith.index_cast %mul3A_393 : i32 to index
      %swap3A_435 = tpu.vector_load %arg12[%swap3A_433, %swap3A_434] {strides = array<i32>} : memref<32x512xf32, #tpu.memory_space<vmem>>, vector<16xf32>,
      tpu.vector_store %arg12[%swap3A_433, %swap3A_434], %add3A_431 {strides = array<i32>} : memref<32x512xf32, #tpu.memory_space<vmem>>, vector<16xf32>,
      %add3A_436 = arith.constant 3 : i32
      %add3A_437 = vector.broadcast %add3A_436 : i32 to vector<16xi32>
      %add3A_438 = arith.addi %mul3A_398, %add3A_437 : vector<16xi32>
      %gather3A_439 = tpu.vector_load_idx %arg11[%add3A_438, %and3A_395] : memref<512x128xf32, #tpu.memory_space<vmem>>[vector<16xi32>, vector<16xi32>], vector<16xf32>,
      %get3A_440 = arith.constant 3 : i32
      %get3A_441 = arith.index_cast %get3A_440 : i32 to index
      %get3A_442 = arith.index_cast %mul3A_393 : i32 to index
      %get3A_443 = tpu.vector_load %arg12[%get3A_441, %get3A_442] {strides = array<i32>} : memref<32x512xf32, #tpu.memory_space<vmem>>, vector<16xf32>,
      %add3A_444 = arith.addf %get3A_443, %gather3A_439 : vector<16xf32>
      %swap3A_445 = arith.constant 3 : i32
      %swap3A_446 = arith.index_cast %swap3A_445 : i32 to index
      %swap3A_447 = arith.index_cast %mul3A_393 : i32 to index
      %swap3A_448 = tpu.vector_load %arg12[%swap3A_446, %swap3A_447] {strides = array<i32>} : memref<32x512xf32, #tpu.memory_space<vmem>>, vector<16xf32>,
      tpu.vector_store %arg12[%swap3A_446, %swap3A_447], %add3A_444 {strides = array<i32>} : memref<32x512xf32, #tpu.memory_space<vmem>>, vector<16xf32>,
      %add3A_449 = arith.constant 4 : i32
      %add3A_450 = vector.broadcast %add3A_449 : i32 to vector<16xi32>
      %add3A_451 = arith.addi %mul3A_398, %add3A_450 : vector<16xi32>
      %gather3A_452 = tpu.vector_load_idx %arg11[%add3A_451, %and3A_395] : memref<512x128xf32, #tpu.memory_space<vmem>>[vector<16xi32>, vector<16xi32>], vector<16xf32>,
      %get3A_453 = arith.constant 4 : i32
      %get3A_454 = arith.index_cast %get3A_453 : i32 to index
      %get3A_455 = arith.index_cast %mul3A_393 : i32 to index
      %get3A_456 = tpu.vector_load %arg12[%get3A_454, %get3A_455] {strides = array<i32>} : memref<32x512xf32, #tpu.memory_space<vmem>>, vector<16xf32>,
      %add3A_457 = arith.addf %get3A_456, %gather3A_452 : vector<16xf32>
      %swap3A_458 = arith.constant 4 : i32
      %swap3A_459 = arith.index_cast %swap3A_458 : i32 to index
      %swap3A_460 = arith.index_cast %mul3A_393 : i32 to index
      %swap3A_461 = tpu.vector_load %arg12[%swap3A_459, %swap3A_460] {strides = array<i32>} : memref<32x512xf32, #tpu.memory_space<vmem>>, vector<16xf32>,
      tpu.vector_store %arg12[%swap3A_459, %swap3A_460], %add3A_457 {strides = array<i32>} : memref<32x512xf32, #tpu.memory_space<vmem>>, vector<16xf32>,
      %add3A_462 = arith.constant 5 : i32
      %add3A_463 = vector.broadcast %add3A_462 : i32 to vector<16xi32>
      %add3A_464 = arith.addi %mul3A_398, %add3A_463 : vector<16xi32>
      %gather3A_465 = tpu.vector_load_idx %arg11[%add3A_464, %and3A_395] : memref<512x128xf32, #tpu.memory_space<vmem>>[vector<16xi32>, vector<16xi32>], vector<16xf32>,
      %get3A_466 = arith.constant 5 : i32
      %get3A_467 = arith.index_cast %get3A_466 : i32 to index
      %get3A_468 = arith.index_cast %mul3A_393 : i32 to index
      %get3A_469 = tpu.vector_load %arg12[%get3A_467, %get3A_468] {strides = array<i32>} : memref<32x512xf32, #tpu.memory_space<vmem>>, vector<16xf32>,
      %add3A_470 = arith.addf %get3A_469, %gather3A_465 : vector<16xf32>
      %swap3A_471 = arith.constant 5 : i32
      %swap3A_472 = arith.index_cast %swap3A_471 : i32 to index
      %swap3A_473 = arith.index_cast %mul3A_393 : i32 to index
      %swap3A_474 = tpu.vector_load %arg12[%swap3A_472, %swap3A_473] {strides = array<i32>} : memref<32x512xf32, #tpu.memory_space<vmem>>, vector<16xf32>,
      tpu.vector_store %arg12[%swap3A_472, %swap3A_473], %add3A_470 {strides = array<i32>} : memref<32x512xf32, #tpu.memory_space<vmem>>, vector<16xf32>,
      %add3A_475 = arith.constant 6 : i32
      %add3A_476 = vector.broadcast %add3A_475 : i32 to vector<16xi32>
      %add3A_477 = arith.addi %mul3A_398, %add3A_476 : vector<16xi32>
      %gather3A_478 = tpu.vector_load_idx %arg11[%add3A_477, %and3A_395] : memref<512x128xf32, #tpu.memory_space<vmem>>[vector<16xi32>, vector<16xi32>], vector<16xf32>,
      %get3A_479 = arith.constant 6 : i32
      %get3A_480 = arith.index_cast %get3A_479 : i32 to index
      %get3A_481 = arith.index_cast %mul3A_393 : i32 to index
      %get3A_482 = tpu.vector_load %arg12[%get3A_480, %get3A_481] {strides = array<i32>} : memref<32x512xf32, #tpu.memory_space<vmem>>, vector<16xf32>,
      %add3A_483 = arith.addf %get3A_482, %gather3A_478 : vector<16xf32>
      %swap3A_484 = arith.constant 6 : i32
      %swap3A_485 = arith.index_cast %swap3A_484 : i32 to index
      %swap3A_486 = arith.index_cast %mul3A_393 : i32 to index
      %swap3A_487 = tpu.vector_load %arg12[%swap3A_485, %swap3A_486] {strides = array<i32>} : memref<32x512xf32, #tpu.memory_space<vmem>>, vector<16xf32>,
      tpu.vector_store %arg12[%swap3A_485, %swap3A_486], %add3A_483 {strides = array<i32>} : memref<32x512xf32, #tpu.memory_space<vmem>>, vector<16xf32>,
      %add3A_488 = arith.constant 7 : i32
      %add3A_489 = vector.broadcast %add3A_488 : i32 to vector<16xi32>
      %add3A_490 = arith.addi %mul3A_398, %add3A_489 : vector<16xi32>
      %gather3A_491 = tpu.vector_load_idx %arg11[%add3A_490, %and3A_395] : memref<512x128xf32, #tpu.memory_space<vmem>>[vector<16xi32>, vector<16xi32>], vector<16xf32>,
      %get3A_492 = arith.constant 7 : i32
      %get3A_493 = arith.index_cast %get3A_492 : i32 to index
      %get3A_494 = arith.index_cast %mul3A_393 : i32 to index
      %get3A_495 = tpu.vector_load %arg12[%get3A_493, %get3A_494] {strides = array<i32>} : memref<32x512xf32, #tpu.memory_space<vmem>>, vector<16xf32>,
      %add3A_496 = arith.addf %get3A_495, %gather3A_491 : vector<16xf32>
      %swap3A_497 = arith.constant 7 : i32
      %swap3A_498 = arith.index_cast %swap3A_497 : i32 to index
      %swap3A_499 = arith.index_cast %mul3A_393 : i32 to index
      %swap3A_500 = tpu.vector_load %arg12[%swap3A_498, %swap3A_499] {strides = array<i32>} : memref<32x512xf32, #tpu.memory_space<vmem>>, vector<16xf32>,
      tpu.vector_store %arg12[%swap3A_498, %swap3A_499], %add3A_496 {strides = array<i32>} : memref<32x512xf32, #tpu.memory_space<vmem>>, vector<16xf32>,
      %add3A_501 = arith.constant 8 : i32
      %add3A_502 = vector.broadcast %add3A_501 : i32 to vector<16xi32>
      %add3A_503 = arith.addi %mul3A_398, %add3A_502 : vector<16xi32>
      %gather3A_504 = tpu.vector_load_idx %arg11[%add3A_503, %and3A_395] : memref<512x128xf32, #tpu.memory_space<vmem>>[vector<16xi32>, vector<16xi32>], vector<16xf32>,
      %get3A_505 = arith.constant 8 : i32
      %get3A_506 = arith.index_cast %get3A_505 : i32 to index
      %get3A_507 = arith.index_cast %mul3A_393 : i32 to index
      %get3A_508 = tpu.vector_load %arg12[%get3A_506, %get3A_507] {strides = array<i32>} : memref<32x512xf32, #tpu.memory_space<vmem>>, vector<16xf32>,
      %add3A_509 = arith.addf %get3A_508, %gather3A_504 : vector<16xf32>
      %swap3A_510 = arith.constant 8 : i32
      %swap3A_511 = arith.index_cast %swap3A_510 : i32 to index
      %swap3A_512 = arith.index_cast %mul3A_393 : i32 to index
      %swap3A_513 = tpu.vector_load %arg12[%swap3A_511, %swap3A_512] {strides = array<i32>} : memref<32x512xf32, #tpu.memory_space<vmem>>, vector<16xf32>,
      tpu.vector_store %arg12[%swap3A_511, %swap3A_512], %add3A_509 {strides = array<i32>} : memref<32x512xf32, #tpu.memory_space<vmem>>, vector<16xf32>,
      %add3A_514 = arith.constant 9 : i32
      %add3A_515 = vector.broadcast %add3A_514 : i32 to vector<16xi32>
      %add3A_516 = arith.addi %mul3A_398, %add3A_515 : vector<16xi32>
      %gather3A_517 = tpu.vector_load_idx %arg11[%add3A_516, %and3A_395] : memref<512x128xf32, #tpu.memory_space<vmem>>[vector<16xi32>, vector<16xi32>], vector<16xf32>,
      %get3A_518 = arith.constant 9 : i32
      %get3A_519 = arith.index_cast %get3A_518 : i32 to index
      %get3A_520 = arith.index_cast %mul3A_393 : i32 to index
      %get3A_521 = tpu.vector_load %arg12[%get3A_519, %get3A_520] {strides = array<i32>} : memref<32x512xf32, #tpu.memory_space<vmem>>, vector<16xf32>,
      %add3A_522 = arith.addf %get3A_521, %gather3A_517 : vector<16xf32>
      %swap3A_523 = arith.constant 9 : i32
      %swap3A_524 = arith.index_cast %swap3A_523 : i32 to index
      %swap3A_525 = arith.index_cast %mul3A_393 : i32 to index
      %swap3A_526 = tpu.vector_load %arg12[%swap3A_524, %swap3A_525] {strides = array<i32>} : memref<32x512xf32, #tpu.memory_space<vmem>>, vector<16xf32>,
      tpu.vector_store %arg12[%swap3A_524, %swap3A_525], %add3A_522 {strides = array<i32>} : memref<32x512xf32, #tpu.memory_space<vmem>>, vector<16xf32>,
      %add3A_527 = arith.constant 10 : i32
      %add3A_528 = vector.broadcast %add3A_527 : i32 to vector<16xi32>
      %add3A_529 = arith.addi %mul3A_398, %add3A_528 : vector<16xi32>
      %gather3A_530 = tpu.vector_load_idx %arg11[%add3A_529, %and3A_395] : memref<512x128xf32, #tpu.memory_space<vmem>>[vector<16xi32>, vector<16xi32>], vector<16xf32>,
      %get3A_531 = arith.constant 10 : i32
      %get3A_532 = arith.index_cast %get3A_531 : i32 to index
      %get3A_533 = arith.index_cast %mul3A_393 : i32 to index
      %get3A_534 = tpu.vector_load %arg12[%get3A_532, %get3A_533] {strides = array<i32>} : memref<32x512xf32, #tpu.memory_space<vmem>>, vector<16xf32>,
      %add3A_535 = arith.addf %get3A_534, %gather3A_530 : vector<16xf32>
      %swap3A_536 = arith.constant 10 : i32
      %swap3A_537 = arith.index_cast %swap3A_536 : i32 to index
      %swap3A_538 = arith.index_cast %mul3A_393 : i32 to index
      %swap3A_539 = tpu.vector_load %arg12[%swap3A_537, %swap3A_538] {strides = array<i32>} : memref<32x512xf32, #tpu.memory_space<vmem>>, vector<16xf32>,
      tpu.vector_store %arg12[%swap3A_537, %swap3A_538], %add3A_535 {strides = array<i32>} : memref<32x512xf32, #tpu.memory_space<vmem>>, vector<16xf32>,
      %add3A_540 = arith.constant 11 : i32
      %add3A_541 = vector.broadcast %add3A_540 : i32 to vector<16xi32>
      %add3A_542 = arith.addi %mul3A_398, %add3A_541 : vector<16xi32>
      %gather3A_543 = tpu.vector_load_idx %arg11[%add3A_542, %and3A_395] : memref<512x128xf32, #tpu.memory_space<vmem>>[vector<16xi32>, vector<16xi32>], vector<16xf32>,
      %get3A_544 = arith.constant 11 : i32
      %get3A_545 = arith.index_cast %get3A_544 : i32 to index
      %get3A_546 = arith.index_cast %mul3A_393 : i32 to index
      %get3A_547 = tpu.vector_load %arg12[%get3A_545, %get3A_546] {strides = array<i32>} : memref<32x512xf32, #tpu.memory_space<vmem>>, vector<16xf32>,
      %add3A_548 = arith.addf %get3A_547, %gather3A_543 : vector<16xf32>
      %swap3A_549 = arith.constant 11 : i32
      %swap3A_550 = arith.index_cast %swap3A_549 : i32 to index
      %swap3A_551 = arith.index_cast %mul3A_393 : i32 to index
      %swap3A_552 = tpu.vector_load %arg12[%swap3A_550, %swap3A_551] {strides = array<i32>} : memref<32x512xf32, #tpu.memory_space<vmem>>, vector<16xf32>,
      tpu.vector_store %arg12[%swap3A_550, %swap3A_551], %add3A_548 {strides = array<i32>} : memref<32x512xf32, #tpu.memory_space<vmem>>, vector<16xf32>,
      %add3A_553 = arith.constant 12 : i32
      %add3A_554 = vector.broadcast %add3A_553 : i32 to vector<16xi32>
      %add3A_555 = arith.addi %mul3A_398, %add3A_554 : vector<16xi32>
      %gather3A_556 = tpu.vector_load_idx %arg11[%add3A_555, %and3A_395] : memref<512x128xf32, #tpu.memory_space<vmem>>[vector<16xi32>, vector<16xi32>], vector<16xf32>,
      %get3A_557 = arith.constant 12 : i32
      %get3A_558 = arith.index_cast %get3A_557 : i32 to index
      %get3A_559 = arith.index_cast %mul3A_393 : i32 to index
      %get3A_560 = tpu.vector_load %arg12[%get3A_558, %get3A_559] {strides = array<i32>} : memref<32x512xf32, #tpu.memory_space<vmem>>, vector<16xf32>,
      %add3A_561 = arith.addf %get3A_560, %gather3A_556 : vector<16xf32>
      %swap3A_562 = arith.constant 12 : i32
      %swap3A_563 = arith.index_cast %swap3A_562 : i32 to index
      %swap3A_564 = arith.index_cast %mul3A_393 : i32 to index
      %swap3A_565 = tpu.vector_load %arg12[%swap3A_563, %swap3A_564] {strides = array<i32>} : memref<32x512xf32, #tpu.memory_space<vmem>>, vector<16xf32>,
      tpu.vector_store %arg12[%swap3A_563, %swap3A_564], %add3A_561 {strides = array<i32>} : memref<32x512xf32, #tpu.memory_space<vmem>>, vector<16xf32>,
      %add3A_566 = arith.constant 13 : i32
      %add3A_567 = vector.broadcast %add3A_566 : i32 to vector<16xi32>
      %add3A_568 = arith.addi %mul3A_398, %add3A_567 : vector<16xi32>
      %gather3A_569 = tpu.vector_load_idx %arg11[%add3A_568, %and3A_395] : memref<512x128xf32, #tpu.memory_space<vmem>>[vector<16xi32>, vector<16xi32>], vector<16xf32>,
      %get3A_570 = arith.constant 13 : i32
      %get3A_571 = arith.index_cast %get3A_570 : i32 to index
      %get3A_572 = arith.index_cast %mul3A_393 : i32 to index
      %get3A_573 = tpu.vector_load %arg12[%get3A_571, %get3A_572] {strides = array<i32>} : memref<32x512xf32, #tpu.memory_space<vmem>>, vector<16xf32>,
      %add3A_574 = arith.addf %get3A_573, %gather3A_569 : vector<16xf32>
      %swap3A_575 = arith.constant 13 : i32
      %swap3A_576 = arith.index_cast %swap3A_575 : i32 to index
      %swap3A_577 = arith.index_cast %mul3A_393 : i32 to index
      %swap3A_578 = tpu.vector_load %arg12[%swap3A_576, %swap3A_577] {strides = array<i32>} : memref<32x512xf32, #tpu.memory_space<vmem>>, vector<16xf32>,
      tpu.vector_store %arg12[%swap3A_576, %swap3A_577], %add3A_574 {strides = array<i32>} : memref<32x512xf32, #tpu.memory_space<vmem>>, vector<16xf32>,
      %add3A_579 = arith.constant 14 : i32
      %add3A_580 = vector.broadcast %add3A_579 : i32 to vector<16xi32>
      %add3A_581 = arith.addi %mul3A_398, %add3A_580 : vector<16xi32>
      %gather3A_582 = tpu.vector_load_idx %arg11[%add3A_581, %and3A_395] : memref<512x128xf32, #tpu.memory_space<vmem>>[vector<16xi32>, vector<16xi32>], vector<16xf32>,
      %get3A_583 = arith.constant 14 : i32
      %get3A_584 = arith.index_cast %get3A_583 : i32 to index
      %get3A_585 = arith.index_cast %mul3A_393 : i32 to index
      %get3A_586 = tpu.vector_load %arg12[%get3A_584, %get3A_585] {strides = array<i32>} : memref<32x512xf32, #tpu.memory_space<vmem>>, vector<16xf32>,
      %add3A_587 = arith.addf %get3A_586, %gather3A_582 : vector<16xf32>
      %swap3A_588 = arith.constant 14 : i32
      %swap3A_589 = arith.index_cast %swap3A_588 : i32 to index
      %swap3A_590 = arith.index_cast %mul3A_393 : i32 to index
      %swap3A_591 = tpu.vector_load %arg12[%swap3A_589, %swap3A_590] {strides = array<i32>} : memref<32x512xf32, #tpu.memory_space<vmem>>, vector<16xf32>,
      tpu.vector_store %arg12[%swap3A_589, %swap3A_590], %add3A_587 {strides = array<i32>} : memref<32x512xf32, #tpu.memory_space<vmem>>, vector<16xf32>,
      %add3A_592 = arith.constant 15 : i32
      %add3A_593 = vector.broadcast %add3A_592 : i32 to vector<16xi32>
      %add3A_594 = arith.addi %mul3A_398, %add3A_593 : vector<16xi32>
      %gather3A_595 = tpu.vector_load_idx %arg11[%add3A_594, %and3A_395] : memref<512x128xf32, #tpu.memory_space<vmem>>[vector<16xi32>, vector<16xi32>], vector<16xf32>,
      %get3A_596 = arith.constant 15 : i32
      %get3A_597 = arith.index_cast %get3A_596 : i32 to index
      %get3A_598 = arith.index_cast %mul3A_393 : i32 to index
      %get3A_599 = tpu.vector_load %arg12[%get3A_597, %get3A_598] {strides = array<i32>} : memref<32x512xf32, #tpu.memory_space<vmem>>, vector<16xf32>,
      %add3A_600 = arith.addf %get3A_599, %gather3A_595 : vector<16xf32>
      %swap3A_601 = arith.constant 15 : i32
      %swap3A_602 = arith.index_cast %swap3A_601 : i32 to index
      %swap3A_603 = arith.index_cast %mul3A_393 : i32 to index
      %swap3A_604 = tpu.vector_load %arg12[%swap3A_602, %swap3A_603] {strides = array<i32>} : memref<32x512xf32, #tpu.memory_space<vmem>>, vector<16xf32>,
      tpu.vector_store %arg12[%swap3A_602, %swap3A_603], %add3A_600 {strides = array<i32>} : memref<32x512xf32, #tpu.memory_space<vmem>>, vector<16xf32>,
      %add3A_605 = arith.constant 16 : i32
      %add3A_606 = vector.broadcast %add3A_605 : i32 to vector<16xi32>
      %add3A_607 = arith.addi %mul3A_398, %add3A_606 : vector<16xi32>
      %gather3A_608 = tpu.vector_load_idx %arg11[%add3A_607, %and3A_395] : memref<512x128xf32, #tpu.memory_space<vmem>>[vector<16xi32>, vector<16xi32>], vector<16xf32>,
      %get3A_609 = arith.constant 16 : i32
      %get3A_610 = arith.index_cast %get3A_609 : i32 to index
      %get3A_611 = arith.index_cast %mul3A_393 : i32 to index
      %get3A_612 = tpu.vector_load %arg12[%get3A_610, %get3A_611] {strides = array<i32>} : memref<32x512xf32, #tpu.memory_space<vmem>>, vector<16xf32>,
      %add3A_613 = arith.addf %get3A_612, %gather3A_608 : vector<16xf32>
      %swap3A_614 = arith.constant 16 : i32
      %swap3A_615 = arith.index_cast %swap3A_614 : i32 to index
      %swap3A_616 = arith.index_cast %mul3A_393 : i32 to index
      %swap3A_617 = tpu.vector_load %arg12[%swap3A_615, %swap3A_616] {strides = array<i32>} : memref<32x512xf32, #tpu.memory_space<vmem>>, vector<16xf32>,
      tpu.vector_store %arg12[%swap3A_615, %swap3A_616], %add3A_613 {strides = array<i32>} : memref<32x512xf32, #tpu.memory_space<vmem>>, vector<16xf32>,
      %add3A_618 = arith.constant 17 : i32
      %add3A_619 = vector.broadcast %add3A_618 : i32 to vector<16xi32>
      %add3A_620 = arith.addi %mul3A_398, %add3A_619 : vector<16xi32>
      %gather3A_621 = tpu.vector_load_idx %arg11[%add3A_620, %and3A_395] : memref<512x128xf32, #tpu.memory_space<vmem>>[vector<16xi32>, vector<16xi32>], vector<16xf32>,
      %get3A_622 = arith.constant 17 : i32
      %get3A_623 = arith.index_cast %get3A_622 : i32 to index
      %get3A_624 = arith.index_cast %mul3A_393 : i32 to index
      %get3A_625 = tpu.vector_load %arg12[%get3A_623, %get3A_624] {strides = array<i32>} : memref<32x512xf32, #tpu.memory_space<vmem>>, vector<16xf32>,
      %add3A_626 = arith.addf %get3A_625, %gather3A_621 : vector<16xf32>
      %swap3A_627 = arith.constant 17 : i32
      %swap3A_628 = arith.index_cast %swap3A_627 : i32 to index
      %swap3A_629 = arith.index_cast %mul3A_393 : i32 to index
      %swap3A_630 = tpu.vector_load %arg12[%swap3A_628, %swap3A_629] {strides = array<i32>} : memref<32x512xf32, #tpu.memory_space<vmem>>, vector<16xf32>,
      tpu.vector_store %arg12[%swap3A_628, %swap3A_629], %add3A_626 {strides = array<i32>} : memref<32x512xf32, #tpu.memory_space<vmem>>, vector<16xf32>,
      %add3A_631 = arith.constant 18 : i32
      %add3A_632 = vector.broadcast %add3A_631 : i32 to vector<16xi32>
      %add3A_633 = arith.addi %mul3A_398, %add3A_632 : vector<16xi32>
      %gather3A_634 = tpu.vector_load_idx %arg11[%add3A_633, %and3A_395] : memref<512x128xf32, #tpu.memory_space<vmem>>[vector<16xi32>, vector<16xi32>], vector<16xf32>,
      %get3A_635 = arith.constant 18 : i32
      %get3A_636 = arith.index_cast %get3A_635 : i32 to index
      %get3A_637 = arith.index_cast %mul3A_393 : i32 to index
      %get3A_638 = tpu.vector_load %arg12[%get3A_636, %get3A_637] {strides = array<i32>} : memref<32x512xf32, #tpu.memory_space<vmem>>, vector<16xf32>,
      %add3A_639 = arith.addf %get3A_638, %gather3A_634 : vector<16xf32>
      %swap3A_640 = arith.constant 18 : i32
      %swap3A_641 = arith.index_cast %swap3A_640 : i32 to index
      %swap3A_642 = arith.index_cast %mul3A_393 : i32 to index
      %swap3A_643 = tpu.vector_load %arg12[%swap3A_641, %swap3A_642] {strides = array<i32>} : memref<32x512xf32, #tpu.memory_space<vmem>>, vector<16xf32>,
      tpu.vector_store %arg12[%swap3A_641, %swap3A_642], %add3A_639 {strides = array<i32>} : memref<32x512xf32, #tpu.memory_space<vmem>>, vector<16xf32>,
      %add3A_644 = arith.constant 19 : i32
      %add3A_645 = vector.broadcast %add3A_644 : i32 to vector<16xi32>
      %add3A_646 = arith.addi %mul3A_398, %add3A_645 : vector<16xi32>
      %gather3A_647 = tpu.vector_load_idx %arg11[%add3A_646, %and3A_395] : memref<512x128xf32, #tpu.memory_space<vmem>>[vector<16xi32>, vector<16xi32>], vector<16xf32>,
      %get3A_648 = arith.constant 19 : i32
      %get3A_649 = arith.index_cast %get3A_648 : i32 to index
      %get3A_650 = arith.index_cast %mul3A_393 : i32 to index
      %get3A_651 = tpu.vector_load %arg12[%get3A_649, %get3A_650] {strides = array<i32>} : memref<32x512xf32, #tpu.memory_space<vmem>>, vector<16xf32>,
      %add3A_652 = arith.addf %get3A_651, %gather3A_647 : vector<16xf32>
      %swap3A_653 = arith.constant 19 : i32
      %swap3A_654 = arith.index_cast %swap3A_653 : i32 to index
      %swap3A_655 = arith.index_cast %mul3A_393 : i32 to index
      %swap3A_656 = tpu.vector_load %arg12[%swap3A_654, %swap3A_655] {strides = array<i32>} : memref<32x512xf32, #tpu.memory_space<vmem>>, vector<16xf32>,
      tpu.vector_store %arg12[%swap3A_654, %swap3A_655], %add3A_652 {strides = array<i32>} : memref<32x512xf32, #tpu.memory_space<vmem>>, vector<16xf32>,
      %add3A_657 = arith.constant 20 : i32
      %add3A_658 = vector.broadcast %add3A_657 : i32 to vector<16xi32>
      %add3A_659 = arith.addi %mul3A_398, %add3A_658 : vector<16xi32>
      %gather3A_660 = tpu.vector_load_idx %arg11[%add3A_659, %and3A_395] : memref<512x128xf32, #tpu.memory_space<vmem>>[vector<16xi32>, vector<16xi32>], vector<16xf32>,
      %get3A_661 = arith.constant 20 : i32
      %get3A_662 = arith.index_cast %get3A_661 : i32 to index
      %get3A_663 = arith.index_cast %mul3A_393 : i32 to index
      %get3A_664 = tpu.vector_load %arg12[%get3A_662, %get3A_663] {strides = array<i32>} : memref<32x512xf32, #tpu.memory_space<vmem>>, vector<16xf32>,
      %add3A_665 = arith.addf %get3A_664, %gather3A_660 : vector<16xf32>
      %swap3A_666 = arith.constant 20 : i32
      %swap3A_667 = arith.index_cast %swap3A_666 : i32 to index
      %swap3A_668 = arith.index_cast %mul3A_393 : i32 to index
      %swap3A_669 = tpu.vector_load %arg12[%swap3A_667, %swap3A_668] {strides = array<i32>} : memref<32x512xf32, #tpu.memory_space<vmem>>, vector<16xf32>,
      tpu.vector_store %arg12[%swap3A_667, %swap3A_668], %add3A_665 {strides = array<i32>} : memref<32x512xf32, #tpu.memory_space<vmem>>, vector<16xf32>,
      %add3A_670 = arith.constant 21 : i32
      %add3A_671 = vector.broadcast %add3A_670 : i32 to vector<16xi32>
      %add3A_672 = arith.addi %mul3A_398, %add3A_671 : vector<16xi32>
      %gather3A_673 = tpu.vector_load_idx %arg11[%add3A_672, %and3A_395] : memref<512x128xf32, #tpu.memory_space<vmem>>[vector<16xi32>, vector<16xi32>], vector<16xf32>,
      %get3A_674 = arith.constant 21 : i32
      %get3A_675 = arith.index_cast %get3A_674 : i32 to index
      %get3A_676 = arith.index_cast %mul3A_393 : i32 to index
      %get3A_677 = tpu.vector_load %arg12[%get3A_675, %get3A_676] {strides = array<i32>} : memref<32x512xf32, #tpu.memory_space<vmem>>, vector<16xf32>,
      %add3A_678 = arith.addf %get3A_677, %gather3A_673 : vector<16xf32>
      %swap3A_679 = arith.constant 21 : i32
      %swap3A_680 = arith.index_cast %swap3A_679 : i32 to index
      %swap3A_681 = arith.index_cast %mul3A_393 : i32 to index
      %swap3A_682 = tpu.vector_load %arg12[%swap3A_680, %swap3A_681] {strides = array<i32>} : memref<32x512xf32, #tpu.memory_space<vmem>>, vector<16xf32>,
      tpu.vector_store %arg12[%swap3A_680, %swap3A_681], %add3A_678 {strides = array<i32>} : memref<32x512xf32, #tpu.memory_space<vmem>>, vector<16xf32>,
      %add3A_683 = arith.constant 22 : i32
      %add3A_684 = vector.broadcast %add3A_683 : i32 to vector<16xi32>
      %add3A_685 = arith.addi %mul3A_398, %add3A_684 : vector<16xi32>
      %gather3A_686 = tpu.vector_load_idx %arg11[%add3A_685, %and3A_395] : memref<512x128xf32, #tpu.memory_space<vmem>>[vector<16xi32>, vector<16xi32>], vector<16xf32>,
      %get3A_687 = arith.constant 22 : i32
      %get3A_688 = arith.index_cast %get3A_687 : i32 to index
      %get3A_689 = arith.index_cast %mul3A_393 : i32 to index
      %get3A_690 = tpu.vector_load %arg12[%get3A_688, %get3A_689] {strides = array<i32>} : memref<32x512xf32, #tpu.memory_space<vmem>>, vector<16xf32>,
      %add3A_691 = arith.addf %get3A_690, %gather3A_686 : vector<16xf32>
      %swap3A_692 = arith.constant 22 : i32
      %swap3A_693 = arith.index_cast %swap3A_692 : i32 to index
      %swap3A_694 = arith.index_cast %mul3A_393 : i32 to index
      %swap3A_695 = tpu.vector_load %arg12[%swap3A_693, %swap3A_694] {strides = array<i32>} : memref<32x512xf32, #tpu.memory_space<vmem>>, vector<16xf32>,
      tpu.vector_store %arg12[%swap3A_693, %swap3A_694], %add3A_691 {strides = array<i32>} : memref<32x512xf32, #tpu.memory_space<vmem>>, vector<16xf32>,
      %add3A_696 = arith.constant 23 : i32
      %add3A_697 = vector.broadcast %add3A_696 : i32 to vector<16xi32>
      %add3A_698 = arith.addi %mul3A_398, %add3A_697 : vector<16xi32>
      %gather3A_699 = tpu.vector_load_idx %arg11[%add3A_698, %and3A_395] : memref<512x128xf32, #tpu.memory_space<vmem>>[vector<16xi32>, vector<16xi32>], vector<16xf32>,
      %get3A_700 = arith.constant 23 : i32
      %get3A_701 = arith.index_cast %get3A_700 : i32 to index
      %get3A_702 = arith.index_cast %mul3A_393 : i32 to index
      %get3A_703 = tpu.vector_load %arg12[%get3A_701, %get3A_702] {strides = array<i32>} : memref<32x512xf32, #tpu.memory_space<vmem>>, vector<16xf32>,
      %add3A_704 = arith.addf %get3A_703, %gather3A_699 : vector<16xf32>
      %swap3A_705 = arith.constant 23 : i32
      %swap3A_706 = arith.index_cast %swap3A_705 : i32 to index
      %swap3A_707 = arith.index_cast %mul3A_393 : i32 to index
      %swap3A_708 = tpu.vector_load %arg12[%swap3A_706, %swap3A_707] {strides = array<i32>} : memref<32x512xf32, #tpu.memory_space<vmem>>, vector<16xf32>,
      tpu.vector_store %arg12[%swap3A_706, %swap3A_707], %add3A_704 {strides = array<i32>} : memref<32x512xf32, #tpu.memory_space<vmem>>, vector<16xf32>,
      %add3A_709 = arith.constant 24 : i32
      %add3A_710 = vector.broadcast %add3A_709 : i32 to vector<16xi32>
      %add3A_711 = arith.addi %mul3A_398, %add3A_710 : vector<16xi32>
      %gather3A_712 = tpu.vector_load_idx %arg11[%add3A_711, %and3A_395] : memref<512x128xf32, #tpu.memory_space<vmem>>[vector<16xi32>, vector<16xi32>], vector<16xf32>,
      %get3A_713 = arith.constant 24 : i32
      %get3A_714 = arith.index_cast %get3A_713 : i32 to index
      %get3A_715 = arith.index_cast %mul3A_393 : i32 to index
      %get3A_716 = tpu.vector_load %arg12[%get3A_714, %get3A_715] {strides = array<i32>} : memref<32x512xf32, #tpu.memory_space<vmem>>, vector<16xf32>,
      %add3A_717 = arith.addf %get3A_716, %gather3A_712 : vector<16xf32>
      %swap3A_718 = arith.constant 24 : i32
      %swap3A_719 = arith.index_cast %swap3A_718 : i32 to index
      %swap3A_720 = arith.index_cast %mul3A_393 : i32 to index
      %swap3A_721 = tpu.vector_load %arg12[%swap3A_719, %swap3A_720] {strides = array<i32>} : memref<32x512xf32, #tpu.memory_space<vmem>>, vector<16xf32>,
      tpu.vector_store %arg12[%swap3A_719, %swap3A_720], %add3A_717 {strides = array<i32>} : memref<32x512xf32, #tpu.memory_space<vmem>>, vector<16xf32>,
      %add3A_722 = arith.constant 25 : i32
      %add3A_723 = vector.broadcast %add3A_722 : i32 to vector<16xi32>
      %add3A_724 = arith.addi %mul3A_398, %add3A_723 : vector<16xi32>
      %gather3A_725 = tpu.vector_load_idx %arg11[%add3A_724, %and3A_395] : memref<512x128xf32, #tpu.memory_space<vmem>>[vector<16xi32>, vector<16xi32>], vector<16xf32>,
      %get3A_726 = arith.constant 25 : i32
      %get3A_727 = arith.index_cast %get3A_726 : i32 to index
      %get3A_728 = arith.index_cast %mul3A_393 : i32 to index
      %get3A_729 = tpu.vector_load %arg12[%get3A_727, %get3A_728] {strides = array<i32>} : memref<32x512xf32, #tpu.memory_space<vmem>>, vector<16xf32>,
      %add3A_730 = arith.addf %get3A_729, %gather3A_725 : vector<16xf32>
      %swap3A_731 = arith.constant 25 : i32
      %swap3A_732 = arith.index_cast %swap3A_731 : i32 to index
      %swap3A_733 = arith.index_cast %mul3A_393 : i32 to index
      %swap3A_734 = tpu.vector_load %arg12[%swap3A_732, %swap3A_733] {strides = array<i32>} : memref<32x512xf32, #tpu.memory_space<vmem>>, vector<16xf32>,
      tpu.vector_store %arg12[%swap3A_732, %swap3A_733], %add3A_730 {strides = array<i32>} : memref<32x512xf32, #tpu.memory_space<vmem>>, vector<16xf32>,
      %add3A_735 = arith.constant 26 : i32
      %add3A_736 = vector.broadcast %add3A_735 : i32 to vector<16xi32>
      %add3A_737 = arith.addi %mul3A_398, %add3A_736 : vector<16xi32>
      %gather3A_738 = tpu.vector_load_idx %arg11[%add3A_737, %and3A_395] : memref<512x128xf32, #tpu.memory_space<vmem>>[vector<16xi32>, vector<16xi32>], vector<16xf32>,
      %get3A_739 = arith.constant 26 : i32
      %get3A_740 = arith.index_cast %get3A_739 : i32 to index
      %get3A_741 = arith.index_cast %mul3A_393 : i32 to index
      %get3A_742 = tpu.vector_load %arg12[%get3A_740, %get3A_741] {strides = array<i32>} : memref<32x512xf32, #tpu.memory_space<vmem>>, vector<16xf32>,
      %add3A_743 = arith.addf %get3A_742, %gather3A_738 : vector<16xf32>
      %swap3A_744 = arith.constant 26 : i32
      %swap3A_745 = arith.index_cast %swap3A_744 : i32 to index
      %swap3A_746 = arith.index_cast %mul3A_393 : i32 to index
      %swap3A_747 = tpu.vector_load %arg12[%swap3A_745, %swap3A_746] {strides = array<i32>} : memref<32x512xf32, #tpu.memory_space<vmem>>, vector<16xf32>,
      tpu.vector_store %arg12[%swap3A_745, %swap3A_746], %add3A_743 {strides = array<i32>} : memref<32x512xf32, #tpu.memory_space<vmem>>, vector<16xf32>,
      %add3A_748 = arith.constant 27 : i32
      %add3A_749 = vector.broadcast %add3A_748 : i32 to vector<16xi32>
      %add3A_750 = arith.addi %mul3A_398, %add3A_749 : vector<16xi32>
      %gather3A_751 = tpu.vector_load_idx %arg11[%add3A_750, %and3A_395] : memref<512x128xf32, #tpu.memory_space<vmem>>[vector<16xi32>, vector<16xi32>], vector<16xf32>,
      %get3A_752 = arith.constant 27 : i32
      %get3A_753 = arith.index_cast %get3A_752 : i32 to index
      %get3A_754 = arith.index_cast %mul3A_393 : i32 to index
      %get3A_755 = tpu.vector_load %arg12[%get3A_753, %get3A_754] {strides = array<i32>} : memref<32x512xf32, #tpu.memory_space<vmem>>, vector<16xf32>,
      %add3A_756 = arith.addf %get3A_755, %gather3A_751 : vector<16xf32>
      %swap3A_757 = arith.constant 27 : i32
      %swap3A_758 = arith.index_cast %swap3A_757 : i32 to index
      %swap3A_759 = arith.index_cast %mul3A_393 : i32 to index
      %swap3A_760 = tpu.vector_load %arg12[%swap3A_758, %swap3A_759] {strides = array<i32>} : memref<32x512xf32, #tpu.memory_space<vmem>>, vector<16xf32>,
      tpu.vector_store %arg12[%swap3A_758, %swap3A_759], %add3A_756 {strides = array<i32>} : memref<32x512xf32, #tpu.memory_space<vmem>>, vector<16xf32>,
      %add3A_761 = arith.constant 28 : i32
      %add3A_762 = vector.broadcast %add3A_761 : i32 to vector<16xi32>
      %add3A_763 = arith.addi %mul3A_398, %add3A_762 : vector<16xi32>
      %gather3A_764 = tpu.vector_load_idx %arg11[%add3A_763, %and3A_395] : memref<512x128xf32, #tpu.memory_space<vmem>>[vector<16xi32>, vector<16xi32>], vector<16xf32>,
      %get3A_765 = arith.constant 28 : i32
      %get3A_766 = arith.index_cast %get3A_765 : i32 to index
      %get3A_767 = arith.index_cast %mul3A_393 : i32 to index
      %get3A_768 = tpu.vector_load %arg12[%get3A_766, %get3A_767] {strides = array<i32>} : memref<32x512xf32, #tpu.memory_space<vmem>>, vector<16xf32>,
      %add3A_769 = arith.addf %get3A_768, %gather3A_764 : vector<16xf32>
      %swap3A_770 = arith.constant 28 : i32
      %swap3A_771 = arith.index_cast %swap3A_770 : i32 to index
      %swap3A_772 = arith.index_cast %mul3A_393 : i32 to index
      %swap3A_773 = tpu.vector_load %arg12[%swap3A_771, %swap3A_772] {strides = array<i32>} : memref<32x512xf32, #tpu.memory_space<vmem>>, vector<16xf32>,
      tpu.vector_store %arg12[%swap3A_771, %swap3A_772], %add3A_769 {strides = array<i32>} : memref<32x512xf32, #tpu.memory_space<vmem>>, vector<16xf32>,
      %add3A_774 = arith.constant 29 : i32
      %add3A_775 = vector.broadcast %add3A_774 : i32 to vector<16xi32>
      %add3A_776 = arith.addi %mul3A_398, %add3A_775 : vector<16xi32>
      %gather3A_777 = tpu.vector_load_idx %arg11[%add3A_776, %and3A_395] : memref<512x128xf32, #tpu.memory_space<vmem>>[vector<16xi32>, vector<16xi32>], vector<16xf32>,
      %get3A_778 = arith.constant 29 : i32
      %get3A_779 = arith.index_cast %get3A_778 : i32 to index
      %get3A_780 = arith.index_cast %mul3A_393 : i32 to index
      %get3A_781 = tpu.vector_load %arg12[%get3A_779, %get3A_780] {strides = array<i32>} : memref<32x512xf32, #tpu.memory_space<vmem>>, vector<16xf32>,
      %add3A_782 = arith.addf %get3A_781, %gather3A_777 : vector<16xf32>
      %swap3A_783 = arith.constant 29 : i32
      %swap3A_784 = arith.index_cast %swap3A_783 : i32 to index
      %swap3A_785 = arith.index_cast %mul3A_393 : i32 to index
      %swap3A_786 = tpu.vector_load %arg12[%swap3A_784, %swap3A_785] {strides = array<i32>} : memref<32x512xf32, #tpu.memory_space<vmem>>, vector<16xf32>,
      tpu.vector_store %arg12[%swap3A_784, %swap3A_785], %add3A_782 {strides = array<i32>} : memref<32x512xf32, #tpu.memory_space<vmem>>, vector<16xf32>,
      %add3A_787 = arith.constant 30 : i32
      %add3A_788 = vector.broadcast %add3A_787 : i32 to vector<16xi32>
      %add3A_789 = arith.addi %mul3A_398, %add3A_788 : vector<16xi32>
      %gather3A_790 = tpu.vector_load_idx %arg11[%add3A_789, %and3A_395] : memref<512x128xf32, #tpu.memory_space<vmem>>[vector<16xi32>, vector<16xi32>], vector<16xf32>,
      %get3A_791 = arith.constant 30 : i32
      %get3A_792 = arith.index_cast %get3A_791 : i32 to index
      %get3A_793 = arith.index_cast %mul3A_393 : i32 to index
      %get3A_794 = tpu.vector_load %arg12[%get3A_792, %get3A_793] {strides = array<i32>} : memref<32x512xf32, #tpu.memory_space<vmem>>, vector<16xf32>,
      %add3A_795 = arith.addf %get3A_794, %gather3A_790 : vector<16xf32>
      %swap3A_796 = arith.constant 30 : i32
      %swap3A_797 = arith.index_cast %swap3A_796 : i32 to index
      %swap3A_798 = arith.index_cast %mul3A_393 : i32 to index
      %swap3A_799 = tpu.vector_load %arg12[%swap3A_797, %swap3A_798] {strides = array<i32>} : memref<32x512xf32, #tpu.memory_space<vmem>>, vector<16xf32>,
      tpu.vector_store %arg12[%swap3A_797, %swap3A_798], %add3A_795 {strides = array<i32>} : memref<32x512xf32, #tpu.memory_space<vmem>>, vector<16xf32>,
      %add3A_800 = arith.constant 31 : i32
      %add3A_801 = vector.broadcast %add3A_800 : i32 to vector<16xi32>
      %add3A_802 = arith.addi %mul3A_398, %add3A_801 : vector<16xi32>
      %gather3A_803 = tpu.vector_load_idx %arg11[%add3A_802, %and3A_395] : memref<512x128xf32, #tpu.memory_space<vmem>>[vector<16xi32>, vector<16xi32>], vector<16xf32>,
      %get3A_804 = arith.constant 31 : i32
      %get3A_805 = arith.index_cast %get3A_804 : i32 to index
      %get3A_806 = arith.index_cast %mul3A_393 : i32 to index
      %get3A_807 = tpu.vector_load %arg12[%get3A_805, %get3A_806] {strides = array<i32>} : memref<32x512xf32, #tpu.memory_space<vmem>>, vector<16xf32>,
      %add3A_808 = arith.addf %get3A_807, %gather3A_803 : vector<16xf32>
      %swap3A_809 = arith.constant 31 : i32
      %swap3A_810 = arith.index_cast %swap3A_809 : i32 to index
      %swap3A_811 = arith.index_cast %mul3A_393 : i32 to index
      %swap3A_812 = tpu.vector_load %arg12[%swap3A_810, %swap3A_811] {strides = array<i32>} : memref<32x512xf32, #tpu.memory_space<vmem>>, vector<16xf32>,
      tpu.vector_store %arg12[%swap3A_810, %swap3A_811], %add3A_808 {strides = array<i32>} : memref<32x512xf32, #tpu.memory_space<vmem>>, vector<16xf32>,
    }
    %scan3A_13 = arith.constant 32 : i32
    %scan3A_14 = arith.constant 0 : i32
    %scan3A_15 = arith.constant 0 : i32
    %scan3A_16 = arith.constant 32 : i32
    %scan3A_17 = arith.addi %scan3A_15, %scan3A_16 : i32
    %scan3A_18 = arith.constant 1 : i32
    scf.for %scan3A_20 = %scan3A_15 to %scan3A_17 step %scan3A_18  : i32 {
      %mul3A_21 = arith.constant 16 : i32
      %mul3A_22 = arith.muli %scan3A_20, %mul3A_21 : i32
      %broadcast_in_dim3A = arith.constant 0.000000e+00 : f32
      %broadcast_in_dim3A_23 = vector.broadcast %broadcast_in_dim3A : f32 to vector<16xf32>
      %broadcast_in_dim3A_24 = arith.constant 0.000000e+00 : f32
      %broadcast_in_dim3A_25 = vector.broadcast %broadcast_in_dim3A_24 : f32 to vector<16xf32>
      %get3A = arith.constant 0 : i32
      %get3A_26 = arith.index_cast %get3A : i32 to index
      %get3A_27 = arith.index_cast %mul3A_22 : i32 to index
      %get3A_28 = tpu.vector_load %arg12[%get3A_26, %get3A_27] {strides = array<i32>} : memref<32x512xf32, #tpu.memory_space<vmem>>, vector<16xf32>,
      %add3A_29 = arith.addf %broadcast_in_dim3A_23, %get3A_28 : vector<16xf32>
      %mul3A_30 = arith.mulf %get3A_28, %get3A_28 : vector<16xf32>
      %add3A_31 = arith.addf %broadcast_in_dim3A_25, %mul3A_30 : vector<16xf32>
      %get3A_32 = arith.constant 1 : i32
      %get3A_33 = arith.index_cast %get3A_32 : i32 to index
      %get3A_34 = arith.index_cast %mul3A_22 : i32 to index
      %get3A_35 = tpu.vector_load %arg12[%get3A_33, %get3A_34] {strides = array<i32>} : memref<32x512xf32, #tpu.memory_space<vmem>>, vector<16xf32>,
      %add3A_36 = arith.addf %add3A_29, %get3A_35 : vector<16xf32>
      %mul3A_37 = arith.mulf %get3A_35, %get3A_35 : vector<16xf32>
      %add3A_38 = arith.addf %add3A_31, %mul3A_37 : vector<16xf32>
      %get3A_39 = arith.constant 2 : i32
      %get3A_40 = arith.index_cast %get3A_39 : i32 to index
      %get3A_41 = arith.index_cast %mul3A_22 : i32 to index
      %get3A_42 = tpu.vector_load %arg12[%get3A_40, %get3A_41] {strides = array<i32>} : memref<32x512xf32, #tpu.memory_space<vmem>>, vector<16xf32>,
      %add3A_43 = arith.addf %add3A_36, %get3A_42 : vector<16xf32>
      %mul3A_44 = arith.mulf %get3A_42, %get3A_42 : vector<16xf32>
      %add3A_45 = arith.addf %add3A_38, %mul3A_44 : vector<16xf32>
      %get3A_46 = arith.constant 3 : i32
      %get3A_47 = arith.index_cast %get3A_46 : i32 to index
      %get3A_48 = arith.index_cast %mul3A_22 : i32 to index
      %get3A_49 = tpu.vector_load %arg12[%get3A_47, %get3A_48] {strides = array<i32>} : memref<32x512xf32, #tpu.memory_space<vmem>>, vector<16xf32>,
      %add3A_50 = arith.addf %add3A_43, %get3A_49 : vector<16xf32>
      %mul3A_51 = arith.mulf %get3A_49, %get3A_49 : vector<16xf32>
      %add3A_52 = arith.addf %add3A_45, %mul3A_51 : vector<16xf32>
      %get3A_53 = arith.constant 4 : i32
      %get3A_54 = arith.index_cast %get3A_53 : i32 to index
      %get3A_55 = arith.index_cast %mul3A_22 : i32 to index
      %get3A_56 = tpu.vector_load %arg12[%get3A_54, %get3A_55] {strides = array<i32>} : memref<32x512xf32, #tpu.memory_space<vmem>>, vector<16xf32>,
      %add3A_57 = arith.addf %add3A_50, %get3A_56 : vector<16xf32>
      %mul3A_58 = arith.mulf %get3A_56, %get3A_56 : vector<16xf32>
      %add3A_59 = arith.addf %add3A_52, %mul3A_58 : vector<16xf32>
      %get3A_60 = arith.constant 5 : i32
      %get3A_61 = arith.index_cast %get3A_60 : i32 to index
      %get3A_62 = arith.index_cast %mul3A_22 : i32 to index
      %get3A_63 = tpu.vector_load %arg12[%get3A_61, %get3A_62] {strides = array<i32>} : memref<32x512xf32, #tpu.memory_space<vmem>>, vector<16xf32>,
      %add3A_64 = arith.addf %add3A_57, %get3A_63 : vector<16xf32>
      %mul3A_65 = arith.mulf %get3A_63, %get3A_63 : vector<16xf32>
      %add3A_66 = arith.addf %add3A_59, %mul3A_65 : vector<16xf32>
      %get3A_67 = arith.constant 6 : i32
      %get3A_68 = arith.index_cast %get3A_67 : i32 to index
      %get3A_69 = arith.index_cast %mul3A_22 : i32 to index
      %get3A_70 = tpu.vector_load %arg12[%get3A_68, %get3A_69] {strides = array<i32>} : memref<32x512xf32, #tpu.memory_space<vmem>>, vector<16xf32>,
      %add3A_71 = arith.addf %add3A_64, %get3A_70 : vector<16xf32>
      %mul3A_72 = arith.mulf %get3A_70, %get3A_70 : vector<16xf32>
      %add3A_73 = arith.addf %add3A_66, %mul3A_72 : vector<16xf32>
      %get3A_74 = arith.constant 7 : i32
      %get3A_75 = arith.index_cast %get3A_74 : i32 to index
      %get3A_76 = arith.index_cast %mul3A_22 : i32 to index
      %get3A_77 = tpu.vector_load %arg12[%get3A_75, %get3A_76] {strides = array<i32>} : memref<32x512xf32, #tpu.memory_space<vmem>>, vector<16xf32>,
      %add3A_78 = arith.addf %add3A_71, %get3A_77 : vector<16xf32>
      %mul3A_79 = arith.mulf %get3A_77, %get3A_77 : vector<16xf32>
      %add3A_80 = arith.addf %add3A_73, %mul3A_79 : vector<16xf32>
      %get3A_81 = arith.constant 8 : i32
      %get3A_82 = arith.index_cast %get3A_81 : i32 to index
      %get3A_83 = arith.index_cast %mul3A_22 : i32 to index
      %get3A_84 = tpu.vector_load %arg12[%get3A_82, %get3A_83] {strides = array<i32>} : memref<32x512xf32, #tpu.memory_space<vmem>>, vector<16xf32>,
      %add3A_85 = arith.addf %add3A_78, %get3A_84 : vector<16xf32>
      %mul3A_86 = arith.mulf %get3A_84, %get3A_84 : vector<16xf32>
      %add3A_87 = arith.addf %add3A_80, %mul3A_86 : vector<16xf32>
      %get3A_88 = arith.constant 9 : i32
      %get3A_89 = arith.index_cast %get3A_88 : i32 to index
      %get3A_90 = arith.index_cast %mul3A_22 : i32 to index
      %get3A_91 = tpu.vector_load %arg12[%get3A_89, %get3A_90] {strides = array<i32>} : memref<32x512xf32, #tpu.memory_space<vmem>>, vector<16xf32>,
      %add3A_92 = arith.addf %add3A_85, %get3A_91 : vector<16xf32>
      %mul3A_93 = arith.mulf %get3A_91, %get3A_91 : vector<16xf32>
      %add3A_94 = arith.addf %add3A_87, %mul3A_93 : vector<16xf32>
      %get3A_95 = arith.constant 10 : i32
      %get3A_96 = arith.index_cast %get3A_95 : i32 to index
      %get3A_97 = arith.index_cast %mul3A_22 : i32 to index
      %get3A_98 = tpu.vector_load %arg12[%get3A_96, %get3A_97] {strides = array<i32>} : memref<32x512xf32, #tpu.memory_space<vmem>>, vector<16xf32>,
      %add3A_99 = arith.addf %add3A_92, %get3A_98 : vector<16xf32>
      %mul3A_100 = arith.mulf %get3A_98, %get3A_98 : vector<16xf32>
      %add3A_101 = arith.addf %add3A_94, %mul3A_100 : vector<16xf32>
      %get3A_102 = arith.constant 11 : i32
      %get3A_103 = arith.index_cast %get3A_102 : i32 to index
      %get3A_104 = arith.index_cast %mul3A_22 : i32 to index
      %get3A_105 = tpu.vector_load %arg12[%get3A_103, %get3A_104] {strides = array<i32>} : memref<32x512xf32, #tpu.memory_space<vmem>>, vector<16xf32>,
      %add3A_106 = arith.addf %add3A_99, %get3A_105 : vector<16xf32>
      %mul3A_107 = arith.mulf %get3A_105, %get3A_105 : vector<16xf32>
      %add3A_108 = arith.addf %add3A_101, %mul3A_107 : vector<16xf32>
      %get3A_109 = arith.constant 12 : i32
      %get3A_110 = arith.index_cast %get3A_109 : i32 to index
      %get3A_111 = arith.index_cast %mul3A_22 : i32 to index
      %get3A_112 = tpu.vector_load %arg12[%get3A_110, %get3A_111] {strides = array<i32>} : memref<32x512xf32, #tpu.memory_space<vmem>>, vector<16xf32>,
      %add3A_113 = arith.addf %add3A_106, %get3A_112 : vector<16xf32>
      %mul3A_114 = arith.mulf %get3A_112, %get3A_112 : vector<16xf32>
      %add3A_115 = arith.addf %add3A_108, %mul3A_114 : vector<16xf32>
      %get3A_116 = arith.constant 13 : i32
      %get3A_117 = arith.index_cast %get3A_116 : i32 to index
      %get3A_118 = arith.index_cast %mul3A_22 : i32 to index
      %get3A_119 = tpu.vector_load %arg12[%get3A_117, %get3A_118] {strides = array<i32>} : memref<32x512xf32, #tpu.memory_space<vmem>>, vector<16xf32>,
      %add3A_120 = arith.addf %add3A_113, %get3A_119 : vector<16xf32>
      %mul3A_121 = arith.mulf %get3A_119, %get3A_119 : vector<16xf32>
      %add3A_122 = arith.addf %add3A_115, %mul3A_121 : vector<16xf32>
      %get3A_123 = arith.constant 14 : i32
      %get3A_124 = arith.index_cast %get3A_123 : i32 to index
      %get3A_125 = arith.index_cast %mul3A_22 : i32 to index
      %get3A_126 = tpu.vector_load %arg12[%get3A_124, %get3A_125] {strides = array<i32>} : memref<32x512xf32, #tpu.memory_space<vmem>>, vector<16xf32>,
      %add3A_127 = arith.addf %add3A_120, %get3A_126 : vector<16xf32>
      %mul3A_128 = arith.mulf %get3A_126, %get3A_126 : vector<16xf32>
      %add3A_129 = arith.addf %add3A_122, %mul3A_128 : vector<16xf32>
      %get3A_130 = arith.constant 15 : i32
      %get3A_131 = arith.index_cast %get3A_130 : i32 to index
      %get3A_132 = arith.index_cast %mul3A_22 : i32 to index
      %get3A_133 = tpu.vector_load %arg12[%get3A_131, %get3A_132] {strides = array<i32>} : memref<32x512xf32, #tpu.memory_space<vmem>>, vector<16xf32>,
      %add3A_134 = arith.addf %add3A_127, %get3A_133 : vector<16xf32>
      %mul3A_135 = arith.mulf %get3A_133, %get3A_133 : vector<16xf32>
      %add3A_136 = arith.addf %add3A_129, %mul3A_135 : vector<16xf32>
      %get3A_137 = arith.constant 16 : i32
      %get3A_138 = arith.index_cast %get3A_137 : i32 to index
      %get3A_139 = arith.index_cast %mul3A_22 : i32 to index
      %get3A_140 = tpu.vector_load %arg12[%get3A_138, %get3A_139] {strides = array<i32>} : memref<32x512xf32, #tpu.memory_space<vmem>>, vector<16xf32>,
      %add3A_141 = arith.addf %add3A_134, %get3A_140 : vector<16xf32>
      %mul3A_142 = arith.mulf %get3A_140, %get3A_140 : vector<16xf32>
      %add3A_143 = arith.addf %add3A_136, %mul3A_142 : vector<16xf32>
      %get3A_144 = arith.constant 17 : i32
      %get3A_145 = arith.index_cast %get3A_144 : i32 to index
      %get3A_146 = arith.index_cast %mul3A_22 : i32 to index
      %get3A_147 = tpu.vector_load %arg12[%get3A_145, %get3A_146] {strides = array<i32>} : memref<32x512xf32, #tpu.memory_space<vmem>>, vector<16xf32>,
      %add3A_148 = arith.addf %add3A_141, %get3A_147 : vector<16xf32>
      %mul3A_149 = arith.mulf %get3A_147, %get3A_147 : vector<16xf32>
      %add3A_150 = arith.addf %add3A_143, %mul3A_149 : vector<16xf32>
      %get3A_151 = arith.constant 18 : i32
      %get3A_152 = arith.index_cast %get3A_151 : i32 to index
      %get3A_153 = arith.index_cast %mul3A_22 : i32 to index
      %get3A_154 = tpu.vector_load %arg12[%get3A_152, %get3A_153] {strides = array<i32>} : memref<32x512xf32, #tpu.memory_space<vmem>>, vector<16xf32>,
      %add3A_155 = arith.addf %add3A_148, %get3A_154 : vector<16xf32>
      %mul3A_156 = arith.mulf %get3A_154, %get3A_154 : vector<16xf32>
      %add3A_157 = arith.addf %add3A_150, %mul3A_156 : vector<16xf32>
      %get3A_158 = arith.constant 19 : i32
      %get3A_159 = arith.index_cast %get3A_158 : i32 to index
      %get3A_160 = arith.index_cast %mul3A_22 : i32 to index
      %get3A_161 = tpu.vector_load %arg12[%get3A_159, %get3A_160] {strides = array<i32>} : memref<32x512xf32, #tpu.memory_space<vmem>>, vector<16xf32>,
      %add3A_162 = arith.addf %add3A_155, %get3A_161 : vector<16xf32>
      %mul3A_163 = arith.mulf %get3A_161, %get3A_161 : vector<16xf32>
      %add3A_164 = arith.addf %add3A_157, %mul3A_163 : vector<16xf32>
      %get3A_165 = arith.constant 20 : i32
      %get3A_166 = arith.index_cast %get3A_165 : i32 to index
      %get3A_167 = arith.index_cast %mul3A_22 : i32 to index
      %get3A_168 = tpu.vector_load %arg12[%get3A_166, %get3A_167] {strides = array<i32>} : memref<32x512xf32, #tpu.memory_space<vmem>>, vector<16xf32>,
      %add3A_169 = arith.addf %add3A_162, %get3A_168 : vector<16xf32>
      %mul3A_170 = arith.mulf %get3A_168, %get3A_168 : vector<16xf32>
      %add3A_171 = arith.addf %add3A_164, %mul3A_170 : vector<16xf32>
      %get3A_172 = arith.constant 21 : i32
      %get3A_173 = arith.index_cast %get3A_172 : i32 to index
      %get3A_174 = arith.index_cast %mul3A_22 : i32 to index
      %get3A_175 = tpu.vector_load %arg12[%get3A_173, %get3A_174] {strides = array<i32>} : memref<32x512xf32, #tpu.memory_space<vmem>>, vector<16xf32>,
      %add3A_176 = arith.addf %add3A_169, %get3A_175 : vector<16xf32>
      %mul3A_177 = arith.mulf %get3A_175, %get3A_175 : vector<16xf32>
      %add3A_178 = arith.addf %add3A_171, %mul3A_177 : vector<16xf32>
      %get3A_179 = arith.constant 22 : i32
      %get3A_180 = arith.index_cast %get3A_179 : i32 to index
      %get3A_181 = arith.index_cast %mul3A_22 : i32 to index
      %get3A_182 = tpu.vector_load %arg12[%get3A_180, %get3A_181] {strides = array<i32>} : memref<32x512xf32, #tpu.memory_space<vmem>>, vector<16xf32>,
      %add3A_183 = arith.addf %add3A_176, %get3A_182 : vector<16xf32>
      %mul3A_184 = arith.mulf %get3A_182, %get3A_182 : vector<16xf32>
      %add3A_185 = arith.addf %add3A_178, %mul3A_184 : vector<16xf32>
      %get3A_186 = arith.constant 23 : i32
      %get3A_187 = arith.index_cast %get3A_186 : i32 to index
      %get3A_188 = arith.index_cast %mul3A_22 : i32 to index
      %get3A_189 = tpu.vector_load %arg12[%get3A_187, %get3A_188] {strides = array<i32>} : memref<32x512xf32, #tpu.memory_space<vmem>>, vector<16xf32>,
      %add3A_190 = arith.addf %add3A_183, %get3A_189 : vector<16xf32>
      %mul3A_191 = arith.mulf %get3A_189, %get3A_189 : vector<16xf32>
      %add3A_192 = arith.addf %add3A_185, %mul3A_191 : vector<16xf32>
      %get3A_193 = arith.constant 24 : i32
      %get3A_194 = arith.index_cast %get3A_193 : i32 to index
      %get3A_195 = arith.index_cast %mul3A_22 : i32 to index
      %get3A_196 = tpu.vector_load %arg12[%get3A_194, %get3A_195] {strides = array<i32>} : memref<32x512xf32, #tpu.memory_space<vmem>>, vector<16xf32>,
      %add3A_197 = arith.addf %add3A_190, %get3A_196 : vector<16xf32>
      %mul3A_198 = arith.mulf %get3A_196, %get3A_196 : vector<16xf32>
      %add3A_199 = arith.addf %add3A_192, %mul3A_198 : vector<16xf32>
      %get3A_200 = arith.constant 25 : i32
      %get3A_201 = arith.index_cast %get3A_200 : i32 to index
      %get3A_202 = arith.index_cast %mul3A_22 : i32 to index
      %get3A_203 = tpu.vector_load %arg12[%get3A_201, %get3A_202] {strides = array<i32>} : memref<32x512xf32, #tpu.memory_space<vmem>>, vector<16xf32>,
      %add3A_204 = arith.addf %add3A_197, %get3A_203 : vector<16xf32>
      %mul3A_205 = arith.mulf %get3A_203, %get3A_203 : vector<16xf32>
      %add3A_206 = arith.addf %add3A_199, %mul3A_205 : vector<16xf32>
      %get3A_207 = arith.constant 26 : i32
      %get3A_208 = arith.index_cast %get3A_207 : i32 to index
      %get3A_209 = arith.index_cast %mul3A_22 : i32 to index
      %get3A_210 = tpu.vector_load %arg12[%get3A_208, %get3A_209] {strides = array<i32>} : memref<32x512xf32, #tpu.memory_space<vmem>>, vector<16xf32>,
      %add3A_211 = arith.addf %add3A_204, %get3A_210 : vector<16xf32>
      %mul3A_212 = arith.mulf %get3A_210, %get3A_210 : vector<16xf32>
      %add3A_213 = arith.addf %add3A_206, %mul3A_212 : vector<16xf32>
      %get3A_214 = arith.constant 27 : i32
      %get3A_215 = arith.index_cast %get3A_214 : i32 to index
      %get3A_216 = arith.index_cast %mul3A_22 : i32 to index
      %get3A_217 = tpu.vector_load %arg12[%get3A_215, %get3A_216] {strides = array<i32>} : memref<32x512xf32, #tpu.memory_space<vmem>>, vector<16xf32>,
      %add3A_218 = arith.addf %add3A_211, %get3A_217 : vector<16xf32>
      %mul3A_219 = arith.mulf %get3A_217, %get3A_217 : vector<16xf32>
      %add3A_220 = arith.addf %add3A_213, %mul3A_219 : vector<16xf32>
      %get3A_221 = arith.constant 28 : i32
      %get3A_222 = arith.index_cast %get3A_221 : i32 to index
      %get3A_223 = arith.index_cast %mul3A_22 : i32 to index
      %get3A_224 = tpu.vector_load %arg12[%get3A_222, %get3A_223] {strides = array<i32>} : memref<32x512xf32, #tpu.memory_space<vmem>>, vector<16xf32>,
      %add3A_225 = arith.addf %add3A_218, %get3A_224 : vector<16xf32>
      %mul3A_226 = arith.mulf %get3A_224, %get3A_224 : vector<16xf32>
      %add3A_227 = arith.addf %add3A_220, %mul3A_226 : vector<16xf32>
      %get3A_228 = arith.constant 29 : i32
      %get3A_229 = arith.index_cast %get3A_228 : i32 to index
      %get3A_230 = arith.index_cast %mul3A_22 : i32 to index
      %get3A_231 = tpu.vector_load %arg12[%get3A_229, %get3A_230] {strides = array<i32>} : memref<32x512xf32, #tpu.memory_space<vmem>>, vector<16xf32>,
      %add3A_232 = arith.addf %add3A_225, %get3A_231 : vector<16xf32>
      %mul3A_233 = arith.mulf %get3A_231, %get3A_231 : vector<16xf32>
      %add3A_234 = arith.addf %add3A_227, %mul3A_233 : vector<16xf32>
      %get3A_235 = arith.constant 30 : i32
      %get3A_236 = arith.index_cast %get3A_235 : i32 to index
      %get3A_237 = arith.index_cast %mul3A_22 : i32 to index
      %get3A_238 = tpu.vector_load %arg12[%get3A_236, %get3A_237] {strides = array<i32>} : memref<32x512xf32, #tpu.memory_space<vmem>>, vector<16xf32>,
      %add3A_239 = arith.addf %add3A_232, %get3A_238 : vector<16xf32>
      %mul3A_240 = arith.mulf %get3A_238, %get3A_238 : vector<16xf32>
      %add3A_241 = arith.addf %add3A_234, %mul3A_240 : vector<16xf32>
      %get3A_242 = arith.constant 31 : i32
      %get3A_243 = arith.index_cast %get3A_242 : i32 to index
      %get3A_244 = arith.index_cast %mul3A_22 : i32 to index
      %get3A_245 = tpu.vector_load %arg12[%get3A_243, %get3A_244] {strides = array<i32>} : memref<32x512xf32, #tpu.memory_space<vmem>>, vector<16xf32>,
      %add3A_246 = arith.addf %add3A_239, %get3A_245 : vector<16xf32>
      %mul3A_247 = arith.mulf %get3A_245, %get3A_245 : vector<16xf32>
      %add3A_248 = arith.addf %add3A_241, %mul3A_247 : vector<16xf32>
      %mul3A_249 = arith.constant 3.125000e-02 : f32
      %mul3A_250 = vector.broadcast %mul3A_249 : f32 to vector<16xf32>
      %mul3A_251 = arith.mulf %add3A_246, %mul3A_250 : vector<16xf32>
      %mul3A_252 = arith.constant 3.125000e-02 : f32
      %mul3A_253 = vector.broadcast %mul3A_252 : f32 to vector<16xf32>
      %mul3A_254 = arith.mulf %add3A_248, %mul3A_253 : vector<16xf32>
      %mul3A_255 = arith.mulf %mul3A_251, %mul3A_251 : vector<16xf32>
      %sub3A = arith.subf %mul3A_254, %mul3A_255 : vector<16xf32>
      %add3A_256 = arith.constant 9.99999974E-6 : f32
      %add3A_257 = vector.broadcast %add3A_256 : f32 to vector<16xf32>
      %add3A_258 = arith.addf %sub3A, %add3A_257 : vector<16xf32>
      %bitcast_convert_type3A = tpu.bitcast %add3A_258 : vector<16xf32> -> vector<16xi32>
      %shift_right_arithmetic3A = arith.constant 1 : i32
      %shift_right_arithmetic3A_259 = vector.broadcast %shift_right_arithmetic3A : i32 to vector<16xi32>
      %shift_right_arithmetic3A_260 = arith.shrsi %bitcast_convert_type3A, %shift_right_arithmetic3A_259 : vector<16xi32>
      %sub3A_261 = arith.constant 1597463007 : i32
      %sub3A_262 = vector.broadcast %sub3A_261 : i32 to vector<16xi32>
      %sub3A_263 = arith.subi %sub3A_262, %shift_right_arithmetic3A_260 : vector<16xi32>
      %bitcast_convert_type3A_264 = tpu.bitcast %sub3A_263 : vector<16xi32> -> vector<16xf32>
      %mul3A_265 = arith.constant 5.000000e-01 : f32
      %mul3A_266 = vector.broadcast %mul3A_265 : f32 to vector<16xf32>
      %mul3A_267 = arith.mulf %mul3A_266, %add3A_258 : vector<16xf32>
      %mul3A_268 = arith.mulf %mul3A_267, %bitcast_convert_type3A_264 : vector<16xf32>
      %mul3A_269 = arith.mulf %mul3A_268, %bitcast_convert_type3A_264 : vector<16xf32>
      %sub3A_270 = arith.constant 1.500000e+00 : f32
      %sub3A_271 = vector.broadcast %sub3A_270 : f32 to vector<16xf32>
      %sub3A_272 = arith.subf %sub3A_271, %mul3A_269 : vector<16xf32>
      %mul3A_273 = arith.mulf %bitcast_convert_type3A_264, %sub3A_272 : vector<16xf32>
      %mul3A_274 = arith.constant 5.000000e-01 : f32
      %mul3A_275 = vector.broadcast %mul3A_274 : f32 to vector<16xf32>
      %mul3A_276 = arith.mulf %mul3A_275, %add3A_258 : vector<16xf32>
      %mul3A_277 = arith.mulf %mul3A_276, %mul3A_273 : vector<16xf32>
      %mul3A_278 = arith.mulf %mul3A_277, %mul3A_273 : vector<16xf32>
      %sub3A_279 = arith.constant 1.500000e+00 : f32
      %sub3A_280 = vector.broadcast %sub3A_279 : f32 to vector<16xf32>
      %sub3A_281 = arith.subf %sub3A_280, %mul3A_278 : vector<16xf32>
      %mul3A_282 = arith.mulf %mul3A_273, %sub3A_281 : vector<16xf32>
      %mul3A_283 = arith.constant 5.000000e-01 : f32
      %mul3A_284 = vector.broadcast %mul3A_283 : f32 to vector<16xf32>
      %mul3A_285 = arith.mulf %mul3A_284, %add3A_258 : vector<16xf32>
      %mul3A_286 = arith.mulf %mul3A_285, %mul3A_282 : vector<16xf32>
      %mul3A_287 = arith.mulf %mul3A_286, %mul3A_282 : vector<16xf32>
      %sub3A_288 = arith.constant 1.500000e+00 : f32
      %sub3A_289 = vector.broadcast %sub3A_288 : f32 to vector<16xf32>
      %sub3A_290 = arith.subf %sub3A_289, %mul3A_287 : vector<16xf32>
      %mul3A_291 = arith.mulf %mul3A_282, %sub3A_290 : vector<16xf32>
      %get3A_292 = arith.constant 0 : i32
      %get3A_293 = arith.index_cast %get3A_292 : i32 to index
      %get3A_294 = arith.index_cast %mul3A_22 : i32 to index
      %get3A_295 = tpu.vector_load %arg12[%get3A_293, %get3A_294] {strides = array<i32>} : memref<32x512xf32, #tpu.memory_space<vmem>>, vector<16xf32>,
      %sub3A_296 = arith.subf %get3A_295, %mul3A_251 : vector<16xf32>
      %get3A_297 = arith.constant 0 : i32
      %get3A_298 = arith.index_cast %get3A_297 : i32 to index
      %get3A_299 = arith.constant 0 : index
      %get3A_300 = tpu.vector_load %arg13[%get3A_298, %get3A_299] {strides = array<i32>} : memref<32x16xf32, #tpu.memory_space<vmem>>, vector<16xf32>,
      %mul3A_301 = arith.mulf %mul3A_291, %get3A_300 : vector<16xf32>
      %mul3A_302 = arith.mulf %sub3A_296, %mul3A_301 : vector<16xf32>
      %get3A_303 = arith.constant 0 : i32
      %get3A_304 = arith.index_cast %get3A_303 : i32 to index
      %get3A_305 = arith.constant 0 : index
      %get3A_306 = tpu.vector_load %arg14[%get3A_304, %get3A_305] {strides = array<i32>} : memref<32x16xf32, #tpu.memory_space<vmem>>, vector<16xf32>,
      %add3A_307 = arith.addf %mul3A_302, %get3A_306 : vector<16xf32>
      %swap3A = arith.constant 0 : i32
      %swap3A_308 = arith.index_cast %swap3A : i32 to index
      %swap3A_309 = arith.index_cast %mul3A_22 : i32 to index
      %swap3A_310 = tpu.vector_load %arg12[%swap3A_308, %swap3A_309] {strides = array<i32>} : memref<32x512xf32, #tpu.memory_space<vmem>>, vector<16xf32>,
      tpu.vector_store %arg12[%swap3A_308, %swap3A_309], %add3A_307 {strides = array<i32>} : memref<32x512xf32, #tpu.memory_space<vmem>>, vector<16xf32>,
      %get3A_311 = arith.constant 1 : i32
      %get3A_312 = arith.index_cast %get3A_311 : i32 to index
      %get3A_313 = arith.index_cast %mul3A_22 : i32 to index
      %get3A_314 = tpu.vector_load %arg12[%get3A_312, %get3A_313] {strides = array<i32>} : memref<32x512xf32, #tpu.memory_space<vmem>>, vector<16xf32>,
      %sub3A_315 = arith.subf %get3A_314, %mul3A_251 : vector<16xf32>
      %get3A_316 = arith.constant 1 : i32
      %get3A_317 = arith.index_cast %get3A_316 : i32 to index
      %get3A_318 = arith.constant 0 : index
      %get3A_319 = tpu.vector_load %arg13[%get3A_317, %get3A_318] {strides = array<i32>} : memref<32x16xf32, #tpu.memory_space<vmem>>, vector<16xf32>,
      %mul3A_320 = arith.mulf %mul3A_291, %get3A_319 : vector<16xf32>
      %mul3A_321 = arith.mulf %sub3A_315, %mul3A_320 : vector<16xf32>
      %get3A_322 = arith.constant 1 : i32
      %get3A_323 = arith.index_cast %get3A_322 : i32 to index
      %get3A_324 = arith.constant 0 : index
      %get3A_325 = tpu.vector_load %arg14[%get3A_323, %get3A_324] {strides = array<i32>} : memref<32x16xf32, #tpu.memory_space<vmem>>, vector<16xf32>,
      %add3A_326 = arith.addf %mul3A_321, %get3A_325 : vector<16xf32>
      %swap3A_327 = arith.constant 1 : i32
      %swap3A_328 = arith.index_cast %swap3A_327 : i32 to index
      %swap3A_329 = arith.index_cast %mul3A_22 : i32 to index
      %swap3A_330 = tpu.vector_load %arg12[%swap3A_328, %swap3A_329] {strides = array<i32>} : memref<32x512xf32, #tpu.memory_space<vmem>>, vector<16xf32>,
      tpu.vector_store %arg12[%swap3A_328, %swap3A_329], %add3A_326 {strides = array<i32>} : memref<32x512xf32, #tpu.memory_space<vmem>>, vector<16xf32>,
      %get3A_331 = arith.constant 2 : i32
      %get3A_332 = arith.index_cast %get3A_331 : i32 to index
      %get3A_333 = arith.index_cast %mul3A_22 : i32 to index
      %get3A_334 = tpu.vector_load %arg12[%get3A_332, %get3A_333] {strides = array<i32>} : memref<32x512xf32, #tpu.memory_space<vmem>>, vector<16xf32>,
      %sub3A_335 = arith.subf %get3A_334, %mul3A_251 : vector<16xf32>
      %get3A_336 = arith.constant 2 : i32
      %get3A_337 = arith.index_cast %get3A_336 : i32 to index
      %get3A_338 = arith.constant 0 : index
      %get3A_339 = tpu.vector_load %arg13[%get3A_337, %get3A_338] {strides = array<i32>} : memref<32x16xf32, #tpu.memory_space<vmem>>, vector<16xf32>,
      %mul3A_340 = arith.mulf %mul3A_291, %get3A_339 : vector<16xf32>
      %mul3A_341 = arith.mulf %sub3A_335, %mul3A_340 : vector<16xf32>
      %get3A_342 = arith.constant 2 : i32
      %get3A_343 = arith.index_cast %get3A_342 : i32 to index
      %get3A_344 = arith.constant 0 : index
      %get3A_345 = tpu.vector_load %arg14[%get3A_343, %get3A_344] {strides = array<i32>} : memref<32x16xf32, #tpu.memory_space<vmem>>, vector<16xf32>,
      %add3A_346 = arith.addf %mul3A_341, %get3A_345 : vector<16xf32>
      %swap3A_347 = arith.constant 2 : i32
      %swap3A_348 = arith.index_cast %swap3A_347 : i32 to index
      %swap3A_349 = arith.index_cast %mul3A_22 : i32 to index
      %swap3A_350 = tpu.vector_load %arg12[%swap3A_348, %swap3A_349] {strides = array<i32>} : memref<32x512xf32, #tpu.memory_space<vmem>>, vector<16xf32>,
      tpu.vector_store %arg12[%swap3A_348, %swap3A_349], %add3A_346 {strides = array<i32>} : memref<32x512xf32, #tpu.memory_space<vmem>>, vector<16xf32>,
      %get3A_351 = arith.constant 3 : i32
      %get3A_352 = arith.index_cast %get3A_351 : i32 to index
      %get3A_353 = arith.index_cast %mul3A_22 : i32 to index
      %get3A_354 = tpu.vector_load %arg12[%get3A_352, %get3A_353] {strides = array<i32>} : memref<32x512xf32, #tpu.memory_space<vmem>>, vector<16xf32>,
      %sub3A_355 = arith.subf %get3A_354, %mul3A_251 : vector<16xf32>
      %get3A_356 = arith.constant 3 : i32
      %get3A_357 = arith.index_cast %get3A_356 : i32 to index
      %get3A_358 = arith.constant 0 : index
      %get3A_359 = tpu.vector_load %arg13[%get3A_357, %get3A_358] {strides = array<i32>} : memref<32x16xf32, #tpu.memory_space<vmem>>, vector<16xf32>,
      %mul3A_360 = arith.mulf %mul3A_291, %get3A_359 : vector<16xf32>
      %mul3A_361 = arith.mulf %sub3A_355, %mul3A_360 : vector<16xf32>
      %get3A_362 = arith.constant 3 : i32
      %get3A_363 = arith.index_cast %get3A_362 : i32 to index
      %get3A_364 = arith.constant 0 : index
      %get3A_365 = tpu.vector_load %arg14[%get3A_363, %get3A_364] {strides = array<i32>} : memref<32x16xf32, #tpu.memory_space<vmem>>, vector<16xf32>,
      %add3A_366 = arith.addf %mul3A_361, %get3A_365 : vector<16xf32>
      %swap3A_367 = arith.constant 3 : i32
      %swap3A_368 = arith.index_cast %swap3A_367 : i32 to index
      %swap3A_369 = arith.index_cast %mul3A_22 : i32 to index
      %swap3A_370 = tpu.vector_load %arg12[%swap3A_368, %swap3A_369] {strides = array<i32>} : memref<32x512xf32, #tpu.memory_space<vmem>>, vector<16xf32>,
      tpu.vector_store %arg12[%swap3A_368, %swap3A_369], %add3A_366 {strides = array<i32>} : memref<32x512xf32, #tpu.memory_space<vmem>>, vector<16xf32>,
      %get3A_371 = arith.constant 4 : i32
      %get3A_372 = arith.index_cast %get3A_371 : i32 to index
      %get3A_373 = arith.index_cast %mul3A_22 : i32 to index
      %get3A_374 = tpu.vector_load %arg12[%get3A_372, %get3A_373] {strides = array<i32>} : memref<32x512xf32, #tpu.memory_space<vmem>>, vector<16xf32>,
      %sub3A_375 = arith.subf %get3A_374, %mul3A_251 : vector<16xf32>
      %get3A_376 = arith.constant 4 : i32
      %get3A_377 = arith.index_cast %get3A_376 : i32 to index
      %get3A_378 = arith.constant 0 : index
      %get3A_379 = tpu.vector_load %arg13[%get3A_377, %get3A_378] {strides = array<i32>} : memref<32x16xf32, #tpu.memory_space<vmem>>, vector<16xf32>,
      %mul3A_380 = arith.mulf %mul3A_291, %get3A_379 : vector<16xf32>
      %mul3A_381 = arith.mulf %sub3A_375, %mul3A_380 : vector<16xf32>
      %get3A_382 = arith.constant 4 : i32
      %get3A_383 = arith.index_cast %get3A_382 : i32 to index
      %get3A_384 = arith.constant 0 : index
      %get3A_385 = tpu.vector_load %arg14[%get3A_383, %get3A_384] {strides = array<i32>} : memref<32x16xf32, #tpu.memory_space<vmem>>, vector<16xf32>,
      %add3A_386 = arith.addf %mul3A_381, %get3A_385 : vector<16xf32>
      %swap3A_387 = arith.constant 4 : i32
      %swap3A_388 = arith.index_cast %swap3A_387 : i32 to index
      %swap3A_389 = arith.index_cast %mul3A_22 : i32 to index
      %swap3A_390 = tpu.vector_load %arg12[%swap3A_388, %swap3A_389] {strides = array<i32>} : memref<32x512xf32, #tpu.memory_space<vmem>>, vector<16xf32>,
      tpu.vector_store %arg12[%swap3A_388, %swap3A_389], %add3A_386 {strides = array<i32>} : memref<32x512xf32, #tpu.memory_space<vmem>>, vector<16xf32>,
      %get3A_391 = arith.constant 5 : i32
      %get3A_392 = arith.index_cast %get3A_391 : i32 to index
      %get3A_393 = arith.index_cast %mul3A_22 : i32 to index
      %get3A_394 = tpu.vector_load %arg12[%get3A_392, %get3A_393] {strides = array<i32>} : memref<32x512xf32, #tpu.memory_space<vmem>>, vector<16xf32>,
      %sub3A_395 = arith.subf %get3A_394, %mul3A_251 : vector<16xf32>
      %get3A_396 = arith.constant 5 : i32
      %get3A_397 = arith.index_cast %get3A_396 : i32 to index
      %get3A_398 = arith.constant 0 : index
      %get3A_399 = tpu.vector_load %arg13[%get3A_397, %get3A_398] {strides = array<i32>} : memref<32x16xf32, #tpu.memory_space<vmem>>, vector<16xf32>,
      %mul3A_400 = arith.mulf %mul3A_291, %get3A_399 : vector<16xf32>
      %mul3A_401 = arith.mulf %sub3A_395, %mul3A_400 : vector<16xf32>
      %get3A_402 = arith.constant 5 : i32
      %get3A_403 = arith.index_cast %get3A_402 : i32 to index
      %get3A_404 = arith.constant 0 : index
      %get3A_405 = tpu.vector_load %arg14[%get3A_403, %get3A_404] {strides = array<i32>} : memref<32x16xf32, #tpu.memory_space<vmem>>, vector<16xf32>,
      %add3A_406 = arith.addf %mul3A_401, %get3A_405 : vector<16xf32>
      %swap3A_407 = arith.constant 5 : i32
      %swap3A_408 = arith.index_cast %swap3A_407 : i32 to index
      %swap3A_409 = arith.index_cast %mul3A_22 : i32 to index
      %swap3A_410 = tpu.vector_load %arg12[%swap3A_408, %swap3A_409] {strides = array<i32>} : memref<32x512xf32, #tpu.memory_space<vmem>>, vector<16xf32>,
      tpu.vector_store %arg12[%swap3A_408, %swap3A_409], %add3A_406 {strides = array<i32>} : memref<32x512xf32, #tpu.memory_space<vmem>>, vector<16xf32>,
      %get3A_411 = arith.constant 6 : i32
      %get3A_412 = arith.index_cast %get3A_411 : i32 to index
      %get3A_413 = arith.index_cast %mul3A_22 : i32 to index
      %get3A_414 = tpu.vector_load %arg12[%get3A_412, %get3A_413] {strides = array<i32>} : memref<32x512xf32, #tpu.memory_space<vmem>>, vector<16xf32>,
      %sub3A_415 = arith.subf %get3A_414, %mul3A_251 : vector<16xf32>
      %get3A_416 = arith.constant 6 : i32
      %get3A_417 = arith.index_cast %get3A_416 : i32 to index
      %get3A_418 = arith.constant 0 : index
      %get3A_419 = tpu.vector_load %arg13[%get3A_417, %get3A_418] {strides = array<i32>} : memref<32x16xf32, #tpu.memory_space<vmem>>, vector<16xf32>,
      %mul3A_420 = arith.mulf %mul3A_291, %get3A_419 : vector<16xf32>
      %mul3A_421 = arith.mulf %sub3A_415, %mul3A_420 : vector<16xf32>
      %get3A_422 = arith.constant 6 : i32
      %get3A_423 = arith.index_cast %get3A_422 : i32 to index
      %get3A_424 = arith.constant 0 : index
      %get3A_425 = tpu.vector_load %arg14[%get3A_423, %get3A_424] {strides = array<i32>} : memref<32x16xf32, #tpu.memory_space<vmem>>, vector<16xf32>,
      %add3A_426 = arith.addf %mul3A_421, %get3A_425 : vector<16xf32>
      %swap3A_427 = arith.constant 6 : i32
      %swap3A_428 = arith.index_cast %swap3A_427 : i32 to index
      %swap3A_429 = arith.index_cast %mul3A_22 : i32 to index
      %swap3A_430 = tpu.vector_load %arg12[%swap3A_428, %swap3A_429] {strides = array<i32>} : memref<32x512xf32, #tpu.memory_space<vmem>>, vector<16xf32>,
      tpu.vector_store %arg12[%swap3A_428, %swap3A_429], %add3A_426 {strides = array<i32>} : memref<32x512xf32, #tpu.memory_space<vmem>>, vector<16xf32>,
      %get3A_431 = arith.constant 7 : i32
      %get3A_432 = arith.index_cast %get3A_431 : i32 to index
      %get3A_433 = arith.index_cast %mul3A_22 : i32 to index
      %get3A_434 = tpu.vector_load %arg12[%get3A_432, %get3A_433] {strides = array<i32>} : memref<32x512xf32, #tpu.memory_space<vmem>>, vector<16xf32>,
      %sub3A_435 = arith.subf %get3A_434, %mul3A_251 : vector<16xf32>
      %get3A_436 = arith.constant 7 : i32
      %get3A_437 = arith.index_cast %get3A_436 : i32 to index
      %get3A_438 = arith.constant 0 : index
      %get3A_439 = tpu.vector_load %arg13[%get3A_437, %get3A_438] {strides = array<i32>} : memref<32x16xf32, #tpu.memory_space<vmem>>, vector<16xf32>,
      %mul3A_440 = arith.mulf %mul3A_291, %get3A_439 : vector<16xf32>
      %mul3A_441 = arith.mulf %sub3A_435, %mul3A_440 : vector<16xf32>
      %get3A_442 = arith.constant 7 : i32
      %get3A_443 = arith.index_cast %get3A_442 : i32 to index
      %get3A_444 = arith.constant 0 : index
      %get3A_445 = tpu.vector_load %arg14[%get3A_443, %get3A_444] {strides = array<i32>} : memref<32x16xf32, #tpu.memory_space<vmem>>, vector<16xf32>,
      %add3A_446 = arith.addf %mul3A_441, %get3A_445 : vector<16xf32>
      %swap3A_447 = arith.constant 7 : i32
      %swap3A_448 = arith.index_cast %swap3A_447 : i32 to index
      %swap3A_449 = arith.index_cast %mul3A_22 : i32 to index
      %swap3A_450 = tpu.vector_load %arg12[%swap3A_448, %swap3A_449] {strides = array<i32>} : memref<32x512xf32, #tpu.memory_space<vmem>>, vector<16xf32>,
      tpu.vector_store %arg12[%swap3A_448, %swap3A_449], %add3A_446 {strides = array<i32>} : memref<32x512xf32, #tpu.memory_space<vmem>>, vector<16xf32>,
      %get3A_451 = arith.constant 8 : i32
      %get3A_452 = arith.index_cast %get3A_451 : i32 to index
      %get3A_453 = arith.index_cast %mul3A_22 : i32 to index
      %get3A_454 = tpu.vector_load %arg12[%get3A_452, %get3A_453] {strides = array<i32>} : memref<32x512xf32, #tpu.memory_space<vmem>>, vector<16xf32>,
      %sub3A_455 = arith.subf %get3A_454, %mul3A_251 : vector<16xf32>
      %get3A_456 = arith.constant 8 : i32
      %get3A_457 = arith.index_cast %get3A_456 : i32 to index
      %get3A_458 = arith.constant 0 : index
      %get3A_459 = tpu.vector_load %arg13[%get3A_457, %get3A_458] {strides = array<i32>} : memref<32x16xf32, #tpu.memory_space<vmem>>, vector<16xf32>,
      %mul3A_460 = arith.mulf %mul3A_291, %get3A_459 : vector<16xf32>
      %mul3A_461 = arith.mulf %sub3A_455, %mul3A_460 : vector<16xf32>
      %get3A_462 = arith.constant 8 : i32
      %get3A_463 = arith.index_cast %get3A_462 : i32 to index
      %get3A_464 = arith.constant 0 : index
      %get3A_465 = tpu.vector_load %arg14[%get3A_463, %get3A_464] {strides = array<i32>} : memref<32x16xf32, #tpu.memory_space<vmem>>, vector<16xf32>,
      %add3A_466 = arith.addf %mul3A_461, %get3A_465 : vector<16xf32>
      %swap3A_467 = arith.constant 8 : i32
      %swap3A_468 = arith.index_cast %swap3A_467 : i32 to index
      %swap3A_469 = arith.index_cast %mul3A_22 : i32 to index
      %swap3A_470 = tpu.vector_load %arg12[%swap3A_468, %swap3A_469] {strides = array<i32>} : memref<32x512xf32, #tpu.memory_space<vmem>>, vector<16xf32>,
      tpu.vector_store %arg12[%swap3A_468, %swap3A_469], %add3A_466 {strides = array<i32>} : memref<32x512xf32, #tpu.memory_space<vmem>>, vector<16xf32>,
      %get3A_471 = arith.constant 9 : i32
      %get3A_472 = arith.index_cast %get3A_471 : i32 to index
      %get3A_473 = arith.index_cast %mul3A_22 : i32 to index
      %get3A_474 = tpu.vector_load %arg12[%get3A_472, %get3A_473] {strides = array<i32>} : memref<32x512xf32, #tpu.memory_space<vmem>>, vector<16xf32>,
      %sub3A_475 = arith.subf %get3A_474, %mul3A_251 : vector<16xf32>
      %get3A_476 = arith.constant 9 : i32
      %get3A_477 = arith.index_cast %get3A_476 : i32 to index
      %get3A_478 = arith.constant 0 : index
      %get3A_479 = tpu.vector_load %arg13[%get3A_477, %get3A_478] {strides = array<i32>} : memref<32x16xf32, #tpu.memory_space<vmem>>, vector<16xf32>,
      %mul3A_480 = arith.mulf %mul3A_291, %get3A_479 : vector<16xf32>
      %mul3A_481 = arith.mulf %sub3A_475, %mul3A_480 : vector<16xf32>
      %get3A_482 = arith.constant 9 : i32
      %get3A_483 = arith.index_cast %get3A_482 : i32 to index
      %get3A_484 = arith.constant 0 : index
      %get3A_485 = tpu.vector_load %arg14[%get3A_483, %get3A_484] {strides = array<i32>} : memref<32x16xf32, #tpu.memory_space<vmem>>, vector<16xf32>,
      %add3A_486 = arith.addf %mul3A_481, %get3A_485 : vector<16xf32>
      %swap3A_487 = arith.constant 9 : i32
      %swap3A_488 = arith.index_cast %swap3A_487 : i32 to index
      %swap3A_489 = arith.index_cast %mul3A_22 : i32 to index
      %swap3A_490 = tpu.vector_load %arg12[%swap3A_488, %swap3A_489] {strides = array<i32>} : memref<32x512xf32, #tpu.memory_space<vmem>>, vector<16xf32>,
      tpu.vector_store %arg12[%swap3A_488, %swap3A_489], %add3A_486 {strides = array<i32>} : memref<32x512xf32, #tpu.memory_space<vmem>>, vector<16xf32>,
      %get3A_491 = arith.constant 10 : i32
      %get3A_492 = arith.index_cast %get3A_491 : i32 to index
      %get3A_493 = arith.index_cast %mul3A_22 : i32 to index
      %get3A_494 = tpu.vector_load %arg12[%get3A_492, %get3A_493] {strides = array<i32>} : memref<32x512xf32, #tpu.memory_space<vmem>>, vector<16xf32>,
      %sub3A_495 = arith.subf %get3A_494, %mul3A_251 : vector<16xf32>
      %get3A_496 = arith.constant 10 : i32
      %get3A_497 = arith.index_cast %get3A_496 : i32 to index
      %get3A_498 = arith.constant 0 : index
      %get3A_499 = tpu.vector_load %arg13[%get3A_497, %get3A_498] {strides = array<i32>} : memref<32x16xf32, #tpu.memory_space<vmem>>, vector<16xf32>,
      %mul3A_500 = arith.mulf %mul3A_291, %get3A_499 : vector<16xf32>
      %mul3A_501 = arith.mulf %sub3A_495, %mul3A_500 : vector<16xf32>
      %get3A_502 = arith.constant 10 : i32
      %get3A_503 = arith.index_cast %get3A_502 : i32 to index
      %get3A_504 = arith.constant 0 : index
      %get3A_505 = tpu.vector_load %arg14[%get3A_503, %get3A_504] {strides = array<i32>} : memref<32x16xf32, #tpu.memory_space<vmem>>, vector<16xf32>,
      %add3A_506 = arith.addf %mul3A_501, %get3A_505 : vector<16xf32>
      %swap3A_507 = arith.constant 10 : i32
      %swap3A_508 = arith.index_cast %swap3A_507 : i32 to index
      %swap3A_509 = arith.index_cast %mul3A_22 : i32 to index
      %swap3A_510 = tpu.vector_load %arg12[%swap3A_508, %swap3A_509] {strides = array<i32>} : memref<32x512xf32, #tpu.memory_space<vmem>>, vector<16xf32>,
      tpu.vector_store %arg12[%swap3A_508, %swap3A_509], %add3A_506 {strides = array<i32>} : memref<32x512xf32, #tpu.memory_space<vmem>>, vector<16xf32>,
      %get3A_511 = arith.constant 11 : i32
      %get3A_512 = arith.index_cast %get3A_511 : i32 to index
      %get3A_513 = arith.index_cast %mul3A_22 : i32 to index
      %get3A_514 = tpu.vector_load %arg12[%get3A_512, %get3A_513] {strides = array<i32>} : memref<32x512xf32, #tpu.memory_space<vmem>>, vector<16xf32>,
      %sub3A_515 = arith.subf %get3A_514, %mul3A_251 : vector<16xf32>
      %get3A_516 = arith.constant 11 : i32
      %get3A_517 = arith.index_cast %get3A_516 : i32 to index
      %get3A_518 = arith.constant 0 : index
      %get3A_519 = tpu.vector_load %arg13[%get3A_517, %get3A_518] {strides = array<i32>} : memref<32x16xf32, #tpu.memory_space<vmem>>, vector<16xf32>,
      %mul3A_520 = arith.mulf %mul3A_291, %get3A_519 : vector<16xf32>
      %mul3A_521 = arith.mulf %sub3A_515, %mul3A_520 : vector<16xf32>
      %get3A_522 = arith.constant 11 : i32
      %get3A_523 = arith.index_cast %get3A_522 : i32 to index
      %get3A_524 = arith.constant 0 : index
      %get3A_525 = tpu.vector_load %arg14[%get3A_523, %get3A_524] {strides = array<i32>} : memref<32x16xf32, #tpu.memory_space<vmem>>, vector<16xf32>,
      %add3A_526 = arith.addf %mul3A_521, %get3A_525 : vector<16xf32>
      %swap3A_527 = arith.constant 11 : i32
      %swap3A_528 = arith.index_cast %swap3A_527 : i32 to index
      %swap3A_529 = arith.index_cast %mul3A_22 : i32 to index
      %swap3A_530 = tpu.vector_load %arg12[%swap3A_528, %swap3A_529] {strides = array<i32>} : memref<32x512xf32, #tpu.memory_space<vmem>>, vector<16xf32>,
      tpu.vector_store %arg12[%swap3A_528, %swap3A_529], %add3A_526 {strides = array<i32>} : memref<32x512xf32, #tpu.memory_space<vmem>>, vector<16xf32>,
      %get3A_531 = arith.constant 12 : i32
      %get3A_532 = arith.index_cast %get3A_531 : i32 to index
      %get3A_533 = arith.index_cast %mul3A_22 : i32 to index
      %get3A_534 = tpu.vector_load %arg12[%get3A_532, %get3A_533] {strides = array<i32>} : memref<32x512xf32, #tpu.memory_space<vmem>>, vector<16xf32>,
      %sub3A_535 = arith.subf %get3A_534, %mul3A_251 : vector<16xf32>
      %get3A_536 = arith.constant 12 : i32
      %get3A_537 = arith.index_cast %get3A_536 : i32 to index
      %get3A_538 = arith.constant 0 : index
      %get3A_539 = tpu.vector_load %arg13[%get3A_537, %get3A_538] {strides = array<i32>} : memref<32x16xf32, #tpu.memory_space<vmem>>, vector<16xf32>,
      %mul3A_540 = arith.mulf %mul3A_291, %get3A_539 : vector<16xf32>
      %mul3A_541 = arith.mulf %sub3A_535, %mul3A_540 : vector<16xf32>
      %get3A_542 = arith.constant 12 : i32
      %get3A_543 = arith.index_cast %get3A_542 : i32 to index
      %get3A_544 = arith.constant 0 : index
      %get3A_545 = tpu.vector_load %arg14[%get3A_543, %get3A_544] {strides = array<i32>} : memref<32x16xf32, #tpu.memory_space<vmem>>, vector<16xf32>,
      %add3A_546 = arith.addf %mul3A_541, %get3A_545 : vector<16xf32>
      %swap3A_547 = arith.constant 12 : i32
      %swap3A_548 = arith.index_cast %swap3A_547 : i32 to index
      %swap3A_549 = arith.index_cast %mul3A_22 : i32 to index
      %swap3A_550 = tpu.vector_load %arg12[%swap3A_548, %swap3A_549] {strides = array<i32>} : memref<32x512xf32, #tpu.memory_space<vmem>>, vector<16xf32>,
      tpu.vector_store %arg12[%swap3A_548, %swap3A_549], %add3A_546 {strides = array<i32>} : memref<32x512xf32, #tpu.memory_space<vmem>>, vector<16xf32>,
      %get3A_551 = arith.constant 13 : i32
      %get3A_552 = arith.index_cast %get3A_551 : i32 to index
      %get3A_553 = arith.index_cast %mul3A_22 : i32 to index
      %get3A_554 = tpu.vector_load %arg12[%get3A_552, %get3A_553] {strides = array<i32>} : memref<32x512xf32, #tpu.memory_space<vmem>>, vector<16xf32>,
      %sub3A_555 = arith.subf %get3A_554, %mul3A_251 : vector<16xf32>
      %get3A_556 = arith.constant 13 : i32
      %get3A_557 = arith.index_cast %get3A_556 : i32 to index
      %get3A_558 = arith.constant 0 : index
      %get3A_559 = tpu.vector_load %arg13[%get3A_557, %get3A_558] {strides = array<i32>} : memref<32x16xf32, #tpu.memory_space<vmem>>, vector<16xf32>,
      %mul3A_560 = arith.mulf %mul3A_291, %get3A_559 : vector<16xf32>
      %mul3A_561 = arith.mulf %sub3A_555, %mul3A_560 : vector<16xf32>
      %get3A_562 = arith.constant 13 : i32
      %get3A_563 = arith.index_cast %get3A_562 : i32 to index
      %get3A_564 = arith.constant 0 : index
      %get3A_565 = tpu.vector_load %arg14[%get3A_563, %get3A_564] {strides = array<i32>} : memref<32x16xf32, #tpu.memory_space<vmem>>, vector<16xf32>,
      %add3A_566 = arith.addf %mul3A_561, %get3A_565 : vector<16xf32>
      %swap3A_567 = arith.constant 13 : i32
      %swap3A_568 = arith.index_cast %swap3A_567 : i32 to index
      %swap3A_569 = arith.index_cast %mul3A_22 : i32 to index
      %swap3A_570 = tpu.vector_load %arg12[%swap3A_568, %swap3A_569] {strides = array<i32>} : memref<32x512xf32, #tpu.memory_space<vmem>>, vector<16xf32>,
      tpu.vector_store %arg12[%swap3A_568, %swap3A_569], %add3A_566 {strides = array<i32>} : memref<32x512xf32, #tpu.memory_space<vmem>>, vector<16xf32>,
      %get3A_571 = arith.constant 14 : i32
      %get3A_572 = arith.index_cast %get3A_571 : i32 to index
      %get3A_573 = arith.index_cast %mul3A_22 : i32 to index
      %get3A_574 = tpu.vector_load %arg12[%get3A_572, %get3A_573] {strides = array<i32>} : memref<32x512xf32, #tpu.memory_space<vmem>>, vector<16xf32>,
      %sub3A_575 = arith.subf %get3A_574, %mul3A_251 : vector<16xf32>
      %get3A_576 = arith.constant 14 : i32
      %get3A_577 = arith.index_cast %get3A_576 : i32 to index
      %get3A_578 = arith.constant 0 : index
      %get3A_579 = tpu.vector_load %arg13[%get3A_577, %get3A_578] {strides = array<i32>} : memref<32x16xf32, #tpu.memory_space<vmem>>, vector<16xf32>,
      %mul3A_580 = arith.mulf %mul3A_291, %get3A_579 : vector<16xf32>
      %mul3A_581 = arith.mulf %sub3A_575, %mul3A_580 : vector<16xf32>
      %get3A_582 = arith.constant 14 : i32
      %get3A_583 = arith.index_cast %get3A_582 : i32 to index
      %get3A_584 = arith.constant 0 : index
      %get3A_585 = tpu.vector_load %arg14[%get3A_583, %get3A_584] {strides = array<i32>} : memref<32x16xf32, #tpu.memory_space<vmem>>, vector<16xf32>,
      %add3A_586 = arith.addf %mul3A_581, %get3A_585 : vector<16xf32>
      %swap3A_587 = arith.constant 14 : i32
      %swap3A_588 = arith.index_cast %swap3A_587 : i32 to index
      %swap3A_589 = arith.index_cast %mul3A_22 : i32 to index
      %swap3A_590 = tpu.vector_load %arg12[%swap3A_588, %swap3A_589] {strides = array<i32>} : memref<32x512xf32, #tpu.memory_space<vmem>>, vector<16xf32>,
      tpu.vector_store %arg12[%swap3A_588, %swap3A_589], %add3A_586 {strides = array<i32>} : memref<32x512xf32, #tpu.memory_space<vmem>>, vector<16xf32>,
      %get3A_591 = arith.constant 15 : i32
      %get3A_592 = arith.index_cast %get3A_591 : i32 to index
      %get3A_593 = arith.index_cast %mul3A_22 : i32 to index
      %get3A_594 = tpu.vector_load %arg12[%get3A_592, %get3A_593] {strides = array<i32>} : memref<32x512xf32, #tpu.memory_space<vmem>>, vector<16xf32>,
      %sub3A_595 = arith.subf %get3A_594, %mul3A_251 : vector<16xf32>
      %get3A_596 = arith.constant 15 : i32
      %get3A_597 = arith.index_cast %get3A_596 : i32 to index
      %get3A_598 = arith.constant 0 : index
      %get3A_599 = tpu.vector_load %arg13[%get3A_597, %get3A_598] {strides = array<i32>} : memref<32x16xf32, #tpu.memory_space<vmem>>, vector<16xf32>,
      %mul3A_600 = arith.mulf %mul3A_291, %get3A_599 : vector<16xf32>
      %mul3A_601 = arith.mulf %sub3A_595, %mul3A_600 : vector<16xf32>
      %get3A_602 = arith.constant 15 : i32
      %get3A_603 = arith.index_cast %get3A_602 : i32 to index
      %get3A_604 = arith.constant 0 : index
      %get3A_605 = tpu.vector_load %arg14[%get3A_603, %get3A_604] {strides = array<i32>} : memref<32x16xf32, #tpu.memory_space<vmem>>, vector<16xf32>,
      %add3A_606 = arith.addf %mul3A_601, %get3A_605 : vector<16xf32>
      %swap3A_607 = arith.constant 15 : i32
      %swap3A_608 = arith.index_cast %swap3A_607 : i32 to index
      %swap3A_609 = arith.index_cast %mul3A_22 : i32 to index
      %swap3A_610 = tpu.vector_load %arg12[%swap3A_608, %swap3A_609] {strides = array<i32>} : memref<32x512xf32, #tpu.memory_space<vmem>>, vector<16xf32>,
      tpu.vector_store %arg12[%swap3A_608, %swap3A_609], %add3A_606 {strides = array<i32>} : memref<32x512xf32, #tpu.memory_space<vmem>>, vector<16xf32>,
      %get3A_611 = arith.constant 16 : i32
      %get3A_612 = arith.index_cast %get3A_611 : i32 to index
      %get3A_613 = arith.index_cast %mul3A_22 : i32 to index
      %get3A_614 = tpu.vector_load %arg12[%get3A_612, %get3A_613] {strides = array<i32>} : memref<32x512xf32, #tpu.memory_space<vmem>>, vector<16xf32>,
      %sub3A_615 = arith.subf %get3A_614, %mul3A_251 : vector<16xf32>
      %get3A_616 = arith.constant 16 : i32
      %get3A_617 = arith.index_cast %get3A_616 : i32 to index
      %get3A_618 = arith.constant 0 : index
      %get3A_619 = tpu.vector_load %arg13[%get3A_617, %get3A_618] {strides = array<i32>} : memref<32x16xf32, #tpu.memory_space<vmem>>, vector<16xf32>,
      %mul3A_620 = arith.mulf %mul3A_291, %get3A_619 : vector<16xf32>
      %mul3A_621 = arith.mulf %sub3A_615, %mul3A_620 : vector<16xf32>
      %get3A_622 = arith.constant 16 : i32
      %get3A_623 = arith.index_cast %get3A_622 : i32 to index
      %get3A_624 = arith.constant 0 : index
      %get3A_625 = tpu.vector_load %arg14[%get3A_623, %get3A_624] {strides = array<i32>} : memref<32x16xf32, #tpu.memory_space<vmem>>, vector<16xf32>,
      %add3A_626 = arith.addf %mul3A_621, %get3A_625 : vector<16xf32>
      %swap3A_627 = arith.constant 16 : i32
      %swap3A_628 = arith.index_cast %swap3A_627 : i32 to index
      %swap3A_629 = arith.index_cast %mul3A_22 : i32 to index
      %swap3A_630 = tpu.vector_load %arg12[%swap3A_628, %swap3A_629] {strides = array<i32>} : memref<32x512xf32, #tpu.memory_space<vmem>>, vector<16xf32>,
      tpu.vector_store %arg12[%swap3A_628, %swap3A_629], %add3A_626 {strides = array<i32>} : memref<32x512xf32, #tpu.memory_space<vmem>>, vector<16xf32>,
      %get3A_631 = arith.constant 17 : i32
      %get3A_632 = arith.index_cast %get3A_631 : i32 to index
      %get3A_633 = arith.index_cast %mul3A_22 : i32 to index
      %get3A_634 = tpu.vector_load %arg12[%get3A_632, %get3A_633] {strides = array<i32>} : memref<32x512xf32, #tpu.memory_space<vmem>>, vector<16xf32>,
      %sub3A_635 = arith.subf %get3A_634, %mul3A_251 : vector<16xf32>
      %get3A_636 = arith.constant 17 : i32
      %get3A_637 = arith.index_cast %get3A_636 : i32 to index
      %get3A_638 = arith.constant 0 : index
      %get3A_639 = tpu.vector_load %arg13[%get3A_637, %get3A_638] {strides = array<i32>} : memref<32x16xf32, #tpu.memory_space<vmem>>, vector<16xf32>,
      %mul3A_640 = arith.mulf %mul3A_291, %get3A_639 : vector<16xf32>
      %mul3A_641 = arith.mulf %sub3A_635, %mul3A_640 : vector<16xf32>
      %get3A_642 = arith.constant 17 : i32
      %get3A_643 = arith.index_cast %get3A_642 : i32 to index
      %get3A_644 = arith.constant 0 : index
      %get3A_645 = tpu.vector_load %arg14[%get3A_643, %get3A_644] {strides = array<i32>} : memref<32x16xf32, #tpu.memory_space<vmem>>, vector<16xf32>,
      %add3A_646 = arith.addf %mul3A_641, %get3A_645 : vector<16xf32>
      %swap3A_647 = arith.constant 17 : i32
      %swap3A_648 = arith.index_cast %swap3A_647 : i32 to index
      %swap3A_649 = arith.index_cast %mul3A_22 : i32 to index
      %swap3A_650 = tpu.vector_load %arg12[%swap3A_648, %swap3A_649] {strides = array<i32>} : memref<32x512xf32, #tpu.memory_space<vmem>>, vector<16xf32>,
      tpu.vector_store %arg12[%swap3A_648, %swap3A_649], %add3A_646 {strides = array<i32>} : memref<32x512xf32, #tpu.memory_space<vmem>>, vector<16xf32>,
      %get3A_651 = arith.constant 18 : i32
      %get3A_652 = arith.index_cast %get3A_651 : i32 to index
      %get3A_653 = arith.index_cast %mul3A_22 : i32 to index
      %get3A_654 = tpu.vector_load %arg12[%get3A_652, %get3A_653] {strides = array<i32>} : memref<32x512xf32, #tpu.memory_space<vmem>>, vector<16xf32>,
      %sub3A_655 = arith.subf %get3A_654, %mul3A_251 : vector<16xf32>
      %get3A_656 = arith.constant 18 : i32
      %get3A_657 = arith.index_cast %get3A_656 : i32 to index
      %get3A_658 = arith.constant 0 : index
      %get3A_659 = tpu.vector_load %arg13[%get3A_657, %get3A_658] {strides = array<i32>} : memref<32x16xf32, #tpu.memory_space<vmem>>, vector<16xf32>,
      %mul3A_660 = arith.mulf %mul3A_291, %get3A_659 : vector<16xf32>
      %mul3A_661 = arith.mulf %sub3A_655, %mul3A_660 : vector<16xf32>
      %get3A_662 = arith.constant 18 : i32
      %get3A_663 = arith.index_cast %get3A_662 : i32 to index
      %get3A_664 = arith.constant 0 : index
      %get3A_665 = tpu.vector_load %arg14[%get3A_663, %get3A_664] {strides = array<i32>} : memref<32x16xf32, #tpu.memory_space<vmem>>, vector<16xf32>,
      %add3A_666 = arith.addf %mul3A_661, %get3A_665 : vector<16xf32>
      %swap3A_667 = arith.constant 18 : i32
      %swap3A_668 = arith.index_cast %swap3A_667 : i32 to index
      %swap3A_669 = arith.index_cast %mul3A_22 : i32 to index
      %swap3A_670 = tpu.vector_load %arg12[%swap3A_668, %swap3A_669] {strides = array<i32>} : memref<32x512xf32, #tpu.memory_space<vmem>>, vector<16xf32>,
      tpu.vector_store %arg12[%swap3A_668, %swap3A_669], %add3A_666 {strides = array<i32>} : memref<32x512xf32, #tpu.memory_space<vmem>>, vector<16xf32>,
      %get3A_671 = arith.constant 19 : i32
      %get3A_672 = arith.index_cast %get3A_671 : i32 to index
      %get3A_673 = arith.index_cast %mul3A_22 : i32 to index
      %get3A_674 = tpu.vector_load %arg12[%get3A_672, %get3A_673] {strides = array<i32>} : memref<32x512xf32, #tpu.memory_space<vmem>>, vector<16xf32>,
      %sub3A_675 = arith.subf %get3A_674, %mul3A_251 : vector<16xf32>
      %get3A_676 = arith.constant 19 : i32
      %get3A_677 = arith.index_cast %get3A_676 : i32 to index
      %get3A_678 = arith.constant 0 : index
      %get3A_679 = tpu.vector_load %arg13[%get3A_677, %get3A_678] {strides = array<i32>} : memref<32x16xf32, #tpu.memory_space<vmem>>, vector<16xf32>,
      %mul3A_680 = arith.mulf %mul3A_291, %get3A_679 : vector<16xf32>
      %mul3A_681 = arith.mulf %sub3A_675, %mul3A_680 : vector<16xf32>
      %get3A_682 = arith.constant 19 : i32
      %get3A_683 = arith.index_cast %get3A_682 : i32 to index
      %get3A_684 = arith.constant 0 : index
      %get3A_685 = tpu.vector_load %arg14[%get3A_683, %get3A_684] {strides = array<i32>} : memref<32x16xf32, #tpu.memory_space<vmem>>, vector<16xf32>,
      %add3A_686 = arith.addf %mul3A_681, %get3A_685 : vector<16xf32>
      %swap3A_687 = arith.constant 19 : i32
      %swap3A_688 = arith.index_cast %swap3A_687 : i32 to index
      %swap3A_689 = arith.index_cast %mul3A_22 : i32 to index
      %swap3A_690 = tpu.vector_load %arg12[%swap3A_688, %swap3A_689] {strides = array<i32>} : memref<32x512xf32, #tpu.memory_space<vmem>>, vector<16xf32>,
      tpu.vector_store %arg12[%swap3A_688, %swap3A_689], %add3A_686 {strides = array<i32>} : memref<32x512xf32, #tpu.memory_space<vmem>>, vector<16xf32>,
      %get3A_691 = arith.constant 20 : i32
      %get3A_692 = arith.index_cast %get3A_691 : i32 to index
      %get3A_693 = arith.index_cast %mul3A_22 : i32 to index
      %get3A_694 = tpu.vector_load %arg12[%get3A_692, %get3A_693] {strides = array<i32>} : memref<32x512xf32, #tpu.memory_space<vmem>>, vector<16xf32>,
      %sub3A_695 = arith.subf %get3A_694, %mul3A_251 : vector<16xf32>
      %get3A_696 = arith.constant 20 : i32
      %get3A_697 = arith.index_cast %get3A_696 : i32 to index
      %get3A_698 = arith.constant 0 : index
      %get3A_699 = tpu.vector_load %arg13[%get3A_697, %get3A_698] {strides = array<i32>} : memref<32x16xf32, #tpu.memory_space<vmem>>, vector<16xf32>,
      %mul3A_700 = arith.mulf %mul3A_291, %get3A_699 : vector<16xf32>
      %mul3A_701 = arith.mulf %sub3A_695, %mul3A_700 : vector<16xf32>
      %get3A_702 = arith.constant 20 : i32
      %get3A_703 = arith.index_cast %get3A_702 : i32 to index
      %get3A_704 = arith.constant 0 : index
      %get3A_705 = tpu.vector_load %arg14[%get3A_703, %get3A_704] {strides = array<i32>} : memref<32x16xf32, #tpu.memory_space<vmem>>, vector<16xf32>,
      %add3A_706 = arith.addf %mul3A_701, %get3A_705 : vector<16xf32>
      %swap3A_707 = arith.constant 20 : i32
      %swap3A_708 = arith.index_cast %swap3A_707 : i32 to index
      %swap3A_709 = arith.index_cast %mul3A_22 : i32 to index
      %swap3A_710 = tpu.vector_load %arg12[%swap3A_708, %swap3A_709] {strides = array<i32>} : memref<32x512xf32, #tpu.memory_space<vmem>>, vector<16xf32>,
      tpu.vector_store %arg12[%swap3A_708, %swap3A_709], %add3A_706 {strides = array<i32>} : memref<32x512xf32, #tpu.memory_space<vmem>>, vector<16xf32>,
      %get3A_711 = arith.constant 21 : i32
      %get3A_712 = arith.index_cast %get3A_711 : i32 to index
      %get3A_713 = arith.index_cast %mul3A_22 : i32 to index
      %get3A_714 = tpu.vector_load %arg12[%get3A_712, %get3A_713] {strides = array<i32>} : memref<32x512xf32, #tpu.memory_space<vmem>>, vector<16xf32>,
      %sub3A_715 = arith.subf %get3A_714, %mul3A_251 : vector<16xf32>
      %get3A_716 = arith.constant 21 : i32
      %get3A_717 = arith.index_cast %get3A_716 : i32 to index
      %get3A_718 = arith.constant 0 : index
      %get3A_719 = tpu.vector_load %arg13[%get3A_717, %get3A_718] {strides = array<i32>} : memref<32x16xf32, #tpu.memory_space<vmem>>, vector<16xf32>,
      %mul3A_720 = arith.mulf %mul3A_291, %get3A_719 : vector<16xf32>
      %mul3A_721 = arith.mulf %sub3A_715, %mul3A_720 : vector<16xf32>
      %get3A_722 = arith.constant 21 : i32
      %get3A_723 = arith.index_cast %get3A_722 : i32 to index
      %get3A_724 = arith.constant 0 : index
      %get3A_725 = tpu.vector_load %arg14[%get3A_723, %get3A_724] {strides = array<i32>} : memref<32x16xf32, #tpu.memory_space<vmem>>, vector<16xf32>,
      %add3A_726 = arith.addf %mul3A_721, %get3A_725 : vector<16xf32>
      %swap3A_727 = arith.constant 21 : i32
      %swap3A_728 = arith.index_cast %swap3A_727 : i32 to index
      %swap3A_729 = arith.index_cast %mul3A_22 : i32 to index
      %swap3A_730 = tpu.vector_load %arg12[%swap3A_728, %swap3A_729] {strides = array<i32>} : memref<32x512xf32, #tpu.memory_space<vmem>>, vector<16xf32>,
      tpu.vector_store %arg12[%swap3A_728, %swap3A_729], %add3A_726 {strides = array<i32>} : memref<32x512xf32, #tpu.memory_space<vmem>>, vector<16xf32>,
      %get3A_731 = arith.constant 22 : i32
      %get3A_732 = arith.index_cast %get3A_731 : i32 to index
      %get3A_733 = arith.index_cast %mul3A_22 : i32 to index
      %get3A_734 = tpu.vector_load %arg12[%get3A_732, %get3A_733] {strides = array<i32>} : memref<32x512xf32, #tpu.memory_space<vmem>>, vector<16xf32>,
      %sub3A_735 = arith.subf %get3A_734, %mul3A_251 : vector<16xf32>
      %get3A_736 = arith.constant 22 : i32
      %get3A_737 = arith.index_cast %get3A_736 : i32 to index
      %get3A_738 = arith.constant 0 : index
      %get3A_739 = tpu.vector_load %arg13[%get3A_737, %get3A_738] {strides = array<i32>} : memref<32x16xf32, #tpu.memory_space<vmem>>, vector<16xf32>,
      %mul3A_740 = arith.mulf %mul3A_291, %get3A_739 : vector<16xf32>
      %mul3A_741 = arith.mulf %sub3A_735, %mul3A_740 : vector<16xf32>
      %get3A_742 = arith.constant 22 : i32
      %get3A_743 = arith.index_cast %get3A_742 : i32 to index
      %get3A_744 = arith.constant 0 : index
      %get3A_745 = tpu.vector_load %arg14[%get3A_743, %get3A_744] {strides = array<i32>} : memref<32x16xf32, #tpu.memory_space<vmem>>, vector<16xf32>,
      %add3A_746 = arith.addf %mul3A_741, %get3A_745 : vector<16xf32>
      %swap3A_747 = arith.constant 22 : i32
      %swap3A_748 = arith.index_cast %swap3A_747 : i32 to index
      %swap3A_749 = arith.index_cast %mul3A_22 : i32 to index
      %swap3A_750 = tpu.vector_load %arg12[%swap3A_748, %swap3A_749] {strides = array<i32>} : memref<32x512xf32, #tpu.memory_space<vmem>>, vector<16xf32>,
      tpu.vector_store %arg12[%swap3A_748, %swap3A_749], %add3A_746 {strides = array<i32>} : memref<32x512xf32, #tpu.memory_space<vmem>>, vector<16xf32>,
      %get3A_751 = arith.constant 23 : i32
      %get3A_752 = arith.index_cast %get3A_751 : i32 to index
      %get3A_753 = arith.index_cast %mul3A_22 : i32 to index
      %get3A_754 = tpu.vector_load %arg12[%get3A_752, %get3A_753] {strides = array<i32>} : memref<32x512xf32, #tpu.memory_space<vmem>>, vector<16xf32>,
      %sub3A_755 = arith.subf %get3A_754, %mul3A_251 : vector<16xf32>
      %get3A_756 = arith.constant 23 : i32
      %get3A_757 = arith.index_cast %get3A_756 : i32 to index
      %get3A_758 = arith.constant 0 : index
      %get3A_759 = tpu.vector_load %arg13[%get3A_757, %get3A_758] {strides = array<i32>} : memref<32x16xf32, #tpu.memory_space<vmem>>, vector<16xf32>,
      %mul3A_760 = arith.mulf %mul3A_291, %get3A_759 : vector<16xf32>
      %mul3A_761 = arith.mulf %sub3A_755, %mul3A_760 : vector<16xf32>
      %get3A_762 = arith.constant 23 : i32
      %get3A_763 = arith.index_cast %get3A_762 : i32 to index
      %get3A_764 = arith.constant 0 : index
      %get3A_765 = tpu.vector_load %arg14[%get3A_763, %get3A_764] {strides = array<i32>} : memref<32x16xf32, #tpu.memory_space<vmem>>, vector<16xf32>,
      %add3A_766 = arith.addf %mul3A_761, %get3A_765 : vector<16xf32>
      %swap3A_767 = arith.constant 23 : i32
      %swap3A_768 = arith.index_cast %swap3A_767 : i32 to index
      %swap3A_769 = arith.index_cast %mul3A_22 : i32 to index
      %swap3A_770 = tpu.vector_load %arg12[%swap3A_768, %swap3A_769] {strides = array<i32>} : memref<32x512xf32, #tpu.memory_space<vmem>>, vector<16xf32>,
      tpu.vector_store %arg12[%swap3A_768, %swap3A_769], %add3A_766 {strides = array<i32>} : memref<32x512xf32, #tpu.memory_space<vmem>>, vector<16xf32>,
      %get3A_771 = arith.constant 24 : i32
      %get3A_772 = arith.index_cast %get3A_771 : i32 to index
      %get3A_773 = arith.index_cast %mul3A_22 : i32 to index
      %get3A_774 = tpu.vector_load %arg12[%get3A_772, %get3A_773] {strides = array<i32>} : memref<32x512xf32, #tpu.memory_space<vmem>>, vector<16xf32>,
      %sub3A_775 = arith.subf %get3A_774, %mul3A_251 : vector<16xf32>
      %get3A_776 = arith.constant 24 : i32
      %get3A_777 = arith.index_cast %get3A_776 : i32 to index
      %get3A_778 = arith.constant 0 : index
      %get3A_779 = tpu.vector_load %arg13[%get3A_777, %get3A_778] {strides = array<i32>} : memref<32x16xf32, #tpu.memory_space<vmem>>, vector<16xf32>,
      %mul3A_780 = arith.mulf %mul3A_291, %get3A_779 : vector<16xf32>
      %mul3A_781 = arith.mulf %sub3A_775, %mul3A_780 : vector<16xf32>
      %get3A_782 = arith.constant 24 : i32
      %get3A_783 = arith.index_cast %get3A_782 : i32 to index
      %get3A_784 = arith.constant 0 : index
      %get3A_785 = tpu.vector_load %arg14[%get3A_783, %get3A_784] {strides = array<i32>} : memref<32x16xf32, #tpu.memory_space<vmem>>, vector<16xf32>,
      %add3A_786 = arith.addf %mul3A_781, %get3A_785 : vector<16xf32>
      %swap3A_787 = arith.constant 24 : i32
      %swap3A_788 = arith.index_cast %swap3A_787 : i32 to index
      %swap3A_789 = arith.index_cast %mul3A_22 : i32 to index
      %swap3A_790 = tpu.vector_load %arg12[%swap3A_788, %swap3A_789] {strides = array<i32>} : memref<32x512xf32, #tpu.memory_space<vmem>>, vector<16xf32>,
      tpu.vector_store %arg12[%swap3A_788, %swap3A_789], %add3A_786 {strides = array<i32>} : memref<32x512xf32, #tpu.memory_space<vmem>>, vector<16xf32>,
      %get3A_791 = arith.constant 25 : i32
      %get3A_792 = arith.index_cast %get3A_791 : i32 to index
      %get3A_793 = arith.index_cast %mul3A_22 : i32 to index
      %get3A_794 = tpu.vector_load %arg12[%get3A_792, %get3A_793] {strides = array<i32>} : memref<32x512xf32, #tpu.memory_space<vmem>>, vector<16xf32>,
      %sub3A_795 = arith.subf %get3A_794, %mul3A_251 : vector<16xf32>
      %get3A_796 = arith.constant 25 : i32
      %get3A_797 = arith.index_cast %get3A_796 : i32 to index
      %get3A_798 = arith.constant 0 : index
      %get3A_799 = tpu.vector_load %arg13[%get3A_797, %get3A_798] {strides = array<i32>} : memref<32x16xf32, #tpu.memory_space<vmem>>, vector<16xf32>,
      %mul3A_800 = arith.mulf %mul3A_291, %get3A_799 : vector<16xf32>
      %mul3A_801 = arith.mulf %sub3A_795, %mul3A_800 : vector<16xf32>
      %get3A_802 = arith.constant 25 : i32
      %get3A_803 = arith.index_cast %get3A_802 : i32 to index
      %get3A_804 = arith.constant 0 : index
      %get3A_805 = tpu.vector_load %arg14[%get3A_803, %get3A_804] {strides = array<i32>} : memref<32x16xf32, #tpu.memory_space<vmem>>, vector<16xf32>,
      %add3A_806 = arith.addf %mul3A_801, %get3A_805 : vector<16xf32>
      %swap3A_807 = arith.constant 25 : i32
      %swap3A_808 = arith.index_cast %swap3A_807 : i32 to index
      %swap3A_809 = arith.index_cast %mul3A_22 : i32 to index
      %swap3A_810 = tpu.vector_load %arg12[%swap3A_808, %swap3A_809] {strides = array<i32>} : memref<32x512xf32, #tpu.memory_space<vmem>>, vector<16xf32>,
      tpu.vector_store %arg12[%swap3A_808, %swap3A_809], %add3A_806 {strides = array<i32>} : memref<32x512xf32, #tpu.memory_space<vmem>>, vector<16xf32>,
      %get3A_811 = arith.constant 26 : i32
      %get3A_812 = arith.index_cast %get3A_811 : i32 to index
      %get3A_813 = arith.index_cast %mul3A_22 : i32 to index
      %get3A_814 = tpu.vector_load %arg12[%get3A_812, %get3A_813] {strides = array<i32>} : memref<32x512xf32, #tpu.memory_space<vmem>>, vector<16xf32>,
      %sub3A_815 = arith.subf %get3A_814, %mul3A_251 : vector<16xf32>
      %get3A_816 = arith.constant 26 : i32
      %get3A_817 = arith.index_cast %get3A_816 : i32 to index
      %get3A_818 = arith.constant 0 : index
      %get3A_819 = tpu.vector_load %arg13[%get3A_817, %get3A_818] {strides = array<i32>} : memref<32x16xf32, #tpu.memory_space<vmem>>, vector<16xf32>,
      %mul3A_820 = arith.mulf %mul3A_291, %get3A_819 : vector<16xf32>
      %mul3A_821 = arith.mulf %sub3A_815, %mul3A_820 : vector<16xf32>
      %get3A_822 = arith.constant 26 : i32
      %get3A_823 = arith.index_cast %get3A_822 : i32 to index
      %get3A_824 = arith.constant 0 : index
      %get3A_825 = tpu.vector_load %arg14[%get3A_823, %get3A_824] {strides = array<i32>} : memref<32x16xf32, #tpu.memory_space<vmem>>, vector<16xf32>,
      %add3A_826 = arith.addf %mul3A_821, %get3A_825 : vector<16xf32>
      %swap3A_827 = arith.constant 26 : i32
      %swap3A_828 = arith.index_cast %swap3A_827 : i32 to index
      %swap3A_829 = arith.index_cast %mul3A_22 : i32 to index
      %swap3A_830 = tpu.vector_load %arg12[%swap3A_828, %swap3A_829] {strides = array<i32>} : memref<32x512xf32, #tpu.memory_space<vmem>>, vector<16xf32>,
      tpu.vector_store %arg12[%swap3A_828, %swap3A_829], %add3A_826 {strides = array<i32>} : memref<32x512xf32, #tpu.memory_space<vmem>>, vector<16xf32>,
      %get3A_831 = arith.constant 27 : i32
      %get3A_832 = arith.index_cast %get3A_831 : i32 to index
      %get3A_833 = arith.index_cast %mul3A_22 : i32 to index
      %get3A_834 = tpu.vector_load %arg12[%get3A_832, %get3A_833] {strides = array<i32>} : memref<32x512xf32, #tpu.memory_space<vmem>>, vector<16xf32>,
      %sub3A_835 = arith.subf %get3A_834, %mul3A_251 : vector<16xf32>
      %get3A_836 = arith.constant 27 : i32
      %get3A_837 = arith.index_cast %get3A_836 : i32 to index
      %get3A_838 = arith.constant 0 : index
      %get3A_839 = tpu.vector_load %arg13[%get3A_837, %get3A_838] {strides = array<i32>} : memref<32x16xf32, #tpu.memory_space<vmem>>, vector<16xf32>,
      %mul3A_840 = arith.mulf %mul3A_291, %get3A_839 : vector<16xf32>
      %mul3A_841 = arith.mulf %sub3A_835, %mul3A_840 : vector<16xf32>
      %get3A_842 = arith.constant 27 : i32
      %get3A_843 = arith.index_cast %get3A_842 : i32 to index
      %get3A_844 = arith.constant 0 : index
      %get3A_845 = tpu.vector_load %arg14[%get3A_843, %get3A_844] {strides = array<i32>} : memref<32x16xf32, #tpu.memory_space<vmem>>, vector<16xf32>,
      %add3A_846 = arith.addf %mul3A_841, %get3A_845 : vector<16xf32>
      %swap3A_847 = arith.constant 27 : i32
      %swap3A_848 = arith.index_cast %swap3A_847 : i32 to index
      %swap3A_849 = arith.index_cast %mul3A_22 : i32 to index
      %swap3A_850 = tpu.vector_load %arg12[%swap3A_848, %swap3A_849] {strides = array<i32>} : memref<32x512xf32, #tpu.memory_space<vmem>>, vector<16xf32>,
      tpu.vector_store %arg12[%swap3A_848, %swap3A_849], %add3A_846 {strides = array<i32>} : memref<32x512xf32, #tpu.memory_space<vmem>>, vector<16xf32>,
      %get3A_851 = arith.constant 28 : i32
      %get3A_852 = arith.index_cast %get3A_851 : i32 to index
      %get3A_853 = arith.index_cast %mul3A_22 : i32 to index
      %get3A_854 = tpu.vector_load %arg12[%get3A_852, %get3A_853] {strides = array<i32>} : memref<32x512xf32, #tpu.memory_space<vmem>>, vector<16xf32>,
      %sub3A_855 = arith.subf %get3A_854, %mul3A_251 : vector<16xf32>
      %get3A_856 = arith.constant 28 : i32
      %get3A_857 = arith.index_cast %get3A_856 : i32 to index
      %get3A_858 = arith.constant 0 : index
      %get3A_859 = tpu.vector_load %arg13[%get3A_857, %get3A_858] {strides = array<i32>} : memref<32x16xf32, #tpu.memory_space<vmem>>, vector<16xf32>,
      %mul3A_860 = arith.mulf %mul3A_291, %get3A_859 : vector<16xf32>
      %mul3A_861 = arith.mulf %sub3A_855, %mul3A_860 : vector<16xf32>
      %get3A_862 = arith.constant 28 : i32
      %get3A_863 = arith.index_cast %get3A_862 : i32 to index
      %get3A_864 = arith.constant 0 : index
      %get3A_865 = tpu.vector_load %arg14[%get3A_863, %get3A_864] {strides = array<i32>} : memref<32x16xf32, #tpu.memory_space<vmem>>, vector<16xf32>,
      %add3A_866 = arith.addf %mul3A_861, %get3A_865 : vector<16xf32>
      %swap3A_867 = arith.constant 28 : i32
      %swap3A_868 = arith.index_cast %swap3A_867 : i32 to index
      %swap3A_869 = arith.index_cast %mul3A_22 : i32 to index
      %swap3A_870 = tpu.vector_load %arg12[%swap3A_868, %swap3A_869] {strides = array<i32>} : memref<32x512xf32, #tpu.memory_space<vmem>>, vector<16xf32>,
      tpu.vector_store %arg12[%swap3A_868, %swap3A_869], %add3A_866 {strides = array<i32>} : memref<32x512xf32, #tpu.memory_space<vmem>>, vector<16xf32>,
      %get3A_871 = arith.constant 29 : i32
      %get3A_872 = arith.index_cast %get3A_871 : i32 to index
      %get3A_873 = arith.index_cast %mul3A_22 : i32 to index
      %get3A_874 = tpu.vector_load %arg12[%get3A_872, %get3A_873] {strides = array<i32>} : memref<32x512xf32, #tpu.memory_space<vmem>>, vector<16xf32>,
      %sub3A_875 = arith.subf %get3A_874, %mul3A_251 : vector<16xf32>
      %get3A_876 = arith.constant 29 : i32
      %get3A_877 = arith.index_cast %get3A_876 : i32 to index
      %get3A_878 = arith.constant 0 : index
      %get3A_879 = tpu.vector_load %arg13[%get3A_877, %get3A_878] {strides = array<i32>} : memref<32x16xf32, #tpu.memory_space<vmem>>, vector<16xf32>,
      %mul3A_880 = arith.mulf %mul3A_291, %get3A_879 : vector<16xf32>
      %mul3A_881 = arith.mulf %sub3A_875, %mul3A_880 : vector<16xf32>
      %get3A_882 = arith.constant 29 : i32
      %get3A_883 = arith.index_cast %get3A_882 : i32 to index
      %get3A_884 = arith.constant 0 : index
      %get3A_885 = tpu.vector_load %arg14[%get3A_883, %get3A_884] {strides = array<i32>} : memref<32x16xf32, #tpu.memory_space<vmem>>, vector<16xf32>,
      %add3A_886 = arith.addf %mul3A_881, %get3A_885 : vector<16xf32>
      %swap3A_887 = arith.constant 29 : i32
      %swap3A_888 = arith.index_cast %swap3A_887 : i32 to index
      %swap3A_889 = arith.index_cast %mul3A_22 : i32 to index
      %swap3A_890 = tpu.vector_load %arg12[%swap3A_888, %swap3A_889] {strides = array<i32>} : memref<32x512xf32, #tpu.memory_space<vmem>>, vector<16xf32>,
      tpu.vector_store %arg12[%swap3A_888, %swap3A_889], %add3A_886 {strides = array<i32>} : memref<32x512xf32, #tpu.memory_space<vmem>>, vector<16xf32>,
      %get3A_891 = arith.constant 30 : i32
      %get3A_892 = arith.index_cast %get3A_891 : i32 to index
      %get3A_893 = arith.index_cast %mul3A_22 : i32 to index
      %get3A_894 = tpu.vector_load %arg12[%get3A_892, %get3A_893] {strides = array<i32>} : memref<32x512xf32, #tpu.memory_space<vmem>>, vector<16xf32>,
      %sub3A_895 = arith.subf %get3A_894, %mul3A_251 : vector<16xf32>
      %get3A_896 = arith.constant 30 : i32
      %get3A_897 = arith.index_cast %get3A_896 : i32 to index
      %get3A_898 = arith.constant 0 : index
      %get3A_899 = tpu.vector_load %arg13[%get3A_897, %get3A_898] {strides = array<i32>} : memref<32x16xf32, #tpu.memory_space<vmem>>, vector<16xf32>,
      %mul3A_900 = arith.mulf %mul3A_291, %get3A_899 : vector<16xf32>
      %mul3A_901 = arith.mulf %sub3A_895, %mul3A_900 : vector<16xf32>
      %get3A_902 = arith.constant 30 : i32
      %get3A_903 = arith.index_cast %get3A_902 : i32 to index
      %get3A_904 = arith.constant 0 : index
      %get3A_905 = tpu.vector_load %arg14[%get3A_903, %get3A_904] {strides = array<i32>} : memref<32x16xf32, #tpu.memory_space<vmem>>, vector<16xf32>,
      %add3A_906 = arith.addf %mul3A_901, %get3A_905 : vector<16xf32>
      %swap3A_907 = arith.constant 30 : i32
      %swap3A_908 = arith.index_cast %swap3A_907 : i32 to index
      %swap3A_909 = arith.index_cast %mul3A_22 : i32 to index
      %swap3A_910 = tpu.vector_load %arg12[%swap3A_908, %swap3A_909] {strides = array<i32>} : memref<32x512xf32, #tpu.memory_space<vmem>>, vector<16xf32>,
      tpu.vector_store %arg12[%swap3A_908, %swap3A_909], %add3A_906 {strides = array<i32>} : memref<32x512xf32, #tpu.memory_space<vmem>>, vector<16xf32>,
      %get3A_911 = arith.constant 31 : i32
      %get3A_912 = arith.index_cast %get3A_911 : i32 to index
      %get3A_913 = arith.index_cast %mul3A_22 : i32 to index
      %get3A_914 = tpu.vector_load %arg12[%get3A_912, %get3A_913] {strides = array<i32>} : memref<32x512xf32, #tpu.memory_space<vmem>>, vector<16xf32>,
      %sub3A_915 = arith.subf %get3A_914, %mul3A_251 : vector<16xf32>
      %get3A_916 = arith.constant 31 : i32
      %get3A_917 = arith.index_cast %get3A_916 : i32 to index
      %get3A_918 = arith.constant 0 : index
      %get3A_919 = tpu.vector_load %arg13[%get3A_917, %get3A_918] {strides = array<i32>} : memref<32x16xf32, #tpu.memory_space<vmem>>, vector<16xf32>,
      %mul3A_920 = arith.mulf %mul3A_291, %get3A_919 : vector<16xf32>
      %mul3A_921 = arith.mulf %sub3A_915, %mul3A_920 : vector<16xf32>
      %get3A_922 = arith.constant 31 : i32
      %get3A_923 = arith.index_cast %get3A_922 : i32 to index
      %get3A_924 = arith.constant 0 : index
      %get3A_925 = tpu.vector_load %arg14[%get3A_923, %get3A_924] {strides = array<i32>} : memref<32x16xf32, #tpu.memory_space<vmem>>, vector<16xf32>,
      %add3A_926 = arith.addf %mul3A_921, %get3A_925 : vector<16xf32>
      %swap3A_927 = arith.constant 31 : i32
      %swap3A_928 = arith.index_cast %swap3A_927 : i32 to index
      %swap3A_929 = arith.index_cast %mul3A_22 : i32 to index
      %swap3A_930 = tpu.vector_load %arg12[%swap3A_928, %swap3A_929] {strides = array<i32>} : memref<32x512xf32, #tpu.memory_space<vmem>>, vector<16xf32>,
      tpu.vector_store %arg12[%swap3A_928, %swap3A_929], %add3A_926 {strides = array<i32>} : memref<32x512xf32, #tpu.memory_space<vmem>>, vector<16xf32>,
    }
    %scan3A_19 = arith.constant 32 : i32
    "tpu.region"() ({
      %run_scoped3A = tpu.sem_alloc : memref<!tpu.dma_semaphore, #tpu.memory_space<semaphore_mem>>
      %dma_start3A = arith.constant 0 : i32
      %dma_start3A_20 = tpu.memref_slice %arg8[%dma_start3A, %mul3A_2] : memref<32x16384xf32, #tpu.memory_space<hbm>> -> memref<32x512xf32, #tpu.memory_space<hbm>>
      %dma_start3A_21 = arith.constant 0 : i32
      %dma_start3A_22 = tpu.memref_slice %arg8[%dma_start3A_21, %mul3A_2] : memref<32x16384xf32, #tpu.memory_space<hbm>> -> memref<32x512xf32, #tpu.memory_space<hbm>>
      tpu.enqueue_dma source(%arg12 : memref<32x512xf32, #tpu.memory_space<vmem>>) target(%dma_start3A_22 : memref<32x512xf32, #tpu.memory_space<hbm>>) target_semaphore(%run_scoped3A : memref<!tpu.dma_semaphore, #tpu.memory_space<semaphore_mem>>)
      %dma_wait3A = arith.constant 0 : i32
      %dma_wait3A_23 = tpu.memref_slice %arg8[%dma_wait3A, %mul3A_2] : memref<32x16384xf32, #tpu.memory_space<hbm>> -> memref<32x512xf32, #tpu.memory_space<hbm>>
      %dma_wait3A_24 = arith.constant 0 : i32
      %dma_wait3A_25 = tpu.memref_slice %arg8[%dma_wait3A_24, %mul3A_2] : memref<32x16384xf32, #tpu.memory_space<hbm>> -> memref<32x512xf32, #tpu.memory_space<hbm>>
      tpu.wait_dma2 semaphore(%run_scoped3A : memref<!tpu.dma_semaphore, #tpu.memory_space<semaphore_mem>>) src(%arg12 : memref<32x512xf32, #tpu.memory_space<vmem>>) dst(%dma_wait3A_25 : memref<32x512xf32, #tpu.memory_space<hbm>>)
      tpu.yield
    }) : () -> ()
    return
  }
}

</mosaic_0001>

<sc_bundles>
// kernel: kernel.3.cloned.1.call-start
scs
__scs_entry_jumppad:
0x0: {  	(pc) =	sbr.rel $0x88, $3  }
0x1: {  	(tag) =	ssettag $0x0;
	lr =	simm.s32 $0x1  }
0x2: {  	[smem:$0x3F9C] =	sst lr;
	_ =	strace $0xD0000000  }
0x3: {  	_ = 	snop  }
0x4: {  	_ = 	snop  }
0x5: {  	_ = 	snop  }
0x6: {  	_ = 	snop  }
0x7: {  	_ = 	snop  }
__scs_overlays_trampoline_lowered:
0x8: {  	[smem:$0x3FAB] =	sst s0  }
0x9: {  	[smem:$0x3FAC] =	sst s1  }
0xa: {  	[smem:$0x3FAD] =	sst s2  }
0xb: {  	[smem:$0x3FAE] =	sst s3  }
0xc: {  	[smem:$0x3FAF] =	sst s4  }
0xd: {  	[smem:$0x3FB0] =	sst s5  }
0xe: {  	[smem:$0x3FB1] =	sst s6  }
0xf: {  	[smem:$0x3FB2] =	sst s7  }
0x10: {  	[smem:$0x3FB3] =	sst s8  }
0x11: {  	[smem:$0x3FB4] =	sst s9;
	s0 =	simm.s32 @!p0 $0x0  }
0x12: {  	s1 =	sld [smem:$0x3F9A];
	s0 =	simm.s32 @p0 $0x1  }
0x13: {  	[smem:$0x3FB5] =	sst s0;
	s0 =	simm.s32 @!p1 $0x0  }
0x14: {  	s2 =	sld [smem:$0x3F99];
	s0 =	simm.s32 @p1 $0x1  }
0x15: {  	[smem:$0x3FB6] =	sst s0;
	s0 =	simm.s32 @!p2 $0x0  }
0x16: {  	s3 =	sld [smem:$0x3FDB];
	s0 =	simm.s32 @p2 $0x1  }
0x17: {  	s4 =	simm.s32 $0x1BF5;
	[smem:$0x3FB8] =	sst s0  }
0x18: {  	s0 =	sld [smem:$0x3F9B];
	_ =	swait.ge [sflag:s4], $0x0  }
0x19: {  	s7 =	sld [smem:$0x3F9C]  }
0x1a: {  	s8 =	sadd.s32 $0xFFFFE003, lr  }
0x1b: {  	s9 =	sadd.s32 $0xFFFFFEF7, lr;
	s5 =	simm.s32 $0xFFFFFFFF;
	p2 =	slt.u32 s8, $0xFFFFF086  }
0x1c: {  	p1 =	slt.u32 s9, $0xF7A;
	s5 =	simm.s32 @!p2 $0x0  }
0x1d: {  	s5 =	simm.s32 @p1 $0x1;
	p0 =	seq.s32 s7, s2  }
0x1e: {  	s7 =	smul.u32 @!p0 $0xF7A, s2;
	p2 =	seq.s32 @!p0 s5, $0x0  }
0x1f: {  	s9 =	smul.u32 $0xF7A, s1;
	s8 =	simm.s32 @!p0 $0x1BF5;
	p2 =	por !p2, p0  }
0x20: {  	[sflag:s8] =	ssyncset.s32 @!p0 $0xFFFFF086;
	s6 =	sadd.s32 @!p0 s3, s7;
	s7 =	simm.s32 @!p0 $0x108  }
0x21: {  	s3 =	sadd.s32 s3, s9;
	s6 =	sadd.s32 @!p0 $0x88, s6;
	s7 =	simm.s32 @p2 $0x1082  }
0x22: {  	[simem:s7], [sflag:s8] =	dma.local @!p0 [hbm:s6], $0xF7A  }
0x23: {  	s9 =	sor.u32 $0xD0000000, s2;
	s6 =	simm.s32 $0x108;
	_ =	swait.ge @!p0 [sflag:s8], $0x0  }
0x24: {  	s3 =	sadd.s32 $0x88, s3;
	s6 =	simm.s32 @!p1 $0x1082;
	[sflag:s4] =	ssyncset.s32 $0xFFFFF086  }
0x25: {  	[simem:s6], [sflag:s4] =	dma.local [hbm:s3], $0xF7A  }
0x26: {  	[smem:$0x3F9C] =	sst s1;
	(tag) =	ssettag s2;
	_ =	strace s9  }
0x27: {  	s1 =	sld [smem:$0x3FAC]  }
0x28: {  	s2 =	sld [smem:$0x3FAD]  }
0x29: {  	s4 =	sld [smem:$0x3FAF]  }
0x2a: {  	p0 =	seq.s32 s5, $0x0;
	s5 =	sld [smem:$0x3FB0]  }
0x2b: {  	s6 =	sld [smem:$0x3FB1]  }
0x2c: {  	s7 =	sld [smem:$0x3FB2]  }
0x2d: {  	s3 =	simm.s32 $0x108;
	s8 =	sld [smem:$0x3FB3]  }
0x2e: {  	s3 =	simm.s32 @!p0 $0x1082;
	s9 =	sld [smem:$0x3FB4]  }
0x2f: {  	lr =	sadd.s32 s0, s3;
	s0 =	sld [smem:$0x3FAB]  }
0x30: {  	s3 =	sld [smem:$0x3FAE]  }
0x31: {  	[smem:$0x3FB7] =	sst s10  }
0x32: {  	s10 =	sld [smem:$0x3FB5];
	_ =	sdelay $0x3  }
0x33: {  	p0 =	seq.s32 s10, $0x1;
	s10 =	sld [smem:$0x3FB7];
	_ =	sdelay $0x3  }
0x34: {  	[smem:$0x3FB7] =	sst s10  }
0x35: {  	s10 =	sld [smem:$0x3FB6];
	_ =	sdelay $0x3  }
0x36: {  	p1 =	seq.s32 s10, $0x1;
	s10 =	sld [smem:$0x3FB7];
	_ =	sdelay $0x3  }
0x37: {  	[smem:$0x3FB7] =	sst s10  }
0x38: {  	s10 =	sld [smem:$0x3FB8]  }
0x39: {  	_ = 	snop;
	(pc) =	sbr.ind lr, $3  }
0x3a: {  	_ = 	snop  }
0x3b: {  	_ = 	snop  }
0x3c: {  	p2 =	seq.s32 s10, $0x1;
	s10 =	sld [smem:$0x3FB7]  }
0x3d: {  	_ =	shalt  }
0x3e: {  	_ =	shalt  }
0x3f: {  	_ =	shalt  }
0x40: {  	_ =	shalt  }
0x41: {  	_ =	shalt  }
0x42: {  	_ =	shalt  }
0x43: {  	_ =	shalt  }
0x44: {  	_ =	shalt  }
0x45: {  	_ =	shalt  }
0x46: {  	_ =	shalt  }
0x47: {  	_ =	shalt  }
0x48: {  	_ =	shalt  }
0x49: {  	_ =	shalt  }
0x4a: {  	_ =	shalt  }
0x4b: {  	_ =	shalt  }
0x4c: {  	_ =	shalt  }
0x4d: {  	_ =	shalt  }
0x4e: {  	_ =	shalt  }
0x4f: {  	_ =	shalt  }
0x50: {  	_ =	shalt  }
0x51: {  	_ =	shalt  }
0x52: {  	_ =	shalt  }
0x53: {  	_ =	shalt  }
0x54: {  	_ =	shalt  }
0x55: {  	_ =	shalt  }
0x56: {  	_ =	shalt  }
0x57: {  	_ =	shalt  }
0x58: {  	_ =	shalt  }
0x59: {  	_ =	shalt  }
0x5a: {  	_ =	shalt  }
0x5b: {  	_ =	shalt  }
0x5c: {  	_ =	shalt  }
0x5d: {  	_ =	shalt  }
0x5e: {  	_ =	shalt  }
0x5f: {  	_ =	shalt  }
0x60: {  	_ =	shalt  }
0x61: {  	_ =	shalt  }
0x62: {  	_ =	shalt  }
0x63: {  	_ =	shalt  }
0x64: {  	_ =	shalt  }
0x65: {  	_ =	shalt  }
0x66: {  	_ =	shalt  }
0x67: {  	_ =	shalt  }
0x68: {  	_ =	shalt  }
0x69: {  	_ =	shalt  }
0x6a: {  	_ =	shalt  }
0x6b: {  	_ =	shalt  }
0x6c: {  	_ =	shalt  }
0x6d: {  	_ =	shalt  }
0x6e: {  	_ =	shalt  }
0x6f: {  	_ =	shalt  }
0x70: {  	_ =	shalt  }
0x71: {  	_ =	shalt  }
0x72: {  	_ =	shalt  }
0x73: {  	_ =	shalt  }
0x74: {  	_ =	shalt  }
0x75: {  	_ =	shalt  }
0x76: {  	_ =	shalt  }
0x77: {  	_ =	shalt  }
0x78: {  	_ =	shalt  }
0x79: {  	_ =	shalt  }
0x7a: {  	_ =	shalt  }
0x7b: {  	_ =	shalt  }
0x7c: {  	_ =	shalt  }
0x7d: {  	_ =	shalt  }
0x7e: {  	_ =	shalt  }
0x7f: {  	_ =	shalt  }
0x80: {  	_ =	shalt  }
0x81: {  	_ =	shalt  }
0x82: {  	_ =	shalt  }
0x83: {  	_ =	shalt  }
0x84: {  	_ =	shalt  }
0x85: {  	_ =	shalt  }
0x86: {  	_ =	shalt  }
0x87: {  	_ =	shalt  }
.Lfunc_end0:
.L_simem_size_0:
called_computation_lowered:
.L_overlay_start_0:
0x88: {  	s2 =	sld [smem:$0x3FD9]  }
0x89: {  	s3 =	sld [smem:$0x3FFE];
	_ =	sdelay $0x1  }
0x8a: {  	s1 =	srdreg.scid  }
0x8b: {  	s0 =	sand.u32 $0x1, s1  }
0x8c: {  	s17 =	sshll.u32 s0, $0xA;
	s2 =	sadd.s32 s3, s2  }
0x8d: {  	s2 =	sadd.s32 s2, s17  }
0x8e: {  	[smem:$0x3FC3] =	sst s2  }
0x8f: {  	_ = 	snop  }
0x90: {  	s2 =	sld [smem:$0x3FC8]  }
0x91: {  	s18 =	sld [smem:$0x3FC7]  }
0x92: {  	s4 =	sld [smem:$0x3FD0];
	(tm) =	ssettm $0x1  }
0x93: {  	s5 =	sld [smem:$0x3FFB];
	_ =	sdelay $0x3  }
0x94: {  	_ =	strace s5  }
0x95: {  	s5 =	sld [smem:$0x3FFC];
	_ =	sdelay $0x3  }
0x96: {  	_ =	strace s5  }
0x97: {  	s5 =	sld [smem:$0x3FFD];
	_ =	sdelay $0x3  }
0x98: {  	_ =	strace s5  }
0x99: {  	_ =	strace $0x8FFFFFFF  }
0x9a: {  	s19 =	sld [smem:$0x3FDB];
	_ =	sdelay $0x1  }
0x9b: {  	s6 =	simm.s32 $_scs_section_size  }
0x9c: {  	s7 =	simm.s32 $_size__tile_overlayer_lowered;
	s8 =	simm.s32 $_tile_overlayer_lowered  }
0x9d: {  	s22 =	simm.s32 $0x1BFF;
	s21 =	sshll.u32 s8, $0x1;
	s5 =	sadd.s32 s6, s19  }
0x9e: {  	s9 =	simm.s32 $0x0;
	s20 =	sshll.u32 s7, $0x1;
	s7 =	sadd.s32 s21, s5  }
0x9f: {  	[timem:s9], [sflag:s22] =	dma.local [hbm:s7], s20  }
0xa0: {  	_ =	swait.ge [sflag:s22], s20  }
0xa1: {  	s6 =	ssub.s32 $0x0, s20;
	[sflag:s22] =	ssyncset.done $0x0  }
0xa2: {  	[sflag:s22] =	ssyncadd.s32 s6;
	_ =	sdelay $0x1  }
0xa3: {  	s23 =	simm.s32 $0x1B8B  }
0xa4: {  	_ =	swait.ge [sflag:s23], $0x1  }
0xa5: {  	[sflag:s23] =	ssyncset.done $0x0  }
0xa6: {  	s25 =	simm.s32 $0x1B8E;
	s24 =	sld [smem:$0x3FFE];
	[sflag:s23] =	ssyncadd.s32 $0xFFFFFFFF  }
0xa7: {  	s26 =	simm.s32 $execute0_lowered;
	[smem:$0x3FD2] =	sst s25  }
0xa8: {  	s7 =	sshll.u32 s26, $0x1;
	_ =	strace $0x80000046;
	[dreg:$0x1] =	wrdreg $0xFFFFFFFF  }
0xa9: {  	s28 =	simm.s32 $_size_execute0_lowered;
	s5 =	sadd.s32 s5, s7;
	[dreg:$0x0] =	wrdreg $0x0  }
0xaa: {  	s7 =	sshll.u32 s28, $0x1;
	[dreg:$0x2] =	wrdreg s5  }
0xab: {  	[dreg:$0x3] =	wrdreg s7  }
0xac: {  	[dreg:$0x4] =	wrdreg $0xC0  }
0xad: {  	_ =	task [dreg:s9], $0x5FFFF  }
0xae: {  	[dreg:$0x1] =	wrdreg $0xFFFFFFFF  }
0xaf: {  	[dreg:$0x0] =	wrdreg $0x60  }
0xb0: {  	[dreg:$0x2] =	wrdreg s24  }
0xb1: {  	[dreg:$0x3] =	wrdreg s2  }
0xb2: {  	[dreg:$0x4] =	wrdreg s18  }
0xb3: {  	[dreg:$0x5] =	wrdreg s4  }
0xb4: {  	[dreg:$0x6] =	wrdreg $0x9  }
0xb5: {  	_ =	task.clear_ibuf [dreg:s9], $0x7FFFF;
	_ =	strace $0x90000046  }
0xb6: {  	s29 =	simm.s32 $0x9;
	_ =	strace $0x80000048  }
0xb7: {  	_ =	swait.ge [sflag:s29], $0x1  }
0xb8: {  	[sflag:s29] =	ssyncadd.s32 $0xFFFFFFFF  }
0xb9: {  	_ =	strace $0x90000048  }
0xba: {  	_ =	sfence  }
0xbb: {  	s30 =	sld [smem:$0x0];
	_ =	sdelay $0x2  }
0xbc: {  	s31 =	sshll.u32 s1, $0xD;
	s1 =	sshrl.u32 s1, $0x2  }
0xbd: {  	s3 =	sand.u32 $0x4000, s31;
	s1 =	sadd.s32 s1, s30  }
0xbe: {  	s0 =	sor.u32 s3, s0;
	s1 =	sshll.u32 s1, $0x11  }
0xbf: {  	s0 =	sor.u32 s1, s0  }
0xc0: {  	s0 =	sadd.s32 $0x8F2B, s0  }
0xc1: {  	[sflag:s0] =	ssyncadd.remote.s32 $0x1  }
0xc2: {  	_ =	sfence.sel $0xFFFF  }
0xc3: {  	[dreg:$0x0] =	wrdreg $0xFFFFFFFF;
	(pc) =	sbr.abs _section_cstart, $3  }
0xc4: {  	[dreg:$0x1] =	wrdreg $0xFFFFFFFF  }
0xc5: {  	_ =	task.clear_ibuf [dreg:s9], $0x2FFFF;
	_ =	strace $0x9FFFFFFF  }
0xc6: {  	(tm) =	ssettm $0x7FFFFFFF  }
0xc7: {  	_ =	shalt  }
tec
execute0_lowered:
.L_overlay_start_1:
0x0: {  	(tag) =	ssettag $0x1  }
0x1: {  	s0 =	rddreg [dreg:$0x0]  }
0x2: {  	s1 =	rddreg [dreg:$0x1]  }
0x3: {  	s22 =	rddreg [dreg:$0x2];
	s2 =	srdreg.scid  }
0x4: {  	s4 =	stileid.u32;
	s3 =	rddreg [dreg:$0x3]  }
0x5: {  	v0 =	vlaneseq.u32;
	s11 =	simm.s32 $0x2;
	s13 =	simm.s32 $0x7A1400;
	s14 =	simm.s32 $0x400  }
0x6: {  	s15 =	simm.s32 $0x1400;
	s16 =	simm.s32 $0x2400;
	s17 =	simm.s32 $0x3400;
	v0 =	vmul.u32 $0x1000, v0  }
0x7: {  	s18 =	simm.s32 $0x4400;
	s19 =	simm.s32 $0x5400;
	s20 =	simm.s32 $0x6400  }
0x8: {  	s21 =	simm.s32 $0x7400;
	s28 =	simm.s32 $0xD400;
	s29 =	simm.s32 $0xE400;
	v1 =	vor.u32 $0x80, v0  }
0x9: {  	s30 =	simm.s32 $0xF400;
	s31 =	simm.s32 $0x1;
	[dreg:$0x5] =	wrdreg s1;
	v2 =	vor.u32 $0x100, v0;
	v3 =	vor.u32 $0x180, v0;
	v4 =	vor.u32 $0x200, v0  }
0xa: {  	s10 =	simm.s32 $0x0;
	[dreg:$0x6] =	wrdreg s22;
	s23 =	sand.u32 $0x1, s2;
	v5 =	vor.u32 $0x280, v0;
	v6 =	vor.u32 $0x300, v0;
	v7 =	vor.u32 $0x380, v0  }
0xb: {  	s4 =	sshll.u32 s4, $0xA;
	s2 =	simm.s32 $0x0;
	s25 =	sadd.s32 $0x1600, s0;
	v8 =	vor.u32 $0x400, v0;
	v9 =	vor.u32 $0x480, v0;
	v10 =	vor.u32 $0x500, v0  }
0xc: {  	s22 =	simm.s32 $0x8400;
	s5 =	sshll.u32 s23, $0x9;
	[smem:$0x7FF] =	sst s2;
	v11 =	vor.u32 $0x580, v0;
	v12 =	vor.u32 $0x600, v0;
	v13 =	vor.u32 $0x680, v0  }
0xd: {  	s1 =	ssub.s32 $0x2, s23;
	s23 =	simm.s32 $0x9400;
	s7 =	sor.u32 s5, s4;
	v14 =	vor.u32 $0x700, v0;
	v15 =	vor.u32 $0x780, v0;
	v16 =	vor.u32 $0x800, v0  }
0xe: {  	_ =	strace $0x80000047;
	s24 =	sshrl.u32 s1, $0x1;
	[dreg:$0x7] =	wrdreg s25;
	v17 =	vor.u32 $0x880, v0;
	v18 =	vor.u32 $0x900, v0;
	v19 =	vor.u32 $0x980, v0  }
0xf: {  	s25 =	simm.s32 $0xB400;
	v20 =	vor.u32 $0xA00, v0;
	v21 =	vor.u32 $0xA80, v0;
	v22 =	vor.u32 $0xB00, v0;
	s4 =	sshrl.u32 s7, $0x3;
	s26 =	ssub.s32 s1, s24  }
0x10: {  	v23 =	vor.u32 $0xB80, v0;
	v24 =	vor.u32 $0xC00, v0;
	v25 =	vor.u32 $0xC80, v0;
	s7 =	sadd.s32 s3, s7;
	s24 =	simm.s32 $0xA400;
	s6 =	sadd.s32 s4, s0  }
0x11: {  	v26 =	vor.u32 $0xD00, v0;
	v27 =	vor.u32 $0xD80, v0;
	v28 =	vor.u32 $0xE00, v0;
	s0 =	sadd.s32 $0x1800, s0;
	s8 =	smax.u32 s26, $0x1;
	s26 =	simm.s32 $0xC400  }
0x12: {  	v29 =	vor.u32 $0xE80, v0;
	v30 =	vor.u32 $0xF00, v0;
	v31 =	vor.u32 $0xF80, v0;
	[dreg:$0x8] =	wrdreg s0;
	s5 =	sadd.s32 $0xE00, s6;
	s6 =	sadd.s32 $0x600, s6  }
.LBB2_1:
0x13: {  	[tilespmem:s2], [sflag:$0x2] =	stream.linear.gather [hbm4b:s5+s2], $0x200, $0x38;
	[tilespmem:$0x16400] =	vst v63  }
0x14: {  	_ =	swait.ge [sflag:s11], $0x200  }
0x15: {  	[sflag:s11] =	ssyncset.done $0x0  }
0x16: {  	s0 =	simm.s32 $0x200;
	[sflag:s11] =	ssyncadd.s32 $0xFFFFFE00  }
0x17: {  	[tilespmem:s0], [sflag:$0x2] =	stream.linear.gather [hbm4b:s6+s2], $0x200, $0x38;
	[tilespmem:$0x16400] =	vst v63  }
0x18: {  	_ =	swait.ge [sflag:s11], $0x200  }
0x19: {  	[sflag:s11] =	ssyncset.done $0x0  }
0x1a: {  	s1 =	simm.s32 $0x14400;
	s4 =	rddreg [dreg:$0x7];
	[sflag:s11] =	ssyncadd.s32 $0xFFFFFE00  }
0x1b: {  	[tilespmem:s1], [sflag:$0x2] =	stream.linear.gather [hbm4b:s4+s2], $0x1000, $0x38;
	[tilespmem:$0x16400] =	vst v63  }
0x1c: {  	_ =	swait.ge [sflag:s11], $0x1000  }
0x1d: {  	[sflag:s11] =	ssyncset.done $0x0  }
0x1e: {  	s12 =	simm.s32 $0x15400;
	s9 =	rddreg [dreg:$0x8];
	[sflag:s11] =	ssyncadd.s32 $0xFFFFF000  }
0x1f: {  	[tilespmem:s12], [sflag:$0x2] =	stream.linear.gather [hbm4b:s9+s2], $0x1000, $0x38;
	[tilespmem:$0x16400] =	vst v63  }
0x20: {  	_ =	swait.ge [sflag:s11], $0x1000  }
0x21: {  	s0 =	simm.s32 $0x0;
	[sflag:s11] =	ssyncset.done $0x0  }
0x22: {  	s1 =	simm.s32 $0x0;
	s9 =	simm.s32 $0x0;
	[sflag:s11] =	ssyncadd.s32 $0xFFFFF000  }
.LBB2_2:
0x23: {  	v32 =	vld [tilespmem:s0+$0x0];
	_ =	sdelay $0x4  }
0x24: {  	s3 =	rddreg [dreg:$0x5];
	v33 =	vand.u32 $0xFFFFFF80, v32  }
0x25: {  	v33 =	vadd.s32 s3, v33  }
0x26: {  	(v2sf) =	vpush v33, $0x0;
	_ =	sdelay $0x1  }
0x27: {  	(v2sf) =	vpush v33, $0x1;
	_ =	sdelay $0x1  }
0x28: {  	(v2sf) =	vpush v33, $0x2;
	_ =	sdelay $0x1  }
0x29: {  	(v2sf) =	vpush v33, $0x3;
	_ =	sdelay $0x1  }
0x2a: {  	(v2sf) =	vpush v33, $0x4;
	_ =	sdelay $0x1  }
0x2b: {  	(v2sf) =	vpush v33, $0x5;
	_ =	sdelay $0x1  }
0x2c: {  	(v2sf) =	vpush v33, $0x6;
	_ =	sdelay $0x1  }
0x2d: {  	(v2sf) =	vpush v33, $0x7  }
0x2e: {  	s4 =	spop (v2sf)  }
0x2f: {  	(v2sf) =	vpush v33, $0x8;
	[tilespmem:s14], [sflag:$0x1] =	stream.strided.gather [hbm4b:s4+s14], $0x1000, s13, s14, $0x38;
	[tilespmem:$0x16400] =	vst v63  }
0x30: {  	s12 =	spop (v2sf)  }
0x31: {  	(v2sf) =	vpush v33, $0x9;
	[tilespmem:s15], [sflag:$0x1] =	stream.strided.gather [hbm4b:s12+s14], $0x1000, s13, s14, $0x38;
	[tilespmem:$0x16400] =	vst v63  }
0x32: {  	s4 =	spop (v2sf)  }
0x33: {  	(v2sf) =	vpush v33, $0xA;
	[tilespmem:s16], [sflag:$0x1] =	stream.strided.gather [hbm4b:s4+s14], $0x1000, s13, s14, $0x38;
	[tilespmem:$0x16400] =	vst v63  }
0x34: {  	s12 =	spop (v2sf)  }
0x35: {  	(v2sf) =	vpush v33, $0xB;
	[tilespmem:s17], [sflag:$0x1] =	stream.strided.gather [hbm4b:s12+s14], $0x1000, s13, s14, $0x38;
	[tilespmem:$0x16400] =	vst v63  }
0x36: {  	s4 =	spop (v2sf)  }
0x37: {  	(v2sf) =	vpush v33, $0xC;
	[tilespmem:s18], [sflag:$0x1] =	stream.strided.gather [hbm4b:s4+s14], $0x1000, s13, s14, $0x38;
	[tilespmem:$0x16400] =	vst v63  }
0x38: {  	s12 =	spop (v2sf)  }
0x39: {  	(v2sf) =	vpush v33, $0xD;
	[tilespmem:s19], [sflag:$0x1] =	stream.strided.gather [hbm4b:s12+s14], $0x1000, s13, s14, $0x38;
	[tilespmem:$0x16400] =	vst v63  }
0x3a: {  	s4 =	spop (v2sf)  }
0x3b: {  	(v2sf) =	vpush v33, $0xE;
	[tilespmem:s20], [sflag:$0x1] =	stream.strided.gather [hbm4b:s4+s14], $0x1000, s13, s14, $0x38;
	[tilespmem:$0x16400] =	vst v63  }
0x3c: {  	s12 =	spop (v2sf)  }
0x3d: {  	(v2sf) =	vpush v33, $0xF;
	[tilespmem:s21], [sflag:$0x1] =	stream.strided.gather [hbm4b:s12+s14], $0x1000, s13, s14, $0x38;
	[tilespmem:$0x16400] =	vst v63  }
0x3e: {  	s4 =	spop (v2sf)  }
0x3f: {  	[tilespmem:s22], [sflag:$0x1] =	stream.strided.gather [hbm4b:s4+s14], $0x1000, s13, s14, $0x38;
	[tilespmem:$0x16400] =	vst v63  }
0x40: {  	s12 =	spop (v2sf)  }
0x41: {  	[tilespmem:s23], [sflag:$0x1] =	stream.strided.gather [hbm4b:s12+s14], $0x1000, s13, s14, $0x38;
	[tilespmem:$0x16400] =	vst v63  }
0x42: {  	s4 =	spop (v2sf)  }
0x43: {  	[tilespmem:s24], [sflag:$0x1] =	stream.strided.gather [hbm4b:s4+s14], $0x1000, s13, s14, $0x38;
	[tilespmem:$0x16400] =	vst v63  }
0x44: {  	s12 =	spop (v2sf)  }
0x45: {  	[tilespmem:s25], [sflag:$0x1] =	stream.strided.gather [hbm4b:s12+s14], $0x1000, s13, s14, $0x38;
	[tilespmem:$0x16400] =	vst v63  }
0x46: {  	s4 =	spop (v2sf)  }
0x47: {  	[tilespmem:s26], [sflag:$0x1] =	stream.strided.gather [hbm4b:s4+s14], $0x1000, s13, s14, $0x38;
	[tilespmem:$0x16400] =	vst v63  }
0x48: {  	s12 =	spop (v2sf)  }
0x49: {  	[tilespmem:s28], [sflag:$0x1] =	stream.strided.gather [hbm4b:s12+s14], $0x1000, s13, s14, $0x38;
	[tilespmem:$0x16400] =	vst v63  }
0x4a: {  	s4 =	spop (v2sf)  }
0x4b: {  	[tilespmem:s29], [sflag:$0x1] =	stream.strided.gather [hbm4b:s4+s14], $0x1000, s13, s14, $0x38;
	[tilespmem:$0x16400] =	vst v63  }
0x4c: {  	s12 =	spop (v2sf)  }
0x4d: {  	[tilespmem:s30], [sflag:$0x1] =	stream.strided.gather [hbm4b:s12+s14], $0x1000, s13, s14, $0x38;
	[tilespmem:$0x16400] =	vst v63  }
0x4e: {  	_ =	swait.ge [sflag:s31], $0x1000  }
0x4f: {  	[sflag:s31] =	ssyncset.done $0x0  }
0x50: {  	[sflag:s31] =	ssyncadd.s32 $0xFFFFF000  }
0x51: {  	_ =	swait.ge [sflag:s31], $0x1000  }
0x52: {  	[sflag:s31] =	ssyncset.done $0x0  }
0x53: {  	[sflag:s31] =	ssyncadd.s32 $0xFFFFF000  }
0x54: {  	_ =	swait.ge [sflag:s31], $0x1000  }
0x55: {  	[sflag:s31] =	ssyncset.done $0x0  }
0x56: {  	[sflag:s31] =	ssyncadd.s32 $0xFFFFF000  }
0x57: {  	_ =	swait.ge [sflag:s31], $0x1000  }
0x58: {  	[sflag:s31] =	ssyncset.done $0x0  }
0x59: {  	[sflag:s31] =	ssyncadd.s32 $0xFFFFF000  }
0x5a: {  	_ =	swait.ge [sflag:s31], $0x1000  }
0x5b: {  	[sflag:s31] =	ssyncset.done $0x0  }
0x5c: {  	[sflag:s31] =	ssyncadd.s32 $0xFFFFF000  }
0x5d: {  	_ =	swait.ge [sflag:s31], $0x1000  }
0x5e: {  	[sflag:s31] =	ssyncset.done $0x0  }
0x5f: {  	[sflag:s31] =	ssyncadd.s32 $0xFFFFF000  }
0x60: {  	_ =	swait.ge [sflag:s31], $0x1000  }
0x61: {  	[sflag:s31] =	ssyncset.done $0x0  }
0x62: {  	[sflag:s31] =	ssyncadd.s32 $0xFFFFF000  }
0x63: {  	_ =	swait.ge [sflag:s31], $0x1000  }
0x64: {  	[sflag:s31] =	ssyncset.done $0x0  }
0x65: {  	[sflag:s31] =	ssyncadd.s32 $0xFFFFF000  }
0x66: {  	_ =	swait.ge [sflag:s31], $0x1000  }
0x67: {  	[sflag:s31] =	ssyncset.done $0x0  }
0x68: {  	[sflag:s31] =	ssyncadd.s32 $0xFFFFF000  }
0x69: {  	_ =	swait.ge [sflag:s31], $0x1000  }
0x6a: {  	[sflag:s31] =	ssyncset.done $0x0  }
0x6b: {  	[sflag:s31] =	ssyncadd.s32 $0xFFFFF000  }
0x6c: {  	_ =	swait.ge [sflag:s31], $0x1000  }
0x6d: {  	[sflag:s31] =	ssyncset.done $0x0  }
0x6e: {  	[sflag:s31] =	ssyncadd.s32 $0xFFFFF000  }
0x6f: {  	_ =	swait.ge [sflag:s31], $0x1000  }
0x70: {  	[sflag:s31] =	ssyncset.done $0x0  }
0x71: {  	[sflag:s31] =	ssyncadd.s32 $0xFFFFF000  }
0x72: {  	_ =	swait.ge [sflag:s31], $0x1000  }
0x73: {  	[sflag:s31] =	ssyncset.done $0x0  }
0x74: {  	[sflag:s31] =	ssyncadd.s32 $0xFFFFF000  }
0x75: {  	_ =	swait.ge [sflag:s31], $0x1000  }
0x76: {  	[sflag:s31] =	ssyncset.done $0x0  }
0x77: {  	[sflag:s31] =	ssyncadd.s32 $0xFFFFF000  }
0x78: {  	v32 =	vand.u32 $0x7F, v32;
	_ =	swait.ge [sflag:s31], $0x1000  }
0x79: {  	v62 =	vor.u32 v0, v32;
	[sflag:s31] =	ssyncset.done $0x0  }
0x7a: {  	[sflag:s31] =	ssyncadd.s32 $0xFFFFF000  }
0x7b: {  	_ =	swait.ge [sflag:s31], $0x1000  }
0x7c: {  	[sflag:s31] =	ssyncset.done $0x0  }
0x7d: {  	[sflag:s31] =	ssyncadd.s32 $0xFFFFF000  }
0x7e: {  	v33 =	vld.idx.msk [tilespmem:v62+s14+$0x0], $0xffff  }
0x7f: {  	v34 =	vor.u32 v1, v32;
	_ =	sdelay $0x1  }
0x80: {  	s4 =	sand.u32 $0x70, s9;
	s12 =	sand.u32 $0xC00, s1  }
0x81: {  	s3 =	sor.u32 s4, s12  }
0x82: {  	[tilespmem:s3+$0x10400] =	vst v33  }
0x83: {  	v33 =	vld.idx.msk [tilespmem:v34+s14+$0x0], $0xffff  }
0x84: {  	v63 =	vor.u32 v2, v32;
	_ =	sdelay $0x2  }
0x85: {  	s12 =	sadd.s32 $0x10400, s3  }
0x86: {  	[tilespmem:s12+$0x80] =	vst v33  }
0x87: {  	v33 =	vld.idx.msk [tilespmem:v63+s14+$0x0], $0xffff  }
0x88: {  	v36 =	vor.u32 v3, v32;
	_ =	sdelay $0x3  }
0x89: {  	[tilespmem:s12+$0x100] =	vst v33  }
0x8a: {  	v33 =	vld.idx.msk [tilespmem:v36+s14+$0x0], $0xffff  }
0x8b: {  	v37 =	vor.u32 v4, v32;
	_ =	sdelay $0x3  }
0x8c: {  	[tilespmem:s12+$0x180] =	vst v33  }
0x8d: {  	v33 =	vld.idx.msk [tilespmem:v37+s14+$0x0], $0xffff  }
0x8e: {  	v38 =	vor.u32 v5, v32;
	_ =	sdelay $0x3  }
0x8f: {  	[tilespmem:s12+$0x200] =	vst v33  }
0x90: {  	v33 =	vld.idx.msk [tilespmem:v38+s14+$0x0], $0xffff  }
0x91: {  	v39 =	vor.u32 v6, v32;
	_ =	sdelay $0x3  }
0x92: {  	[tilespmem:s12+$0x280] =	vst v33  }
0x93: {  	v33 =	vld.idx.msk [tilespmem:v39+s14+$0x0], $0xffff  }
0x94: {  	v40 =	vor.u32 v7, v32;
	_ =	sdelay $0x3  }
0x95: {  	[tilespmem:s12+$0x300] =	vst v33  }
0x96: {  	v33 =	vld.idx.msk [tilespmem:v40+s14+$0x0], $0xffff  }
0x97: {  	v41 =	vor.u32 v8, v32;
	_ =	sdelay $0x1  }
0x98: {  	s4 =	sor.u32 s1, s9  }
0x99: {  	s12 =	sor.u32 $0x380, s4  }
0x9a: {  	[tilespmem:s12+$0x10400] =	vst v33  }
0x9b: {  	v33 =	vld.idx.msk [tilespmem:v41+s14+$0x0], $0xffff  }
0x9c: {  	v42 =	vor.u32 v9, v32;
	_ =	sdelay $0x3  }
0x9d: {  	[tilespmem:s3+$0x11400] =	vst v33  }
0x9e: {  	v33 =	vld.idx.msk [tilespmem:v42+s14+$0x0], $0xffff  }
0x9f: {  	v43 =	vor.u32 v10, v32;
	_ =	sdelay $0x3  }
0xa0: {  	[tilespmem:s3+$0x11480] =	vst v33  }
0xa1: {  	v33 =	vld.idx.msk [tilespmem:v43+s14+$0x0], $0xffff  }
0xa2: {  	v44 =	vor.u32 v11, v32;
	_ =	sdelay $0x3  }
0xa3: {  	[tilespmem:s3+$0x11500] =	vst v33  }
0xa4: {  	v33 =	vld.idx.msk [tilespmem:v44+s14+$0x0], $0xffff  }
0xa5: {  	v45 =	vor.u32 v12, v32;
	_ =	sdelay $0x3  }
0xa6: {  	[tilespmem:s3+$0x11580] =	vst v33  }
0xa7: {  	v33 =	vld.idx.msk [tilespmem:v45+s14+$0x0], $0xffff  }
0xa8: {  	v46 =	vor.u32 v13, v32;
	_ =	sdelay $0x3  }
0xa9: {  	[tilespmem:s3+$0x11600] =	vst v33  }
0xaa: {  	v33 =	vld.idx.msk [tilespmem:v46+s14+$0x0], $0xffff  }
0xab: {  	v47 =	vor.u32 v14, v32;
	_ =	sdelay $0x3  }
0xac: {  	[tilespmem:s3+$0x11680] =	vst v33  }
0xad: {  	v33 =	vld.idx.msk [tilespmem:v47+s14+$0x0], $0xffff  }
0xae: {  	v48 =	vor.u32 v15, v32;
	_ =	sdelay $0x3  }
0xaf: {  	[tilespmem:s3+$0x11700] =	vst v33  }
0xb0: {  	v33 =	vld.idx.msk [tilespmem:v48+s14+$0x0], $0xffff  }
0xb1: {  	v49 =	vor.u32 v16, v32;
	_ =	sdelay $0x3  }
0xb2: {  	[tilespmem:s3+$0x11780] =	vst v33  }
0xb3: {  	v33 =	vld.idx.msk [tilespmem:v49+s14+$0x0], $0xffff  }
0xb4: {  	v50 =	vor.u32 v17, v32;
	_ =	sdelay $0x3  }
0xb5: {  	[tilespmem:s3+$0x12400] =	vst v33  }
0xb6: {  	v33 =	vld.idx.msk [tilespmem:v50+s14+$0x0], $0xffff  }
0xb7: {  	v51 =	vor.u32 v18, v32;
	_ =	sdelay $0x3  }
0xb8: {  	[tilespmem:s3+$0x12480] =	vst v33  }
0xb9: {  	v33 =	vld.idx.msk [tilespmem:v51+s14+$0x0], $0xffff  }
0xba: {  	v52 =	vor.u32 v19, v32;
	_ =	sdelay $0x3  }
0xbb: {  	[tilespmem:s3+$0x12500] =	vst v33  }
0xbc: {  	v33 =	vld.idx.msk [tilespmem:v52+s14+$0x0], $0xffff  }
0xbd: {  	v53 =	vor.u32 v20, v32;
	_ =	sdelay $0x3  }
0xbe: {  	[tilespmem:s3+$0x12580] =	vst v33  }
0xbf: {  	v33 =	vld.idx.msk [tilespmem:v53+s14+$0x0], $0xffff  }
0xc0: {  	v54 =	vor.u32 v21, v32;
	_ =	sdelay $0x3  }
0xc1: {  	[tilespmem:s3+$0x12600] =	vst v33  }
0xc2: {  	v33 =	vld.idx.msk [tilespmem:v54+s14+$0x0], $0xffff  }
0xc3: {  	v55 =	vor.u32 v22, v32;
	_ =	sdelay $0x3  }
0xc4: {  	[tilespmem:s3+$0x12680] =	vst v33  }
0xc5: {  	v33 =	vld.idx.msk [tilespmem:v55+s14+$0x0], $0xffff  }
0xc6: {  	v56 =	vor.u32 v23, v32;
	_ =	sdelay $0x3  }
0xc7: {  	[tilespmem:s3+$0x12700] =	vst v33  }
0xc8: {  	v33 =	vld.idx.msk [tilespmem:v56+s14+$0x0], $0xffff  }
0xc9: {  	v57 =	vor.u32 v24, v32;
	_ =	sdelay $0x3  }
0xca: {  	[tilespmem:s3+$0x12780] =	vst v33  }
0xcb: {  	v33 =	vld.idx.msk [tilespmem:v57+s14+$0x0], $0xffff  }
0xcc: {  	v58 =	vor.u32 v25, v32;
	_ =	sdelay $0x3  }
0xcd: {  	[tilespmem:s3+$0x13400] =	vst v33  }
0xce: {  	v33 =	vld.idx.msk [tilespmem:v58+s14+$0x0], $0xffff  }
0xcf: {  	v59 =	vor.u32 v26, v32;
	_ =	sdelay $0x3  }
0xd0: {  	[tilespmem:s3+$0x13480] =	vst v33  }
0xd1: {  	v33 =	vld.idx.msk [tilespmem:v59+s14+$0x0], $0xffff  }
0xd2: {  	v60 =	vor.u32 v27, v32;
	_ =	sdelay $0x3  }
0xd3: {  	[tilespmem:s3+$0x13500] =	vst v33  }
0xd4: {  	v33 =	vld.idx.msk [tilespmem:v60+s14+$0x0], $0xffff  }
0xd5: {  	v61 =	vor.u32 v28, v32;
	_ =	sdelay $0x3  }
0xd6: {  	[tilespmem:s3+$0x13580] =	vst v33  }
0xd7: {  	v33 =	vld.idx.msk [tilespmem:v61+s14+$0x0], $0xffff  }
0xd8: {  	v62 =	vor.u32 v29, v32;
	_ =	sdelay $0x3  }
0xd9: {  	[tilespmem:s3+$0x13600] =	vst v33  }
0xda: {  	v33 =	vld.idx.msk [tilespmem:v62+s14+$0x0], $0xffff  }
0xdb: {  	v63 =	vor.u32 v30, v32;
	_ =	sdelay $0x3  }
0xdc: {  	[tilespmem:s3+$0x13680] =	vst v33  }
0xdd: {  	v33 =	vld.idx.msk [tilespmem:v63+s14+$0x0], $0xffff  }
0xde: {  	v32 =	vor.u32 v31, v32;
	_ =	sdelay $0x3  }
0xdf: {  	[tilespmem:s3+$0x13700] =	vst v33  }
0xe0: {  	p0 =	sne.s32 s9, $0x1F0;
	v32 =	vld.idx.msk [tilespmem:v32+s14+$0x0], $0xffff  }
.Ltmp0:
0xe1: {  	_ = 	snop;
	(pc) =	sbr.rel @p0 .LBB2_2-.Ltmp0, $2  }
0xe2: {  	_ =	sdelay $0x2  }
0xe3: {  	s0 =	sadd.s32 $0x10, s0;
	s1 =	sadd.s32 $0x80, s1;
	s9 =	sadd.s32 $0x10, s9;
	[tilespmem:s3+$0x13780] =	vst v32  }
0xe4: {  	s12 =	simm.s32 $0x0  }
0xe5: {  	s0 =	simm.s32 $0x200;
	s1 =	simm.s32 $0x0;
	s9 =	simm.s32 $0x0  }
.LBB2_4:
0xe6: {  	v32 =	vld [tilespmem:s0+$0x0];
	_ =	sdelay $0x4  }
0xe7: {  	s3 =	rddreg [dreg:$0x6];
	v33 =	vand.u32 $0xFFFFFF80, v32  }
0xe8: {  	v33 =	vadd.s32 s3, v33  }
0xe9: {  	(v2sf) =	vpush v33, $0x0;
	_ =	sdelay $0x1  }
0xea: {  	(v2sf) =	vpush v33, $0x1;
	_ =	sdelay $0x1  }
0xeb: {  	(v2sf) =	vpush v33, $0x2;
	_ =	sdelay $0x1  }
0xec: {  	(v2sf) =	vpush v33, $0x3;
	_ =	sdelay $0x1  }
0xed: {  	(v2sf) =	vpush v33, $0x4;
	_ =	sdelay $0x1  }
0xee: {  	(v2sf) =	vpush v33, $0x5;
	_ =	sdelay $0x1  }
0xef: {  	(v2sf) =	vpush v33, $0x6;
	_ =	sdelay $0x1  }
0xf0: {  	(v2sf) =	vpush v33, $0x7  }
0xf1: {  	s4 =	spop (v2sf)  }
0xf2: {  	(v2sf) =	vpush v33, $0x8;
	[tilespmem:s14], [sflag:$0x1] =	stream.strided.gather [hbm4b:s4+s14], $0x1000, s13, s14, $0x38;
	[tilespmem:$0x16400] =	vst v63  }
0xf3: {  	s4 =	spop (v2sf)  }
0xf4: {  	(v2sf) =	vpush v33, $0x9;
	[tilespmem:s15], [sflag:$0x1] =	stream.strided.gather [hbm4b:s4+s14], $0x1000, s13, s14, $0x38;
	[tilespmem:$0x16400] =	vst v63  }
0xf5: {  	s4 =	spop (v2sf)  }
0xf6: {  	(v2sf) =	vpush v33, $0xA;
	[tilespmem:s16], [sflag:$0x1] =	stream.strided.gather [hbm4b:s4+s14], $0x1000, s13, s14, $0x38;
	[tilespmem:$0x16400] =	vst v63  }
0xf7: {  	s4 =	spop (v2sf)  }
0xf8: {  	(v2sf) =	vpush v33, $0xB;
	[tilespmem:s17], [sflag:$0x1] =	stream.strided.gather [hbm4b:s4+s14], $0x1000, s13, s14, $0x38;
	[tilespmem:$0x16400] =	vst v63  }
0xf9: {  	s4 =	spop (v2sf)  }
0xfa: {  	(v2sf) =	vpush v33, $0xC;
	[tilespmem:s18], [sflag:$0x1] =	stream.strided.gather [hbm4b:s4+s14], $0x1000, s13, s14, $0x38;
	[tilespmem:$0x16400] =	vst v63  }
0xfb: {  	s4 =	spop (v2sf)  }
0xfc: {  	(v2sf) =	vpush v33, $0xD;
	[tilespmem:s19], [sflag:$0x1] =	stream.strided.gather [hbm4b:s4+s14], $0x1000, s13, s14, $0x38;
	[tilespmem:$0x16400] =	vst v63  }
0xfd: {  	s4 =	spop (v2sf)  }
0xfe: {  	(v2sf) =	vpush v33, $0xE;
	[tilespmem:s20], [sflag:$0x1] =	stream.strided.gather [hbm4b:s4+s14], $0x1000, s13, s14, $0x38;
	[tilespmem:$0x16400] =	vst v63  }
0xff: {  	s4 =	spop (v2sf)  }
0x100: {  	(v2sf) =	vpush v33, $0xF;
	[tilespmem:s21], [sflag:$0x1] =	stream.strided.gather [hbm4b:s4+s14], $0x1000, s13, s14, $0x38;
	[tilespmem:$0x16400] =	vst v63  }
0x101: {  	s4 =	spop (v2sf)  }
0x102: {  	[tilespmem:s22], [sflag:$0x1] =	stream.strided.gather [hbm4b:s4+s14], $0x1000, s13, s14, $0x38;
	[tilespmem:$0x16400] =	vst v63  }
0x103: {  	s4 =	spop (v2sf)  }
0x104: {  	[tilespmem:s23], [sflag:$0x1] =	stream.strided.gather [hbm4b:s4+s14], $0x1000, s13, s14, $0x38;
	[tilespmem:$0x16400] =	vst v63  }
0x105: {  	s4 =	spop (v2sf)  }
0x106: {  	[tilespmem:s24], [sflag:$0x1] =	stream.strided.gather [hbm4b:s4+s14], $0x1000, s13, s14, $0x38;
	[tilespmem:$0x16400] =	vst v63  }
0x107: {  	s4 =	spop (v2sf)  }
0x108: {  	[tilespmem:s25], [sflag:$0x1] =	stream.strided.gather [hbm4b:s4+s14], $0x1000, s13, s14, $0x38;
	[tilespmem:$0x16400] =	vst v63  }
0x109: {  	s4 =	spop (v2sf)  }
0x10a: {  	[tilespmem:s26], [sflag:$0x1] =	stream.strided.gather [hbm4b:s4+s14], $0x1000, s13, s14, $0x38;
	[tilespmem:$0x16400] =	vst v63  }
0x10b: {  	s4 =	spop (v2sf)  }
0x10c: {  	[tilespmem:s28], [sflag:$0x1] =	stream.strided.gather [hbm4b:s4+s14], $0x1000, s13, s14, $0x38;
	[tilespmem:$0x16400] =	vst v63  }
0x10d: {  	s4 =	spop (v2sf)  }
0x10e: {  	[tilespmem:s29], [sflag:$0x1] =	stream.strided.gather [hbm4b:s4+s14], $0x1000, s13, s14, $0x38;
	[tilespmem:$0x16400] =	vst v63  }
0x10f: {  	s4 =	spop (v2sf)  }
0x110: {  	[tilespmem:s30], [sflag:$0x1] =	stream.strided.gather [hbm4b:s4+s14], $0x1000, s13, s14, $0x38;
	[tilespmem:$0x16400] =	vst v63  }
0x111: {  	_ =	swait.ge [sflag:s31], $0x1000  }
0x112: {  	[sflag:s31] =	ssyncset.done $0x0  }
0x113: {  	[sflag:s31] =	ssyncadd.s32 $0xFFFFF000  }
0x114: {  	_ =	swait.ge [sflag:s31], $0x1000  }
0x115: {  	[sflag:s31] =	ssyncset.done $0x0  }
0x116: {  	[sflag:s31] =	ssyncadd.s32 $0xFFFFF000  }
0x117: {  	_ =	swait.ge [sflag:s31], $0x1000  }
0x118: {  	[sflag:s31] =	ssyncset.done $0x0  }
0x119: {  	[sflag:s31] =	ssyncadd.s32 $0xFFFFF000  }
0x11a: {  	_ =	swait.ge [sflag:s31], $0x1000  }
0x11b: {  	[sflag:s31] =	ssyncset.done $0x0  }
0x11c: {  	[sflag:s31] =	ssyncadd.s32 $0xFFFFF000  }
0x11d: {  	_ =	swait.ge [sflag:s31], $0x1000  }
0x11e: {  	[sflag:s31] =	ssyncset.done $0x0  }
0x11f: {  	[sflag:s31] =	ssyncadd.s32 $0xFFFFF000  }
0x120: {  	_ =	swait.ge [sflag:s31], $0x1000  }
0x121: {  	[sflag:s31] =	ssyncset.done $0x0  }
0x122: {  	[sflag:s31] =	ssyncadd.s32 $0xFFFFF000  }
0x123: {  	_ =	swait.ge [sflag:s31], $0x1000  }
0x124: {  	[sflag:s31] =	ssyncset.done $0x0  }
0x125: {  	[sflag:s31] =	ssyncadd.s32 $0xFFFFF000  }
0x126: {  	_ =	swait.ge [sflag:s31], $0x1000  }
0x127: {  	[sflag:s31] =	ssyncset.done $0x0  }
0x128: {  	[sflag:s31] =	ssyncadd.s32 $0xFFFFF000  }
0x129: {  	_ =	swait.ge [sflag:s31], $0x1000  }
0x12a: {  	[sflag:s31] =	ssyncset.done $0x0  }
0x12b: {  	[sflag:s31] =	ssyncadd.s32 $0xFFFFF000  }
0x12c: {  	_ =	swait.ge [sflag:s31], $0x1000  }
0x12d: {  	[sflag:s31] =	ssyncset.done $0x0  }
0x12e: {  	[sflag:s31] =	ssyncadd.s32 $0xFFFFF000  }
0x12f: {  	_ =	swait.ge [sflag:s31], $0x1000  }
0x130: {  	[sflag:s31] =	ssyncset.done $0x0  }
0x131: {  	[sflag:s31] =	ssyncadd.s32 $0xFFFFF000  }
0x132: {  	_ =	swait.ge [sflag:s31], $0x1000  }
0x133: {  	[sflag:s31] =	ssyncset.done $0x0  }
0x134: {  	[sflag:s31] =	ssyncadd.s32 $0xFFFFF000  }
0x135: {  	_ =	swait.ge [sflag:s31], $0x1000  }
0x136: {  	[sflag:s31] =	ssyncset.done $0x0  }
0x137: {  	[sflag:s31] =	ssyncadd.s32 $0xFFFFF000  }
0x138: {  	_ =	swait.ge [sflag:s31], $0x1000  }
0x139: {  	[sflag:s31] =	ssyncset.done $0x0  }
0x13a: {  	[sflag:s31] =	ssyncadd.s32 $0xFFFFF000  }
0x13b: {  	v32 =	vand.u32 $0x7F, v32;
	_ =	swait.ge [sflag:s31], $0x1000  }
0x13c: {  	v59 =	vor.u32 v0, v32;
	[sflag:s31] =	ssyncset.done $0x0  }
0x13d: {  	[sflag:s31] =	ssyncadd.s32 $0xFFFFF000  }
0x13e: {  	_ =	swait.ge [sflag:s31], $0x1000  }
0x13f: {  	[sflag:s31] =	ssyncset.done $0x0  }
0x140: {  	s3 =	sand.u32 $0x70, s9;
	s4 =	sand.u32 $0xC00, s1;
	[sflag:s31] =	ssyncadd.s32 $0xFFFFF000  }
0x141: {  	s3 =	sor.u32 s3, s4;
	v33 =	vld.idx.msk [tilespmem:v59+s14+$0x0], $0xffff  }
0x142: {  	v34 =	vld [tilespmem:s3+$0x10400];
	_ =	sdelay $0x2  }
0x143: {  	v35 =	vor.u32 v1, v32;
	_ =	sdelay $0x1  }
0x144: {  	v33 =	vadd.f32 v34, v33  }
0x145: {  	s4 =	sadd.s32 $0x10400, s3  }
0x146: {  	v60 =	vld [tilespmem:s4+$0x80];
	[tilespmem:s3+$0x10400] =	vst v33  }
0x147: {  	v33 =	vld.idx.msk [tilespmem:v35+s14+$0x0], $0xffff;
	_ =	sdelay $0x2  }
0x148: {  	v61 =	vor.u32 v2, v32;
	_ =	sdelay $0x1  }
0x149: {  	v33 =	vadd.f32 v60, v33;
	_ =	sdelay $0x1  }
0x14a: {  	v62 =	vld [tilespmem:s4+$0x100];
	[tilespmem:s4+$0x80] =	vst v33  }
0x14b: {  	v33 =	vld.idx.msk [tilespmem:v61+s14+$0x0], $0xffff;
	_ =	sdelay $0x2  }
0x14c: {  	v63 =	vor.u32 v3, v32;
	_ =	sdelay $0x1  }
0x14d: {  	v33 =	vadd.f32 v62, v33;
	_ =	sdelay $0x1  }
0x14e: {  	v36 =	vld [tilespmem:s4+$0x180];
	[tilespmem:s4+$0x100] =	vst v33  }
0x14f: {  	v33 =	vld.idx.msk [tilespmem:v63+s14+$0x0], $0xffff;
	_ =	sdelay $0x2  }
0x150: {  	v37 =	vor.u32 v4, v32;
	_ =	sdelay $0x1  }
0x151: {  	v33 =	vadd.f32 v36, v33;
	_ =	sdelay $0x1  }
0x152: {  	v38 =	vld [tilespmem:s4+$0x200];
	[tilespmem:s4+$0x180] =	vst v33  }
0x153: {  	v33 =	vld.idx.msk [tilespmem:v37+s14+$0x0], $0xffff;
	_ =	sdelay $0x2  }
0x154: {  	v39 =	vor.u32 v5, v32;
	_ =	sdelay $0x1  }
0x155: {  	v33 =	vadd.f32 v38, v33;
	_ =	sdelay $0x1  }
0x156: {  	v40 =	vld [tilespmem:s4+$0x280];
	[tilespmem:s4+$0x200] =	vst v33  }
0x157: {  	v33 =	vld.idx.msk [tilespmem:v39+s14+$0x0], $0xffff;
	_ =	sdelay $0x2  }
0x158: {  	v41 =	vor.u32 v6, v32;
	_ =	sdelay $0x1  }
0x159: {  	v33 =	vadd.f32 v40, v33;
	_ =	sdelay $0x1  }
0x15a: {  	v42 =	vld [tilespmem:s4+$0x300];
	[tilespmem:s4+$0x280] =	vst v33  }
0x15b: {  	v33 =	vld.idx.msk [tilespmem:v41+s14+$0x0], $0xffff;
	_ =	sdelay $0x2  }
0x15c: {  	v43 =	vor.u32 v7, v32;
	_ =	sdelay $0x1  }
0x15d: {  	v33 =	vadd.f32 v42, v33;
	_ =	sdelay $0x1  }
0x15e: {  	[tilespmem:s4+$0x300] =	vst v33;
	s4 =	sor.u32 s1, s9  }
0x15f: {  	v33 =	vld.idx.msk [tilespmem:v43+s14+$0x0], $0xffff;
	s4 =	sor.u32 $0x380, s4  }
0x160: {  	v44 =	vld [tilespmem:s4+$0x10400];
	_ =	sdelay $0x2  }
0x161: {  	v45 =	vor.u32 v8, v32;
	_ =	sdelay $0x1  }
0x162: {  	v33 =	vadd.f32 v44, v33;
	_ =	sdelay $0x1  }
0x163: {  	[tilespmem:s4+$0x10400] =	vst v33  }
0x164: {  	v33 =	vld.idx.msk [tilespmem:v45+s14+$0x0], $0xffff  }
0x165: {  	v46 =	vld [tilespmem:s3+$0x11400];
	_ =	sdelay $0x2  }
0x166: {  	v47 =	vor.u32 v9, v32;
	_ =	sdelay $0x1  }
0x167: {  	v33 =	vadd.f32 v46, v33;
	_ =	sdelay $0x1  }
0x168: {  	v48 =	vld [tilespmem:s3+$0x11480];
	[tilespmem:s3+$0x11400] =	vst v33  }
0x169: {  	v33 =	vld.idx.msk [tilespmem:v47+s14+$0x0], $0xffff;
	_ =	sdelay $0x2  }
0x16a: {  	v49 =	vor.u32 v10, v32;
	_ =	sdelay $0x1  }
0x16b: {  	v33 =	vadd.f32 v48, v33;
	_ =	sdelay $0x1  }
0x16c: {  	v50 =	vld [tilespmem:s3+$0x11500];
	[tilespmem:s3+$0x11480] =	vst v33  }
0x16d: {  	v33 =	vld.idx.msk [tilespmem:v49+s14+$0x0], $0xffff;
	_ =	sdelay $0x2  }
0x16e: {  	v51 =	vor.u32 v11, v32;
	_ =	sdelay $0x1  }
0x16f: {  	v33 =	vadd.f32 v50, v33;
	_ =	sdelay $0x1  }
0x170: {  	v52 =	vld [tilespmem:s3+$0x11580];
	[tilespmem:s3+$0x11500] =	vst v33  }
0x171: {  	v33 =	vld.idx.msk [tilespmem:v51+s14+$0x0], $0xffff;
	_ =	sdelay $0x2  }
0x172: {  	v53 =	vor.u32 v12, v32;
	_ =	sdelay $0x1  }
0x173: {  	v33 =	vadd.f32 v52, v33;
	_ =	sdelay $0x1  }
0x174: {  	v54 =	vld [tilespmem:s3+$0x11600];
	[tilespmem:s3+$0x11580] =	vst v33  }
0x175: {  	v33 =	vld.idx.msk [tilespmem:v53+s14+$0x0], $0xffff;
	_ =	sdelay $0x2  }
0x176: {  	v55 =	vor.u32 v13, v32;
	_ =	sdelay $0x1  }
0x177: {  	v33 =	vadd.f32 v54, v33;
	_ =	sdelay $0x1  }
0x178: {  	v56 =	vld [tilespmem:s3+$0x11680];
	[tilespmem:s3+$0x11600] =	vst v33  }
0x179: {  	v33 =	vld.idx.msk [tilespmem:v55+s14+$0x0], $0xffff;
	_ =	sdelay $0x2  }
0x17a: {  	v57 =	vor.u32 v14, v32;
	_ =	sdelay $0x1  }
0x17b: {  	v33 =	vadd.f32 v56, v33;
	_ =	sdelay $0x1  }
0x17c: {  	v58 =	vld [tilespmem:s3+$0x11700];
	[tilespmem:s3+$0x11680] =	vst v33  }
0x17d: {  	v33 =	vld.idx.msk [tilespmem:v57+s14+$0x0], $0xffff;
	_ =	sdelay $0x2  }
0x17e: {  	v59 =	vor.u32 v15, v32;
	_ =	sdelay $0x1  }
0x17f: {  	v33 =	vadd.f32 v58, v33;
	_ =	sdelay $0x1  }
0x180: {  	v60 =	vld [tilespmem:s3+$0x11780];
	[tilespmem:s3+$0x11700] =	vst v33  }
0x181: {  	v33 =	vld.idx.msk [tilespmem:v59+s14+$0x0], $0xffff;
	_ =	sdelay $0x2  }
0x182: {  	v61 =	vor.u32 v16, v32;
	_ =	sdelay $0x1  }
0x183: {  	v33 =	vadd.f32 v60, v33;
	_ =	sdelay $0x1  }
0x184: {  	v62 =	vld [tilespmem:s3+$0x12400];
	[tilespmem:s3+$0x11780] =	vst v33  }
0x185: {  	v33 =	vld.idx.msk [tilespmem:v61+s14+$0x0], $0xffff;
	_ =	sdelay $0x2  }
0x186: {  	v63 =	vor.u32 v17, v32;
	_ =	sdelay $0x1  }
0x187: {  	v33 =	vadd.f32 v62, v33;
	_ =	sdelay $0x1  }
0x188: {  	v36 =	vld [tilespmem:s3+$0x12480];
	[tilespmem:s3+$0x12400] =	vst v33  }
0x189: {  	v33 =	vld.idx.msk [tilespmem:v63+s14+$0x0], $0xffff;
	_ =	sdelay $0x2  }
0x18a: {  	v37 =	vor.u32 v18, v32;
	_ =	sdelay $0x1  }
0x18b: {  	v33 =	vadd.f32 v36, v33;
	_ =	sdelay $0x1  }
0x18c: {  	v38 =	vld [tilespmem:s3+$0x12500];
	[tilespmem:s3+$0x12480] =	vst v33  }
0x18d: {  	v33 =	vld.idx.msk [tilespmem:v37+s14+$0x0], $0xffff;
	_ =	sdelay $0x2  }
0x18e: {  	v39 =	vor.u32 v19, v32;
	_ =	sdelay $0x1  }
0x18f: {  	v33 =	vadd.f32 v38, v33;
	_ =	sdelay $0x1  }
0x190: {  	v40 =	vld [tilespmem:s3+$0x12580];
	[tilespmem:s3+$0x12500] =	vst v33  }
0x191: {  	v33 =	vld.idx.msk [tilespmem:v39+s14+$0x0], $0xffff;
	_ =	sdelay $0x2  }
0x192: {  	v41 =	vor.u32 v20, v32;
	_ =	sdelay $0x1  }
0x193: {  	v33 =	vadd.f32 v40, v33;
	_ =	sdelay $0x1  }
0x194: {  	v42 =	vld [tilespmem:s3+$0x12600];
	[tilespmem:s3+$0x12580] =	vst v33  }
0x195: {  	v33 =	vld.idx.msk [tilespmem:v41+s14+$0x0], $0xffff;
	_ =	sdelay $0x2  }
0x196: {  	v43 =	vor.u32 v21, v32;
	_ =	sdelay $0x1  }
0x197: {  	v33 =	vadd.f32 v42, v33;
	_ =	sdelay $0x1  }
0x198: {  	v44 =	vld [tilespmem:s3+$0x12680];
	[tilespmem:s3+$0x12600] =	vst v33  }
0x199: {  	v33 =	vld.idx.msk [tilespmem:v43+s14+$0x0], $0xffff;
	_ =	sdelay $0x2  }
0x19a: {  	v45 =	vor.u32 v22, v32;
	_ =	sdelay $0x1  }
0x19b: {  	v33 =	vadd.f32 v44, v33;
	_ =	sdelay $0x1  }
0x19c: {  	v46 =	vld [tilespmem:s3+$0x12700];
	[tilespmem:s3+$0x12680] =	vst v33  }
0x19d: {  	v33 =	vld.idx.msk [tilespmem:v45+s14+$0x0], $0xffff;
	_ =	sdelay $0x2  }
0x19e: {  	v47 =	vor.u32 v23, v32;
	_ =	sdelay $0x1  }
0x19f: {  	v33 =	vadd.f32 v46, v33;
	_ =	sdelay $0x1  }
0x1a0: {  	v48 =	vld [tilespmem:s3+$0x12780];
	[tilespmem:s3+$0x12700] =	vst v33  }
0x1a1: {  	v33 =	vld.idx.msk [tilespmem:v47+s14+$0x0], $0xffff;
	_ =	sdelay $0x2  }
0x1a2: {  	v49 =	vor.u32 v24, v32;
	_ =	sdelay $0x1  }
0x1a3: {  	v33 =	vadd.f32 v48, v33;
	_ =	sdelay $0x1  }
0x1a4: {  	v50 =	vld [tilespmem:s3+$0x13400];
	[tilespmem:s3+$0x12780] =	vst v33  }
0x1a5: {  	v33 =	vld.idx.msk [tilespmem:v49+s14+$0x0], $0xffff;
	_ =	sdelay $0x2  }
0x1a6: {  	v51 =	vor.u32 v25, v32;
	_ =	sdelay $0x1  }
0x1a7: {  	v33 =	vadd.f32 v50, v33;
	_ =	sdelay $0x1  }
0x1a8: {  	v52 =	vld [tilespmem:s3+$0x13480];
	[tilespmem:s3+$0x13400] =	vst v33  }
0x1a9: {  	v33 =	vld.idx.msk [tilespmem:v51+s14+$0x0], $0xffff;
	_ =	sdelay $0x2  }
0x1aa: {  	v53 =	vor.u32 v26, v32;
	_ =	sdelay $0x1  }
0x1ab: {  	v33 =	vadd.f32 v52, v33;
	_ =	sdelay $0x1  }
0x1ac: {  	v54 =	vld [tilespmem:s3+$0x13500];
	[tilespmem:s3+$0x13480] =	vst v33  }
0x1ad: {  	v33 =	vld.idx.msk [tilespmem:v53+s14+$0x0], $0xffff;
	_ =	sdelay $0x2  }
0x1ae: {  	v55 =	vor.u32 v27, v32;
	_ =	sdelay $0x1  }
0x1af: {  	v33 =	vadd.f32 v54, v33;
	_ =	sdelay $0x1  }
0x1b0: {  	v56 =	vld [tilespmem:s3+$0x13580];
	[tilespmem:s3+$0x13500] =	vst v33  }
0x1b1: {  	v33 =	vld.idx.msk [tilespmem:v55+s14+$0x0], $0xffff;
	_ =	sdelay $0x2  }
0x1b2: {  	v57 =	vor.u32 v28, v32;
	_ =	sdelay $0x1  }
0x1b3: {  	v33 =	vadd.f32 v56, v33;
	_ =	sdelay $0x1  }
0x1b4: {  	v58 =	vld [tilespmem:s3+$0x13600];
	[tilespmem:s3+$0x13580] =	vst v33  }
0x1b5: {  	v33 =	vld.idx.msk [tilespmem:v57+s14+$0x0], $0xffff;
	_ =	sdelay $0x2  }
0x1b6: {  	v59 =	vor.u32 v29, v32;
	_ =	sdelay $0x1  }
0x1b7: {  	v33 =	vadd.f32 v58, v33;
	_ =	sdelay $0x1  }
0x1b8: {  	v60 =	vld [tilespmem:s3+$0x13680];
	[tilespmem:s3+$0x13600] =	vst v33  }
0x1b9: {  	v33 =	vld.idx.msk [tilespmem:v59+s14+$0x0], $0xffff;
	_ =	sdelay $0x2  }
0x1ba: {  	v61 =	vor.u32 v30, v32;
	_ =	sdelay $0x1  }
0x1bb: {  	v33 =	vadd.f32 v60, v33;
	_ =	sdelay $0x1  }
0x1bc: {  	v62 =	vld [tilespmem:s3+$0x13700];
	[tilespmem:s3+$0x13680] =	vst v33  }
0x1bd: {  	v33 =	vld.idx.msk [tilespmem:v61+s14+$0x0], $0xffff;
	_ =	sdelay $0x2  }
0x1be: {  	v32 =	vor.u32 v31, v32;
	_ =	sdelay $0x1  }
0x1bf: {  	v33 =	vadd.f32 v62, v33;
	_ =	sdelay $0x1  }
0x1c0: {  	v63 =	vld [tilespmem:s3+$0x13780];
	[tilespmem:s3+$0x13700] =	vst v33  }
0x1c1: {  	v32 =	vld.idx.msk [tilespmem:v32+s14+$0x0], $0xffff;
	_ =	sdelay $0x1  }
0x1c2: {  	p0 =	sne.s32 s9, $0x1F0  }
.Ltmp1:
0x1c3: {  	_ = 	snop;
	(pc) =	sbr.rel @p0 .LBB2_4-.Ltmp1, $3  }
0x1c4: {  	_ = 	snop  }
0x1c5: {  	v32 =	vadd.f32 v63, v32;
	_ =	sdelay $0x1  }
0x1c6: {  	s0 =	sadd.s32 $0x10, s0;
	s1 =	sadd.s32 $0x80, s1;
	s9 =	sadd.s32 $0x10, s9;
	[tilespmem:s3+$0x13780] =	vst v32  }
0x1c7: {  	s1 =	simm.s32 $0x0  }
.LBB2_6:
0x1c8: {  	s0 =	sand.u32 $0x70, s1;
	s3 =	sand.u32 $0xC00, s12  }
0x1c9: {  	s0 =	sor.u32 s0, s3  }
0x1ca: {  	v40 =	vld [tilespmem:s0+$0x10400]  }
0x1cb: {  	s9 =	sadd.s32 $0x10400, s0  }
0x1cc: {  	v39 =	vld [tilespmem:s9+$0x80];
	_ =	sdelay $0x1  }
0x1cd: {  	v38 =	vld [tilespmem:s9+$0x100]  }
0x1ce: {  	v32 =	vadd.f32 $0.0e+00, v40  }
0x1cf: {  	v37 =	vld [tilespmem:s9+$0x180]  }
0x1d0: {  	v33 =	vmul.f32 v40, v40;
	v34 =	vmul.f32 v39, v39;
	v32 =	vadd.f32 v39, v32  }
0x1d1: {  	v36 =	vld [tilespmem:s9+$0x200]  }
0x1d2: {  	v50 =	vmul.f32 v38, v38;
	v33 =	vadd.f32 v34, v33;
	v32 =	vadd.f32 v38, v32  }
0x1d3: {  	v35 =	vld [tilespmem:s9+$0x280]  }
0x1d4: {  	v41 =	vmul.f32 v37, v37;
	v33 =	vadd.f32 v50, v33;
	v32 =	vadd.f32 v37, v32  }
0x1d5: {  	s4 =	sor.u32 s12, s1;
	v34 =	vld [tilespmem:s9+$0x300]  }
0x1d6: {  	s3 =	sor.u32 $0x380, s4;
	v51 =	vmul.f32 v36, v36;
	v33 =	vadd.f32 v41, v33;
	v32 =	vadd.f32 v36, v32  }
0x1d7: {  	v42 =	vld [tilespmem:s3+$0x10400]  }
0x1d8: {  	v52 =	vmul.f32 v35, v35;
	v33 =	vadd.f32 v51, v33;
	v32 =	vadd.f32 v35, v32  }
0x1d9: {  	v43 =	vld [tilespmem:s0+$0x11400]  }
0x1da: {  	v53 =	vmul.f32 v34, v34;
	v33 =	vadd.f32 v52, v33;
	v32 =	vadd.f32 v34, v32  }
0x1db: {  	v44 =	vld [tilespmem:s0+$0x11480]  }
0x1dc: {  	v54 =	vmul.f32 v42, v42;
	v33 =	vadd.f32 v53, v33;
	v32 =	vadd.f32 v42, v32  }
0x1dd: {  	v55 =	vld [tilespmem:s0+$0x11500]  }
0x1de: {  	v56 =	vmul.f32 v43, v43;
	v33 =	vadd.f32 v54, v33;
	v32 =	vadd.f32 v43, v32  }
0x1df: {  	v57 =	vld [tilespmem:s0+$0x11580]  }
0x1e0: {  	v58 =	vmul.f32 v44, v44;
	v33 =	vadd.f32 v56, v33;
	v32 =	vadd.f32 v44, v32  }
0x1e1: {  	v59 =	vld [tilespmem:s0+$0x11600]  }
0x1e2: {  	v60 =	vmul.f32 v55, v55;
	v33 =	vadd.f32 v58, v33;
	v32 =	vadd.f32 v55, v32  }
0x1e3: {  	v61 =	vld [tilespmem:s0+$0x11680]  }
0x1e4: {  	v62 =	vmul.f32 v57, v57;
	v33 =	vadd.f32 v60, v33;
	v32 =	vadd.f32 v57, v32  }
0x1e5: {  	v63 =	vld [tilespmem:s0+$0x11700]  }
0x1e6: {  	v48 =	vmul.f32 v59, v59;
	v33 =	vadd.f32 v62, v33;
	v32 =	vadd.f32 v59, v32  }
0x1e7: {  	v49 =	vld [tilespmem:s0+$0x11780]  }
0x1e8: {  	v50 =	vmul.f32 v61, v61;
	v33 =	vadd.f32 v48, v33;
	v32 =	vadd.f32 v61, v32  }
0x1e9: {  	v51 =	vld [tilespmem:s0+$0x12400]  }
0x1ea: {  	v52 =	vmul.f32 v63, v63;
	v33 =	vadd.f32 v50, v33;
	v32 =	vadd.f32 v63, v32  }
0x1eb: {  	v53 =	vld [tilespmem:s0+$0x12480]  }
0x1ec: {  	v54 =	vmul.f32 v49, v49;
	v33 =	vadd.f32 v52, v33;
	v32 =	vadd.f32 v49, v32  }
0x1ed: {  	v55 =	vld [tilespmem:s0+$0x12500]  }
0x1ee: {  	v56 =	vmul.f32 v51, v51;
	v33 =	vadd.f32 v54, v33;
	v32 =	vadd.f32 v51, v32  }
0x1ef: {  	v57 =	vld [tilespmem:s0+$0x12580]  }
0x1f0: {  	v58 =	vmul.f32 v53, v53;
	v33 =	vadd.f32 v56, v33;
	v32 =	vadd.f32 v53, v32  }
0x1f1: {  	v59 =	vld [tilespmem:s0+$0x12600]  }
0x1f2: {  	v60 =	vmul.f32 v55, v55;
	v33 =	vadd.f32 v58, v33;
	v32 =	vadd.f32 v55, v32  }
0x1f3: {  	v61 =	vld [tilespmem:s0+$0x12680]  }
0x1f4: {  	v62 =	vmul.f32 v57, v57;
	v33 =	vadd.f32 v60, v33;
	v32 =	vadd.f32 v57, v32  }
0x1f5: {  	v63 =	vld [tilespmem:s0+$0x12700]  }
0x1f6: {  	v48 =	vmul.f32 v59, v59;
	v33 =	vadd.f32 v62, v33;
	v32 =	vadd.f32 v59, v32  }
0x1f7: {  	v49 =	vld [tilespmem:s0+$0x12780]  }
0x1f8: {  	v50 =	vmul.f32 v61, v61;
	v33 =	vadd.f32 v48, v33;
	v32 =	vadd.f32 v61, v32  }
0x1f9: {  	v51 =	vld [tilespmem:s0+$0x13400]  }
0x1fa: {  	v52 =	vmul.f32 v63, v63;
	v33 =	vadd.f32 v50, v33;
	v32 =	vadd.f32 v63, v32  }
0x1fb: {  	v53 =	vld [tilespmem:s0+$0x13480]  }
0x1fc: {  	v54 =	vmul.f32 v49, v49;
	v33 =	vadd.f32 v52, v33;
	v32 =	vadd.f32 v49, v32  }
0x1fd: {  	v55 =	vld [tilespmem:s0+$0x13500]  }
0x1fe: {  	v56 =	vmul.f32 v51, v51;
	v33 =	vadd.f32 v54, v33;
	v32 =	vadd.f32 v51, v32  }
0x1ff: {  	v57 =	vld [tilespmem:s0+$0x13580]  }
0x200: {  	v58 =	vmul.f32 v53, v53;
	v33 =	vadd.f32 v56, v33;
	v32 =	vadd.f32 v53, v32  }
0x201: {  	v59 =	vld [tilespmem:s0+$0x13600]  }
0x202: {  	v60 =	vmul.f32 v55, v55;
	v33 =	vadd.f32 v58, v33;
	v32 =	vadd.f32 v55, v32  }
0x203: {  	v61 =	vld [tilespmem:s0+$0x13680]  }
0x204: {  	v62 =	vmul.f32 v57, v57;
	v33 =	vadd.f32 v60, v33;
	v32 =	vadd.f32 v57, v32  }
0x205: {  	v63 =	vld [tilespmem:s0+$0x13700]  }
0x206: {  	v47 =	vmul.f32 v59, v59;
	v33 =	vadd.f32 v62, v33;
	v32 =	vadd.f32 v59, v32  }
0x207: {  	v48 =	vld [tilespmem:s0+$0x13780]  }
0x208: {  	v49 =	vmul.f32 v61, v61;
	v33 =	vadd.f32 v47, v33;
	v32 =	vadd.f32 v61, v32;
	_ =	sdelay $0x1  }
0x209: {  	v50 =	vmul.f32 v63, v63;
	v33 =	vadd.f32 v49, v33;
	v32 =	vadd.f32 v63, v32;
	_ =	sdelay $0x1  }
0x20a: {  	v51 =	vmul.f32 v48, v48;
	v33 =	vadd.f32 v50, v33;
	v32 =	vadd.f32 v48, v32;
	_ =	sdelay $0x1  }
0x20b: {  	v33 =	vadd.f32 v51, v33;
	v32 =	vmul.f32 $3.125000000e-02, v32;
	_ =	sdelay $0x1  }
0x20c: {  	v33 =	vmul.f32 $3.125000000e-02, v33;
	v52 =	vmul.f32 v32, v32;
	_ =	sdelay $0x1  }
0x20d: {  	v33 =	vsub.f32 v33, v52;
	_ =	sdelay $0x1  }
0x20e: {  	v33 =	vadd.f32 $9.999999740e-06, v33;
	_ =	sdelay $0x1  }
0x20f: {  	v53 =	vshra.s32 v33, $0x1;
	v33 =	vmul.f32 $5.000000000e-01, v33  }
0x210: {  	v41 =	vsub.s32 $0x5F3759DF, v53  }
0x211: {  	v54 =	vmul.f32 v41, v33;
	_ =	sdelay $0x1  }
0x212: {  	v42 =	vmul.f32 v41, v54;
	_ =	sdelay $0x1  }
0x213: {  	v42 =	vsub.f32 $1.500000000e+00, v42;
	_ =	sdelay $0x1  }
0x214: {  	v41 =	vmul.f32 v41, v42;
	_ =	sdelay $0x1  }
0x215: {  	v42 =	vmul.f32 v41, v33;
	_ =	sdelay $0x1  }
0x216: {  	v42 =	vmul.f32 v42, v41;
	_ =	sdelay $0x1  }
0x217: {  	v42 =	vsub.f32 $1.500000000e+00, v42;
	_ =	sdelay $0x1  }
0x218: {  	v41 =	vmul.f32 v42, v41;
	_ =	sdelay $0x1  }
0x219: {  	v33 =	vmul.f32 v41, v33;
	_ =	sdelay $0x1  }
0x21a: {  	v33 =	vmul.f32 v33, v41  }
0x21b: {  	v55 =	vld [tilespmem:$0x14400]  }
0x21c: {  	v33 =	vsub.f32 $1.500000000e+00, v33;
	_ =	sdelay $0x1  }
0x21d: {  	v33 =	vmul.f32 v33, v41  }
0x21e: {  	v56 =	vld [tilespmem:$0x15400]  }
0x21f: {  	v40 =	vsub.f32 v40, v32;
	v42 =	vmul.f32 v33, v55;
	_ =	sdelay $0x1  }
0x220: {  	v40 =	vmul.f32 v42, v40;
	_ =	sdelay $0x1  }
0x221: {  	v40 =	vadd.f32 v40, v56;
	_ =	sdelay $0x1  }
0x222: {  	[tilespmem:s0+$0x10400] =	vst v40  }
0x223: {  	v40 =	vld [tilespmem:$0x14480];
	_ =	sdelay $0x3  }
0x224: {  	v57 =	vld [tilespmem:$0x15480]  }
0x225: {  	v39 =	vsub.f32 v39, v32;
	v40 =	vmul.f32 v33, v40;
	_ =	sdelay $0x1  }
0x226: {  	v39 =	vmul.f32 v40, v39;
	_ =	sdelay $0x1  }
0x227: {  	v39 =	vadd.f32 v39, v57;
	_ =	sdelay $0x1  }
0x228: {  	[tilespmem:s9+$0x80] =	vst v39  }
0x229: {  	v39 =	vld [tilespmem:$0x14500];
	_ =	sdelay $0x3  }
0x22a: {  	v58 =	vld [tilespmem:$0x15500]  }
0x22b: {  	v38 =	vsub.f32 v38, v32;
	v39 =	vmul.f32 v33, v39;
	_ =	sdelay $0x1  }
0x22c: {  	v38 =	vmul.f32 v39, v38;
	_ =	sdelay $0x1  }
0x22d: {  	v38 =	vadd.f32 v38, v58;
	_ =	sdelay $0x1  }
0x22e: {  	[tilespmem:s9+$0x100] =	vst v38  }
0x22f: {  	v38 =	vld [tilespmem:$0x14580];
	_ =	sdelay $0x3  }
0x230: {  	v59 =	vld [tilespmem:$0x15580]  }
0x231: {  	v37 =	vsub.f32 v37, v32;
	v38 =	vmul.f32 v33, v38;
	_ =	sdelay $0x1  }
0x232: {  	v37 =	vmul.f32 v38, v37;
	_ =	sdelay $0x1  }
0x233: {  	v37 =	vadd.f32 v37, v59;
	_ =	sdelay $0x1  }
0x234: {  	[tilespmem:s9+$0x180] =	vst v37  }
0x235: {  	v37 =	vld [tilespmem:$0x14600];
	_ =	sdelay $0x3  }
0x236: {  	v60 =	vld [tilespmem:$0x15600]  }
0x237: {  	v36 =	vsub.f32 v36, v32;
	v37 =	vmul.f32 v33, v37;
	_ =	sdelay $0x1  }
0x238: {  	v36 =	vmul.f32 v37, v36;
	_ =	sdelay $0x1  }
0x239: {  	v36 =	vadd.f32 v36, v60;
	_ =	sdelay $0x1  }
0x23a: {  	[tilespmem:s9+$0x200] =	vst v36  }
0x23b: {  	v36 =	vld [tilespmem:$0x14680];
	_ =	sdelay $0x3  }
0x23c: {  	v61 =	vld [tilespmem:$0x15680]  }
0x23d: {  	v35 =	vsub.f32 v35, v32;
	v36 =	vmul.f32 v33, v36;
	_ =	sdelay $0x1  }
0x23e: {  	v35 =	vmul.f32 v36, v35;
	_ =	sdelay $0x1  }
0x23f: {  	v35 =	vadd.f32 v35, v61;
	_ =	sdelay $0x1  }
0x240: {  	[tilespmem:s9+$0x280] =	vst v35  }
0x241: {  	v35 =	vld [tilespmem:$0x14700];
	_ =	sdelay $0x3  }
0x242: {  	v62 =	vld [tilespmem:$0x15700]  }
0x243: {  	v34 =	vsub.f32 v34, v32;
	v35 =	vmul.f32 v33, v35;
	_ =	sdelay $0x1  }
0x244: {  	v34 =	vmul.f32 v35, v34;
	_ =	sdelay $0x1  }
0x245: {  	v34 =	vadd.f32 v34, v62;
	_ =	sdelay $0x1  }
0x246: {  	[tilespmem:s9+$0x300] =	vst v34  }
0x247: {  	v34 =	vld [tilespmem:s3+$0x10400]  }
0x248: {  	v63 =	vld [tilespmem:$0x14780];
	_ =	sdelay $0x3  }
0x249: {  	v40 =	vld [tilespmem:$0x15780]  }
0x24a: {  	v34 =	vsub.f32 v34, v32;
	v35 =	vmul.f32 v63, v33;
	_ =	sdelay $0x1  }
0x24b: {  	v34 =	vmul.f32 v35, v34;
	_ =	sdelay $0x1  }
0x24c: {  	v34 =	vadd.f32 v34, v40;
	_ =	sdelay $0x1  }
0x24d: {  	[tilespmem:s3+$0x10400] =	vst v34  }
0x24e: {  	v34 =	vld [tilespmem:s0+$0x11400]  }
0x24f: {  	v41 =	vld [tilespmem:$0x14800];
	_ =	sdelay $0x3  }
0x250: {  	v42 =	vld [tilespmem:$0x15800]  }
0x251: {  	v34 =	vsub.f32 v34, v32;
	v35 =	vmul.f32 v41, v33;
	_ =	sdelay $0x1  }
0x252: {  	v34 =	vmul.f32 v35, v34;
	_ =	sdelay $0x1  }
0x253: {  	v34 =	vadd.f32 v34, v42;
	_ =	sdelay $0x1  }
0x254: {  	v43 =	vld [tilespmem:s0+$0x11480];
	[tilespmem:s0+$0x11400] =	vst v34  }
0x255: {  	v44 =	vld [tilespmem:$0x14880];
	_ =	sdelay $0x3  }
0x256: {  	v45 =	vld [tilespmem:$0x15880]  }
0x257: {  	v34 =	vsub.f32 v43, v32;
	v35 =	vmul.f32 v44, v33;
	_ =	sdelay $0x1  }
0x258: {  	v34 =	vmul.f32 v35, v34;
	_ =	sdelay $0x1  }
0x259: {  	v34 =	vadd.f32 v34, v45;
	_ =	sdelay $0x1  }
0x25a: {  	v46 =	vld [tilespmem:s0+$0x11500];
	[tilespmem:s0+$0x11480] =	vst v34  }
0x25b: {  	v47 =	vld [tilespmem:$0x14900];
	_ =	sdelay $0x3  }
0x25c: {  	v48 =	vld [tilespmem:$0x15900]  }
0x25d: {  	v34 =	vsub.f32 v46, v32;
	v35 =	vmul.f32 v47, v33;
	_ =	sdelay $0x1  }
0x25e: {  	v34 =	vmul.f32 v35, v34;
	_ =	sdelay $0x1  }
0x25f: {  	v34 =	vadd.f32 v34, v48;
	_ =	sdelay $0x1  }
0x260: {  	v49 =	vld [tilespmem:s0+$0x11580];
	[tilespmem:s0+$0x11500] =	vst v34  }
0x261: {  	v50 =	vld [tilespmem:$0x14980];
	_ =	sdelay $0x3  }
0x262: {  	v51 =	vld [tilespmem:$0x15980]  }
0x263: {  	v34 =	vsub.f32 v49, v32;
	v35 =	vmul.f32 v50, v33;
	_ =	sdelay $0x1  }
0x264: {  	v34 =	vmul.f32 v35, v34;
	_ =	sdelay $0x1  }
0x265: {  	v34 =	vadd.f32 v34, v51;
	_ =	sdelay $0x1  }
0x266: {  	v52 =	vld [tilespmem:s0+$0x11600];
	[tilespmem:s0+$0x11580] =	vst v34  }
0x267: {  	v53 =	vld [tilespmem:$0x14A00];
	_ =	sdelay $0x3  }
0x268: {  	v54 =	vld [tilespmem:$0x15A00]  }
0x269: {  	v34 =	vsub.f32 v52, v32;
	v35 =	vmul.f32 v53, v33;
	_ =	sdelay $0x1  }
0x26a: {  	v34 =	vmul.f32 v35, v34;
	_ =	sdelay $0x1  }
0x26b: {  	v34 =	vadd.f32 v34, v54;
	_ =	sdelay $0x1  }
0x26c: {  	v55 =	vld [tilespmem:s0+$0x11680];
	[tilespmem:s0+$0x11600] =	vst v34  }
0x26d: {  	v56 =	vld [tilespmem:$0x14A80];
	_ =	sdelay $0x3  }
0x26e: {  	v57 =	vld [tilespmem:$0x15A80]  }
0x26f: {  	v34 =	vsub.f32 v55, v32;
	v35 =	vmul.f32 v56, v33;
	_ =	sdelay $0x1  }
0x270: {  	v34 =	vmul.f32 v35, v34;
	_ =	sdelay $0x1  }
0x271: {  	v34 =	vadd.f32 v34, v57;
	_ =	sdelay $0x1  }
0x272: {  	v58 =	vld [tilespmem:s0+$0x11700];
	[tilespmem:s0+$0x11680] =	vst v34  }
0x273: {  	v59 =	vld [tilespmem:$0x14B00];
	_ =	sdelay $0x3  }
0x274: {  	v60 =	vld [tilespmem:$0x15B00]  }
0x275: {  	v34 =	vsub.f32 v58, v32;
	v35 =	vmul.f32 v59, v33;
	_ =	sdelay $0x1  }
0x276: {  	v34 =	vmul.f32 v35, v34;
	_ =	sdelay $0x1  }
0x277: {  	v34 =	vadd.f32 v34, v60;
	_ =	sdelay $0x1  }
0x278: {  	v61 =	vld [tilespmem:s0+$0x11780];
	[tilespmem:s0+$0x11700] =	vst v34  }
0x279: {  	v62 =	vld [tilespmem:$0x14B80];
	_ =	sdelay $0x3  }
0x27a: {  	v63 =	vld [tilespmem:$0x15B80]  }
0x27b: {  	v34 =	vsub.f32 v61, v32;
	v35 =	vmul.f32 v62, v33;
	_ =	sdelay $0x1  }
0x27c: {  	v34 =	vmul.f32 v35, v34;
	_ =	sdelay $0x1  }
0x27d: {  	v34 =	vadd.f32 v34, v63;
	_ =	sdelay $0x1  }
0x27e: {  	v40 =	vld [tilespmem:s0+$0x12400];
	[tilespmem:s0+$0x11780] =	vst v34  }
0x27f: {  	v41 =	vld [tilespmem:$0x14C00];
	_ =	sdelay $0x3  }
0x280: {  	v42 =	vld [tilespmem:$0x15C00]  }
0x281: {  	v34 =	vsub.f32 v40, v32;
	v35 =	vmul.f32 v41, v33;
	_ =	sdelay $0x1  }
0x282: {  	v34 =	vmul.f32 v35, v34;
	_ =	sdelay $0x1  }
0x283: {  	v34 =	vadd.f32 v34, v42;
	_ =	sdelay $0x1  }
0x284: {  	v43 =	vld [tilespmem:s0+$0x12480];
	[tilespmem:s0+$0x12400] =	vst v34  }
0x285: {  	v44 =	vld [tilespmem:$0x14C80];
	_ =	sdelay $0x3  }
0x286: {  	v45 =	vld [tilespmem:$0x15C80]  }
0x287: {  	v34 =	vsub.f32 v43, v32;
	v35 =	vmul.f32 v44, v33;
	_ =	sdelay $0x1  }
0x288: {  	v34 =	vmul.f32 v35, v34;
	_ =	sdelay $0x1  }
0x289: {  	v34 =	vadd.f32 v34, v45;
	_ =	sdelay $0x1  }
0x28a: {  	v46 =	vld [tilespmem:s0+$0x12500];
	[tilespmem:s0+$0x12480] =	vst v34  }
0x28b: {  	v47 =	vld [tilespmem:$0x14D00];
	_ =	sdelay $0x3  }
0x28c: {  	v48 =	vld [tilespmem:$0x15D00]  }
0x28d: {  	v34 =	vsub.f32 v46, v32;
	v35 =	vmul.f32 v47, v33;
	_ =	sdelay $0x1  }
0x28e: {  	v34 =	vmul.f32 v35, v34;
	_ =	sdelay $0x1  }
0x28f: {  	v34 =	vadd.f32 v34, v48;
	_ =	sdelay $0x1  }
0x290: {  	v49 =	vld [tilespmem:s0+$0x12580];
	[tilespmem:s0+$0x12500] =	vst v34  }
0x291: {  	v50 =	vld [tilespmem:$0x14D80];
	_ =	sdelay $0x3  }
0x292: {  	v51 =	vld [tilespmem:$0x15D80]  }
0x293: {  	v34 =	vsub.f32 v49, v32;
	v35 =	vmul.f32 v50, v33;
	_ =	sdelay $0x1  }
0x294: {  	v34 =	vmul.f32 v35, v34;
	_ =	sdelay $0x1  }
0x295: {  	v34 =	vadd.f32 v34, v51;
	_ =	sdelay $0x1  }
0x296: {  	v52 =	vld [tilespmem:s0+$0x12600];
	[tilespmem:s0+$0x12580] =	vst v34  }
0x297: {  	v53 =	vld [tilespmem:$0x14E00];
	_ =	sdelay $0x3  }
0x298: {  	v54 =	vld [tilespmem:$0x15E00]  }
0x299: {  	v34 =	vsub.f32 v52, v32;
	v35 =	vmul.f32 v53, v33;
	_ =	sdelay $0x1  }
0x29a: {  	v34 =	vmul.f32 v35, v34;
	_ =	sdelay $0x1  }
0x29b: {  	v34 =	vadd.f32 v34, v54;
	_ =	sdelay $0x1  }
0x29c: {  	v55 =	vld [tilespmem:s0+$0x12680];
	[tilespmem:s0+$0x12600] =	vst v34  }
0x29d: {  	v56 =	vld [tilespmem:$0x14E80];
	_ =	sdelay $0x3  }
0x29e: {  	v57 =	vld [tilespmem:$0x15E80]  }
0x29f: {  	v34 =	vsub.f32 v55, v32;
	v35 =	vmul.f32 v56, v33;
	_ =	sdelay $0x1  }
0x2a0: {  	v34 =	vmul.f32 v35, v34;
	_ =	sdelay $0x1  }
0x2a1: {  	v34 =	vadd.f32 v34, v57;
	_ =	sdelay $0x1  }
0x2a2: {  	v58 =	vld [tilespmem:s0+$0x12700];
	[tilespmem:s0+$0x12680] =	vst v34  }
0x2a3: {  	v59 =	vld [tilespmem:$0x14F00];
	_ =	sdelay $0x3  }
0x2a4: {  	v60 =	vld [tilespmem:$0x15F00]  }
0x2a5: {  	v34 =	vsub.f32 v58, v32;
	v35 =	vmul.f32 v59, v33;
	_ =	sdelay $0x1  }
0x2a6: {  	v34 =	vmul.f32 v35, v34;
	_ =	sdelay $0x1  }
0x2a7: {  	v34 =	vadd.f32 v34, v60;
	_ =	sdelay $0x1  }
0x2a8: {  	v61 =	vld [tilespmem:s0+$0x12780];
	[tilespmem:s0+$0x12700] =	vst v34  }
0x2a9: {  	v62 =	vld [tilespmem:$0x14F80];
	_ =	sdelay $0x3  }
0x2aa: {  	v63 =	vld [tilespmem:$0x15F80]  }
0x2ab: {  	v34 =	vsub.f32 v61, v32;
	v35 =	vmul.f32 v62, v33;
	_ =	sdelay $0x1  }
0x2ac: {  	v34 =	vmul.f32 v35, v34;
	_ =	sdelay $0x1  }
0x2ad: {  	v34 =	vadd.f32 v34, v63;
	_ =	sdelay $0x1  }
0x2ae: {  	v40 =	vld [tilespmem:s0+$0x13400];
	[tilespmem:s0+$0x12780] =	vst v34  }
0x2af: {  	v41 =	vld [tilespmem:$0x15000];
	_ =	sdelay $0x3  }
0x2b0: {  	v42 =	vld [tilespmem:$0x16000]  }
0x2b1: {  	v34 =	vsub.f32 v40, v32;
	v35 =	vmul.f32 v41, v33;
	_ =	sdelay $0x1  }
0x2b2: {  	v34 =	vmul.f32 v35, v34;
	_ =	sdelay $0x1  }
0x2b3: {  	v34 =	vadd.f32 v34, v42;
	_ =	sdelay $0x1  }
0x2b4: {  	v43 =	vld [tilespmem:s0+$0x13480];
	[tilespmem:s0+$0x13400] =	vst v34  }
0x2b5: {  	v44 =	vld [tilespmem:$0x15080];
	_ =	sdelay $0x3  }
0x2b6: {  	v45 =	vld [tilespmem:$0x16080]  }
0x2b7: {  	v34 =	vsub.f32 v43, v32;
	v35 =	vmul.f32 v44, v33;
	_ =	sdelay $0x1  }
0x2b8: {  	v34 =	vmul.f32 v35, v34;
	_ =	sdelay $0x1  }
0x2b9: {  	v34 =	vadd.f32 v34, v45;
	_ =	sdelay $0x1  }
0x2ba: {  	v46 =	vld [tilespmem:s0+$0x13500];
	[tilespmem:s0+$0x13480] =	vst v34  }
0x2bb: {  	v47 =	vld [tilespmem:$0x15100];
	_ =	sdelay $0x3  }
0x2bc: {  	v48 =	vld [tilespmem:$0x16100]  }
0x2bd: {  	v34 =	vsub.f32 v46, v32;
	v35 =	vmul.f32 v47, v33;
	_ =	sdelay $0x1  }
0x2be: {  	v34 =	vmul.f32 v35, v34;
	_ =	sdelay $0x1  }
0x2bf: {  	v34 =	vadd.f32 v34, v48;
	_ =	sdelay $0x1  }
0x2c0: {  	v49 =	vld [tilespmem:s0+$0x13580];
	[tilespmem:s0+$0x13500] =	vst v34  }
0x2c1: {  	v50 =	vld [tilespmem:$0x15180];
	_ =	sdelay $0x3  }
0x2c2: {  	v51 =	vld [tilespmem:$0x16180]  }
0x2c3: {  	v34 =	vsub.f32 v49, v32;
	v35 =	vmul.f32 v50, v33;
	_ =	sdelay $0x1  }
0x2c4: {  	v34 =	vmul.f32 v35, v34;
	_ =	sdelay $0x1  }
0x2c5: {  	v34 =	vadd.f32 v34, v51;
	_ =	sdelay $0x1  }
0x2c6: {  	v52 =	vld [tilespmem:s0+$0x13600];
	[tilespmem:s0+$0x13580] =	vst v34  }
0x2c7: {  	v53 =	vld [tilespmem:$0x15200];
	_ =	sdelay $0x3  }
0x2c8: {  	v54 =	vld [tilespmem:$0x16200]  }
0x2c9: {  	v34 =	vsub.f32 v52, v32;
	v35 =	vmul.f32 v53, v33;
	_ =	sdelay $0x1  }
0x2ca: {  	v34 =	vmul.f32 v35, v34;
	_ =	sdelay $0x1  }
0x2cb: {  	v34 =	vadd.f32 v34, v54;
	_ =	sdelay $0x1  }
0x2cc: {  	v55 =	vld [tilespmem:s0+$0x13680];
	[tilespmem:s0+$0x13600] =	vst v34  }
0x2cd: {  	v56 =	vld [tilespmem:$0x15280];
	_ =	sdelay $0x3  }
0x2ce: {  	v57 =	vld [tilespmem:$0x16280]  }
0x2cf: {  	v34 =	vsub.f32 v55, v32;
	v35 =	vmul.f32 v56, v33;
	_ =	sdelay $0x1  }
0x2d0: {  	v34 =	vmul.f32 v35, v34;
	_ =	sdelay $0x1  }
0x2d1: {  	v34 =	vadd.f32 v34, v57;
	_ =	sdelay $0x1  }
0x2d2: {  	v58 =	vld [tilespmem:s0+$0x13700];
	[tilespmem:s0+$0x13680] =	vst v34  }
0x2d3: {  	v59 =	vld [tilespmem:$0x15300];
	_ =	sdelay $0x3  }
0x2d4: {  	v60 =	vld [tilespmem:$0x16300]  }
0x2d5: {  	v34 =	vsub.f32 v58, v32;
	v35 =	vmul.f32 v59, v33;
	_ =	sdelay $0x1  }
0x2d6: {  	v34 =	vmul.f32 v35, v34;
	_ =	sdelay $0x1  }
0x2d7: {  	v34 =	vadd.f32 v34, v60;
	_ =	sdelay $0x1  }
0x2d8: {  	v61 =	vld [tilespmem:s0+$0x13780];
	[tilespmem:s0+$0x13700] =	vst v34  }
0x2d9: {  	v62 =	vld [tilespmem:$0x15380];
	_ =	sdelay $0x3  }
0x2da: {  	v63 =	vld [tilespmem:$0x16380]  }
0x2db: {  	v32 =	vsub.f32 v61, v32;
	v33 =	vmul.f32 v62, v33  }
0x2dc: {  	p0 =	sne.s32 s1, $0x1F0  }
.Ltmp2:
0x2dd: {  	v32 =	vmul.f32 v33, v32;
	(pc) =	sbr.rel @p0 .LBB2_6-.Ltmp2, $3  }
0x2de: {  	_ = 	snop  }
0x2df: {  	v32 =	vadd.f32 v32, v63;
	_ =	sdelay $0x1  }
0x2e0: {  	s12 =	sadd.s32 $0x80, s12;
	s1 =	sadd.s32 $0x10, s1;
	[tilespmem:s0+$0x13780] =	vst v32  }
0x2e1: {  	s10 =	sadd.s32 $0x1, s10  }
0x2e2: {  	s0 =	simm.s32 $0x1000;
	p0 =	sne.s32 s10, s8  }
.Ltmp3:
0x2e3: {  	s1 =	simm.s32 $0x20000;
	s3 =	simm.s32 $0x10400;
	(pc) =	sbr.rel @p0 .LBB2_1-.Ltmp3, $4  }
0x2e4: {  	[hbm4b:s7+s0] =	stream.strided.scatter [tilespmem:s3], [sflag:$0x2], $0x4000, s1, s0, $0x38;
	[tilespmem:$0x16400] =	vst v63  }
0x2e5: {  	_ =	swait.ge [sflag:s11], $0x4000  }
0x2e6: {  	[sflag:s11] =	ssyncset.done $0x0  }
0x2e7: {  	[sflag:s11] =	ssyncadd.s32 $0xFFFFC000  }
0x2e8: {  	_ =	sfence.sel $0x180000  }
0x2e9: {  	[bflag:$0x0] =	sbarrier.arrive $0xFFFF  }
0x2ea: {  	_ =	strace $0x90000047  }
0x2eb: {  	s0 =	stileid.u32;
	[bflag:$0x2] =	sbarrier.arrive $0xFFFF  }
0x2ec: {  	p0 =	sne.s32 s0, $0x0;
	s0 =	rddreg [dreg:$0x4]  }
0x2ed: {  	s0 =	sadd.s32 @!p0 $0x100000, s0  }
0x2ee: {  	[sflag:s0] =	ssyncadd.tile.s32 @!p0 $0x1;
	_ =	shalt  }
.Lfunc_end2:
_tile_overlayer_lowered:
.L_overlay_start_2:
0x2ef: {  	(tag) =	ssettag $0x2  }
0x2f0: {  	s0 =	rddreg [dreg:$0x0];
	s2 =	stileid.u32  }
0x2f1: {  	s1 =	rddreg [dreg:$0x1];
	p0 =	sne.s32 s2, $0x0  }
0x2f2: {  	s3 =	rddreg [dreg:$0x2];
	[bflag:$0x3] =	sbarrier.arrive $0xFFFF;
	s2 =	simm.s32 @!p0 $0x1C02  }
0x2f3: {  	[timem:s3], [sflag:s2] =	dma.local @!p0 [hbm:s0], s1  }
0x2f4: {  	s0 =	simm.s32 @!p0 $0x2  }
0x2f5: {  	_ =	swait.ge @!p0 [sflag:s0], s1  }
0x2f6: {  	s1 =	ssub.s32 @!p0 $0x0, s1;
	[sflag:s0] =	ssyncset.done @!p0 $0x0  }
0x2f7: {  	[sflag:s0] =	ssyncadd.s32 @!p0 s1  }
0x2f8: {  	[bflag:$0x3] =	sbarrier.arrive $0xFFFF  }
0x2f9: {  	_ =	shalt  }

</sc_bundles>
